<compile_context>
chip_gen: v7x
topology: tpu7x:2x2x1
jax: 0.10.2.dev20260603
libtpu: 0.0.44.dev20260713+nightly
codegen_flags: <defaults>
</compile_context>

<pallas_src>
import functools

import jax
import jax.numpy as jnp
from jax import lax
from jax.experimental import pallas as pl
from jax.experimental.pallas import tpu as pltpu
from jax.experimental.pallas import tpu_sc as plsc

B, L, D = 4096, 50, 128
T = B * L
NC, NS = 2, 16
NW = NC * NS
CH = 128
SLICES = (40960,) * 5
TB = 4096



@functools.cache
def _get_sc_gather(ts):
    tpw = ts // NW
    nchunk = tpw // CH
    assert nchunk % 2 == 0 and tpw % CH == 0
    mesh = plsc.VectorSubcoreMesh(core_axis_name="c", subcore_axis_name="s")

    @functools.partial(
        pl.kernel,
        out_type=[
            jax.ShapeDtypeStruct((ts, D), jnp.float32),
            jax.ShapeDtypeStruct((ts, D), jnp.float32),
        ],
        mesh=mesh,
        scratch_types=(
            [pltpu.VMEM((CH,), jnp.int32)] * 4
            + [pltpu.VMEM((CH, D), jnp.float32)] * 4
            + [pltpu.SemaphoreType.DMA] * 12
        ),
    )
    def _sc_gather(user_table, item_table, uidx, iidx, out_u, out_i,
                   ui0, ui1, ii0, ii1, ur0, ur1, ir0, ir1,
                   uis0, uis1, iis0, iis1, ugs0, ugs1, igs0, igs1,
                   uos0, uos1, ios0, ios1):
        wid = lax.axis_index("s") * NC + lax.axis_index("c")
        base = wid * tpw

        U = (user_table, uidx, out_u, (ui0, ui1), (ur0, ur1),
             (uis0, uis1), (ugs0, ugs1), (uos0, uos1))
        I = (item_table, iidx, out_i, (ii0, ii1), (ir0, ir1),
             (iis0, iis1), (igs0, igs1), (ios0, ios1))

        def make_ops(t):
            tbl, idx_hbm, out_hbm, idxs, rows, isems, gsems, osems = t

            def idx_start(p, c):
                off = jnp.minimum(base + c * CH, ts - CH)
                pltpu.async_copy(idx_hbm.at[pl.ds(off, CH)], idxs[p],
                                 isems[p])

            def idx_wait(p):
                pltpu.make_async_copy(idx_hbm.at[pl.ds(0, CH)], idxs[p],
                                      isems[p]).wait()

            def g_start(p):
                pltpu.async_copy(tbl.at[idxs[p]], rows[p], gsems[p])

            def g_wait(p):
                pltpu.make_async_copy(tbl.at[idxs[p]], rows[p],
                                      gsems[p]).wait()

            def o_start(p, c):
                off = pl.multiple_of(base + c * CH, CH)
                pltpu.async_copy(rows[p], out_hbm.at[pl.ds(off, CH)],
                                 osems[p])

            def o_wait(p):
                pltpu.make_async_copy(rows[p], out_hbm.at[pl.ds(0, CH)],
                                      osems[p]).wait()

            return (idx_start, idx_wait, g_start, g_wait, o_start, o_wait)

        u_ops = make_ops(U)
        i_ops = make_ops(I)
        both = (u_ops, i_ops)

        for idx_start, idx_wait, g_start, g_wait, o_start, o_wait in both:
            idx_start(0, 0)
            idx_start(1, 1)
        for idx_start, idx_wait, g_start, g_wait, o_start, o_wait in both:
            idx_wait(0)
            g_start(0)

        def body(i, carry):
            c = 2 * i
            for (idx_start, idx_wait, g_start, g_wait, o_start,
                 o_wait) in both:
                idx_wait(1)
                g_start(1)
            for (idx_start, idx_wait, g_start, g_wait, o_start,
                 o_wait) in both:
                g_wait(0)
                o_start(0, c)
                idx_start(0, c + 2)
            for (idx_start, idx_wait, g_start, g_wait, o_start,
                 o_wait) in both:
                g_wait(1)
                o_start(1, c + 1)
                idx_start(1, c + 3)
            for (idx_start, idx_wait, g_start, g_wait, o_start,
                 o_wait) in both:
                idx_wait(0)
                o_wait(0)
                g_start(0)
            for (idx_start, idx_wait, g_start, g_wait, o_start,
                 o_wait) in both:
                o_wait(1)
            return carry

        lax.fori_loop(0, nchunk // 2, body, 0)
        for idx_start, idx_wait, g_start, g_wait, o_start, o_wait in both:
            g_wait(0)
            idx_wait(1)

    return _sc_gather


_DN = (((1,), (1,)), ((), ()))


def _mlp_body(u_ref, i_ref, w1u_ref, w1i_ref, b1_ref, w2_ref, b2_ref,
              w3_ref, b3_ref, w4_ref, b4_ref, out_ref):
    u = u_ref[...].astype(jnp.bfloat16)
    it = i_ref[...].astype(jnp.bfloat16)
    h = lax.dot_general(w1u_ref[...], u, _DN,
                        preferred_element_type=jnp.float32)
    h = h + lax.dot_general(w1i_ref[...], it, _DN,
                            preferred_element_type=jnp.float32)
    h = jax.nn.relu(h + b1_ref[...])
    h = jnp.dot(w2_ref[...], h.astype(jnp.bfloat16),
                preferred_element_type=jnp.float32)
    h = jax.nn.relu(h + b2_ref[...])
    h = jnp.dot(w3_ref[...], h.astype(jnp.bfloat16),
                preferred_element_type=jnp.float32)
    h = jax.nn.relu(h + b3_ref[...])
    lg = jnp.dot(w4_ref[...], h.astype(jnp.bfloat16),
                 preferred_element_type=jnp.float32)
    lg = lg[0:1] + b4_ref[0, 0]
    out_ref[...] = jax.nn.sigmoid(lg).reshape(1, 1, TB)


def _mk_mlp_specs(ts):
    return dict(
        in_specs=[
            pl.BlockSpec((TB, D), lambda g: (g, 0)),
            pl.BlockSpec((TB, D), lambda g: (g, 0)),
            pl.BlockSpec((256, D), lambda g: (0, 0)),
            pl.BlockSpec((256, D), lambda g: (0, 0)),
            pl.BlockSpec((256, 1), lambda g: (0, 0)),
            pl.BlockSpec((D, 256), lambda g: (0, 0)),
            pl.BlockSpec((D, 1), lambda g: (0, 0)),
            pl.BlockSpec((64, D), lambda g: (0, 0)),
            pl.BlockSpec((64, 1), lambda g: (0, 0)),
            pl.BlockSpec((8, 64), lambda g: (0, 0)),
            pl.BlockSpec(memory_space=pltpu.SMEM),
        ],
        out_specs=pl.BlockSpec((1, 1, TB), lambda g: (g, 0, 0)),
        out_shape=jax.ShapeDtypeStruct((ts // TB, 1, TB), jnp.float32),
    )


@functools.cache
def _get_mlp(ts):
    return pl.pallas_call(_mlp_body, grid=(ts // TB,), **_mk_mlp_specs(ts))


def kernel(user_matrix, item_matrix, user_table, item_table,
           W1, b1, W2, b2, W3, b3, W4, b4):
    uidx = user_matrix.reshape(-1).astype(jnp.int32)
    iidx = item_matrix.reshape(-1).astype(jnp.int32)

    w1b = W1.astype(jnp.bfloat16)
    w1u = w1b[:, :D]
    w1i = w1b[:, D:]
    w2b = W2.astype(jnp.bfloat16)
    w3b = W3.astype(jnp.bfloat16)
    w4b = jnp.broadcast_to(W4, (8, 64)).astype(jnp.bfloat16)
    wargs = (w1u, w1i, b1.reshape(256, 1), w2b, b2.reshape(D, 1),
             w3b, b3.reshape(64, 1), w4b, b4.reshape(1, 1))

    outs = []
    off = 0
    for ts in SLICES:
        u_rows, i_rows = _get_sc_gather(ts)(user_table, item_table,
                                            uidx[off:off + ts],
                                            iidx[off:off + ts])
        outs.append(_get_mlp(ts)(u_rows, i_rows, *wargs).reshape(ts))
        off += ts
    return jnp.concatenate(outs).reshape(B, L)

# --- scband reference (transcript-rebuilt; emitter-appended) ---
"""Pipeline reference for scband-ncf-13168369730127 (READ-ONLY COPY).

The authoritative reference and input builder live on the scoring server;
editing this copy changes nothing except your own understanding.
"""

import jax, jax.numpy as jnp
import numpy as np

B, L = 4096, 50
USER_NUM, ITEM_NUM, D = 100000, 1000000, 128


def setup_inputs(seed: int = 0) -> dict:
    key = jax.random.key(seed)
    ks = jax.random.split(key, 12)
    user_matrix = jax.random.randint(ks[0], (B, L), 0, USER_NUM)
    item_matrix = jax.random.randint(ks[1], (B, L), 0, ITEM_NUM)
    user_table = jax.random.normal(ks[2], (USER_NUM, D), dtype=jnp.float32) * 0.02
    item_table = jax.random.normal(ks[3], (ITEM_NUM, D), dtype=jnp.float32) * 0.02
    W1 = jax.random.normal(ks[4], (256, 2 * D), dtype=jnp.float32) * 0.05
    b1 = jax.random.normal(ks[5], (256,), dtype=jnp.float32) * 0.01
    W2 = jax.random.normal(ks[6], (128, 256), dtype=jnp.float32) * 0.05
    b2 = jax.random.normal(ks[7], (128,), dtype=jnp.float32) * 0.01
    W3 = jax.random.normal(ks[8], (64, 128), dtype=jnp.float32) * 0.05
    b3 = jax.random.normal(ks[9], (64,), dtype=jnp.float32) * 0.01
    W4 = jax.random.normal(ks[10], (1, 64), dtype=jnp.float32) * 0.05
    b4 = jax.random.normal(ks[11], (1,), dtype=jnp.float32) * 0.01
    return {
        'user_matrix': user_matrix, 'item_matrix': item_matrix,
        'user_table': user_table, 'item_table': item_table,
        'W1': W1, 'b1': b1, 'W2': W2, 'b2': b2,
        'W3': W3, 'b3': b3, 'W4': W4, 'b4': b4,
    }


def reference(user_matrix, item_matrix, user_table, item_table, W1, b1, W2, b2, W3, b3, W4, b4):
    # Embedding lookups (gather)
    user_emb = jnp.take(user_table, user_matrix, axis=0)   # [B, L, D]
    item_emb = jnp.take(item_table, item_matrix, axis=0)   # [B, L, D]
    emb = jnp.concatenate([user_emb, item_emb], axis=2)    # [B, L, 2D]
    # MLP (dropout is identity in eval mode)
    h = jax.nn.relu(jnp.dot(emb, W1.T) + b1)
    h = jax.nn.relu(jnp.dot(h, W2.T) + b2)
    h = jax.nn.relu(jnp.dot(h, W3.T) + b3)
    out = jax.nn.sigmoid(jnp.dot(h, W4.T) + b4)            # [B, L, 1]
    return jnp.squeeze(out, axis=2)                        # [B, L]

if __name__ == "__main__":
    import jax
    _d = setup_inputs()
    print(jax.jit(kernel)(*tuple(_d.values())))

</pallas_src>

<mosaic_0001>
#map = affine_map<(d0, d1) -> (0, 0)>
#map1 = affine_map<(d0, d1) -> (0)>
module attributes {stable_mosaic.version = 14 : i64} {
  func.func @_sc_gather(%arg0: i32, %arg1: i32, %arg2: memref<100000x128xf32, #tpu.memory_space<hbm>>, %arg3: memref<1000000x128xf32, #tpu.memory_space<hbm>>, %arg4: memref<40960xi32, #tpu.memory_space<hbm>>, %arg5: memref<40960xi32, #tpu.memory_space<hbm>>, %arg6: memref<40960x128xf32, #tpu.memory_space<hbm>>, %arg7: memref<40960x128xf32, #tpu.memory_space<hbm>>, %arg8: memref<128xi32, #tpu.memory_space<vmem>>, %arg9: memref<128xi32, #tpu.memory_space<vmem>>, %arg10: memref<128xi32, #tpu.memory_space<vmem>>, %arg11: memref<128xi32, #tpu.memory_space<vmem>>, %arg12: memref<128x128xf32, #tpu.memory_space<vmem>>, %arg13: memref<128x128xf32, #tpu.memory_space<vmem>>, %arg14: memref<128x128xf32, #tpu.memory_space<vmem>>, %arg15: memref<128x128xf32, #tpu.memory_space<vmem>>, %arg16: memref<!tpu.dma_semaphore, #tpu.memory_space<semaphore_mem>>, %arg17: memref<!tpu.dma_semaphore, #tpu.memory_space<semaphore_mem>>, %arg18: memref<!tpu.dma_semaphore, #tpu.memory_space<semaphore_mem>>, %arg19: memref<!tpu.dma_semaphore, #tpu.memory_space<semaphore_mem>>, %arg20: memref<!tpu.dma_semaphore, #tpu.memory_space<semaphore_mem>>, %arg21: memref<!tpu.dma_semaphore, #tpu.memory_space<semaphore_mem>>, %arg22: memref<!tpu.dma_semaphore, #tpu.memory_space<semaphore_mem>>, %arg23: memref<!tpu.dma_semaphore, #tpu.memory_space<semaphore_mem>>, %arg24: memref<!tpu.dma_semaphore, #tpu.memory_space<semaphore_mem>>, %arg25: memref<!tpu.dma_semaphore, #tpu.memory_space<semaphore_mem>>, %arg26: memref<!tpu.dma_semaphore, #tpu.memory_space<semaphore_mem>>, %arg27: memref<!tpu.dma_semaphore, #tpu.memory_space<semaphore_mem>>) attributes {dimension_semantics = [#tpu.dimension_semantics<core_parallel>, #tpu.dimension_semantics<subcore_parallel>], iteration_bounds = array<i64: 2, 16>, scalar_prefetch = 0 : i64, scratch_operands = 20 : i64, tpu.core_type = #tpu.core_type<sc_vector_subcore>, window_params = [{transform_indices = #map}, {transform_indices = #map}, {transform_indices = #map1}, {transform_indices = #map1}, {transform_indices = #map}, {transform_indices = #map}]} {
    %mul3A = arith.constant 2 : i32
    %mul3A_0 = arith.muli %arg1, %mul3A : i32
    %add3A = arith.addi %mul3A_0, %arg0 : i32
    %mul3A_1 = arith.constant 1280 : i32
    %mul3A_2 = arith.muli %add3A, %mul3A_1 : i32
    %add3A_3 = arith.constant 0 : i32
    %add3A_4 = arith.addi %mul3A_2, %add3A_3 : i32
    %min3A = arith.constant 40832 : i32
    %min3A_5 = arith.minsi %add3A_4, %min3A : i32
    %dma_start3A = tpu.memref_slice %arg4[%min3A_5] : memref<40960xi32, #tpu.memory_space<hbm>> -> memref<128xi32, #tpu.memory_space<hbm>>
    %dma_start3A_6 = tpu.memref_slice %arg4[%min3A_5] : memref<40960xi32, #tpu.memory_space<hbm>> -> memref<128xi32, #tpu.memory_space<hbm>>
    tpu.enqueue_dma source(%dma_start3A_6 : memref<128xi32, #tpu.memory_space<hbm>>) target(%arg8 : memref<128xi32, #tpu.memory_space<vmem>>) target_semaphore(%arg16 : memref<!tpu.dma_semaphore, #tpu.memory_space<semaphore_mem>>)
    %add3A_7 = arith.constant 128 : i32
    %add3A_8 = arith.addi %mul3A_2, %add3A_7 : i32
    %min3A_9 = arith.constant 40832 : i32
    %min3A_10 = arith.minsi %add3A_8, %min3A_9 : i32
    %dma_start3A_11 = tpu.memref_slice %arg4[%min3A_10] : memref<40960xi32, #tpu.memory_space<hbm>> -> memref<128xi32, #tpu.memory_space<hbm>>
    %dma_start3A_12 = tpu.memref_slice %arg4[%min3A_10] : memref<40960xi32, #tpu.memory_space<hbm>> -> memref<128xi32, #tpu.memory_space<hbm>>
    tpu.enqueue_dma source(%dma_start3A_12 : memref<128xi32, #tpu.memory_space<hbm>>) target(%arg9 : memref<128xi32, #tpu.memory_space<vmem>>) target_semaphore(%arg17 : memref<!tpu.dma_semaphore, #tpu.memory_space<semaphore_mem>>)
    %add3A_13 = arith.constant 0 : i32
    %add3A_14 = arith.addi %mul3A_2, %add3A_13 : i32
    %min3A_15 = arith.constant 40832 : i32
    %min3A_16 = arith.minsi %add3A_14, %min3A_15 : i32
    %dma_start3A_17 = tpu.memref_slice %arg5[%min3A_16] : memref<40960xi32, #tpu.memory_space<hbm>> -> memref<128xi32, #tpu.memory_space<hbm>>
    %dma_start3A_18 = tpu.memref_slice %arg5[%min3A_16] : memref<40960xi32, #tpu.memory_space<hbm>> -> memref<128xi32, #tpu.memory_space<hbm>>
    tpu.enqueue_dma source(%dma_start3A_18 : memref<128xi32, #tpu.memory_space<hbm>>) target(%arg10 : memref<128xi32, #tpu.memory_space<vmem>>) target_semaphore(%arg18 : memref<!tpu.dma_semaphore, #tpu.memory_space<semaphore_mem>>)
    %add3A_19 = arith.constant 128 : i32
    %add3A_20 = arith.addi %mul3A_2, %add3A_19 : i32
    %min3A_21 = arith.constant 40832 : i32
    %min3A_22 = arith.minsi %add3A_20, %min3A_21 : i32
    %dma_start3A_23 = tpu.memref_slice %arg5[%min3A_22] : memref<40960xi32, #tpu.memory_space<hbm>> -> memref<128xi32, #tpu.memory_space<hbm>>
    %dma_start3A_24 = tpu.memref_slice %arg5[%min3A_22] : memref<40960xi32, #tpu.memory_space<hbm>> -> memref<128xi32, #tpu.memory_space<hbm>>
    tpu.enqueue_dma source(%dma_start3A_24 : memref<128xi32, #tpu.memory_space<hbm>>) target(%arg11 : memref<128xi32, #tpu.memory_space<vmem>>) target_semaphore(%arg19 : memref<!tpu.dma_semaphore, #tpu.memory_space<semaphore_mem>>)
    %dma_wait3A = arith.constant 0 : i32
    %dma_wait3A_25 = tpu.memref_slice %arg4[%dma_wait3A] : memref<40960xi32, #tpu.memory_space<hbm>> -> memref<128xi32, #tpu.memory_space<hbm>>
    %dma_wait3A_26 = arith.constant 0 : i32
    %dma_wait3A_27 = tpu.memref_slice %arg4[%dma_wait3A_26] : memref<40960xi32, #tpu.memory_space<hbm>> -> memref<128xi32, #tpu.memory_space<hbm>>
    tpu.wait_dma2 semaphore(%arg16 : memref<!tpu.dma_semaphore, #tpu.memory_space<semaphore_mem>>) src(%dma_wait3A_27 : memref<128xi32, #tpu.memory_space<hbm>>) dst(%arg8 : memref<128xi32, #tpu.memory_space<vmem>>)
    %dma_start3A_28 = arith.constant 0 : i32
    %dma_start3A_29 = arith.constant 0 : i32
    %dma_start3A_30 = tpu.memref_slice %arg2[%dma_start3A_28, %dma_start3A_29] : memref<100000x128xf32, #tpu.memory_space<hbm>> -> memref<100000x128xf32, #tpu.memory_space<hbm>>
    tpu.enqueue_indirect_dma source(%dma_start3A_30 : memref<100000x128xf32, #tpu.memory_space<hbm>>) target(%arg12 : memref<128x128xf32, #tpu.memory_space<vmem>>) offsets(%arg8 : memref<128xi32, #tpu.memory_space<vmem>>) semaphore(%arg20 : memref<!tpu.dma_semaphore, #tpu.memory_space<semaphore_mem>>)
    %dma_wait3A_31 = arith.constant 0 : i32
    %dma_wait3A_32 = tpu.memref_slice %arg5[%dma_wait3A_31] : memref<40960xi32, #tpu.memory_space<hbm>> -> memref<128xi32, #tpu.memory_space<hbm>>
    %dma_wait3A_33 = arith.constant 0 : i32
    %dma_wait3A_34 = tpu.memref_slice %arg5[%dma_wait3A_33] : memref<40960xi32, #tpu.memory_space<hbm>> -> memref<128xi32, #tpu.memory_space<hbm>>
    tpu.wait_dma2 semaphore(%arg18 : memref<!tpu.dma_semaphore, #tpu.memory_space<semaphore_mem>>) src(%dma_wait3A_34 : memref<128xi32, #tpu.memory_space<hbm>>) dst(%arg10 : memref<128xi32, #tpu.memory_space<vmem>>)
    %dma_start3A_35 = arith.constant 0 : i32
    %dma_start3A_36 = arith.constant 0 : i32
    %dma_start3A_37 = tpu.memref_slice %arg3[%dma_start3A_35, %dma_start3A_36] : memref<1000000x128xf32, #tpu.memory_space<hbm>> -> memref<1000000x128xf32, #tpu.memory_space<hbm>>
    tpu.enqueue_indirect_dma source(%dma_start3A_37 : memref<1000000x128xf32, #tpu.memory_space<hbm>>) target(%arg14 : memref<128x128xf32, #tpu.memory_space<vmem>>) offsets(%arg10 : memref<128xi32, #tpu.memory_space<vmem>>) semaphore(%arg22 : memref<!tpu.dma_semaphore, #tpu.memory_space<semaphore_mem>>)
    %scan3A = arith.constant 0 : i32
    %scan3A_38 = arith.constant 0 : i32
    %scan3A_39 = arith.constant 5 : i32
    %scan3A_40 = arith.addi %scan3A_38, %scan3A_39 : i32
    %scan3A_41 = arith.constant 1 : i32
    scf.for %scan3A_57 = %scan3A_38 to %scan3A_40 step %scan3A_41  : i32 {
      %mul3A_58 = arith.constant 2 : i32
      %mul3A_59 = arith.muli %mul3A_58, %scan3A_57 : i32
      %dma_wait3A_60 = arith.constant 0 : i32
      %dma_wait3A_61 = tpu.memref_slice %arg4[%dma_wait3A_60] : memref<40960xi32, #tpu.memory_space<hbm>> -> memref<128xi32, #tpu.memory_space<hbm>>
      %dma_wait3A_62 = arith.constant 0 : i32
      %dma_wait3A_63 = tpu.memref_slice %arg4[%dma_wait3A_62] : memref<40960xi32, #tpu.memory_space<hbm>> -> memref<128xi32, #tpu.memory_space<hbm>>
      tpu.wait_dma2 semaphore(%arg17 : memref<!tpu.dma_semaphore, #tpu.memory_space<semaphore_mem>>) src(%dma_wait3A_63 : memref<128xi32, #tpu.memory_space<hbm>>) dst(%arg9 : memref<128xi32, #tpu.memory_space<vmem>>)
      %dma_start3A_64 = arith.constant 0 : i32
      %dma_start3A_65 = arith.constant 0 : i32
      %dma_start3A_66 = tpu.memref_slice %arg2[%dma_start3A_64, %dma_start3A_65] : memref<100000x128xf32, #tpu.memory_space<hbm>> -> memref<100000x128xf32, #tpu.memory_space<hbm>>
      tpu.enqueue_indirect_dma source(%dma_start3A_66 : memref<100000x128xf32, #tpu.memory_space<hbm>>) target(%arg13 : memref<128x128xf32, #tpu.memory_space<vmem>>) offsets(%arg9 : memref<128xi32, #tpu.memory_space<vmem>>) semaphore(%arg21 : memref<!tpu.dma_semaphore, #tpu.memory_space<semaphore_mem>>)
      %dma_wait3A_67 = arith.constant 0 : i32
      %dma_wait3A_68 = tpu.memref_slice %arg5[%dma_wait3A_67] : memref<40960xi32, #tpu.memory_space<hbm>> -> memref<128xi32, #tpu.memory_space<hbm>>
      %dma_wait3A_69 = arith.constant 0 : i32
      %dma_wait3A_70 = tpu.memref_slice %arg5[%dma_wait3A_69] : memref<40960xi32, #tpu.memory_space<hbm>> -> memref<128xi32, #tpu.memory_space<hbm>>
      tpu.wait_dma2 semaphore(%arg19 : memref<!tpu.dma_semaphore, #tpu.memory_space<semaphore_mem>>) src(%dma_wait3A_70 : memref<128xi32, #tpu.memory_space<hbm>>) dst(%arg11 : memref<128xi32, #tpu.memory_space<vmem>>)
      %dma_start3A_71 = arith.constant 0 : i32
      %dma_start3A_72 = arith.constant 0 : i32
      %dma_start3A_73 = tpu.memref_slice %arg3[%dma_start3A_71, %dma_start3A_72] : memref<1000000x128xf32, #tpu.memory_space<hbm>> -> memref<1000000x128xf32, #tpu.memory_space<hbm>>
      tpu.enqueue_indirect_dma source(%dma_start3A_73 : memref<1000000x128xf32, #tpu.memory_space<hbm>>) target(%arg15 : memref<128x128xf32, #tpu.memory_space<vmem>>) offsets(%arg11 : memref<128xi32, #tpu.memory_space<vmem>>) semaphore(%arg23 : memref<!tpu.dma_semaphore, #tpu.memory_space<semaphore_mem>>)
      %dma_wait3A_74 = arith.constant 0 : i32
      %dma_wait3A_75 = arith.constant 0 : i32
      %dma_wait3A_76 = tpu.memref_slice %arg2[%dma_wait3A_74, %dma_wait3A_75] : memref<100000x128xf32, #tpu.memory_space<hbm>> -> memref<100000x128xf32, #tpu.memory_space<hbm>>
      tpu.wait_indirect_dma semaphore(%arg20 : memref<!tpu.dma_semaphore, #tpu.memory_space<semaphore_mem>>) src(%dma_wait3A_76 : memref<100000x128xf32, #tpu.memory_space<hbm>>) dst(%arg12 : memref<128x128xf32, #tpu.memory_space<vmem>>)
      %mul3A_77 = arith.constant 128 : i32
      %mul3A_78 = arith.muli %mul3A_59, %mul3A_77 : i32
      %add3A_79 = arith.addi %mul3A_2, %mul3A_78 : i32
      %multiple_of3A = tpu.assume_multiple %add3A_79, 128 : i32
      %dma_start3A_80 = arith.constant 0 : i32
      %dma_start3A_81 = tpu.memref_slice %arg6[%multiple_of3A, %dma_start3A_80] : memref<40960x128xf32, #tpu.memory_space<hbm>> -> memref<128x128xf32, #tpu.memory_space<hbm>>
      %dma_start3A_82 = arith.constant 0 : i32
      %dma_start3A_83 = tpu.memref_slice %arg6[%multiple_of3A, %dma_start3A_82] : memref<40960x128xf32, #tpu.memory_space<hbm>> -> memref<128x128xf32, #tpu.memory_space<hbm>>
      tpu.enqueue_dma source(%arg12 : memref<128x128xf32, #tpu.memory_space<vmem>>) target(%dma_start3A_83 : memref<128x128xf32, #tpu.memory_space<hbm>>) target_semaphore(%arg24 : memref<!tpu.dma_semaphore, #tpu.memory_space<semaphore_mem>>)
      %add3A_84 = arith.constant 2 : i32
      %add3A_85 = arith.addi %mul3A_59, %add3A_84 : i32
      %mul3A_86 = arith.constant 128 : i32
      %mul3A_87 = arith.muli %add3A_85, %mul3A_86 : i32
      %add3A_88 = arith.addi %mul3A_2, %mul3A_87 : i32
      %min3A_89 = arith.constant 40832 : i32
      %min3A_90 = arith.minsi %add3A_88, %min3A_89 : i32
      %dma_start3A_91 = tpu.memref_slice %arg4[%min3A_90] : memref<40960xi32, #tpu.memory_space<hbm>> -> memref<128xi32, #tpu.memory_space<hbm>>
      %dma_start3A_92 = tpu.memref_slice %arg4[%min3A_90] : memref<40960xi32, #tpu.memory_space<hbm>> -> memref<128xi32, #tpu.memory_space<hbm>>
      tpu.enqueue_dma source(%dma_start3A_92 : memref<128xi32, #tpu.memory_space<hbm>>) target(%arg8 : memref<128xi32, #tpu.memory_space<vmem>>) target_semaphore(%arg16 : memref<!tpu.dma_semaphore, #tpu.memory_space<semaphore_mem>>)
      %dma_wait3A_93 = arith.constant 0 : i32
      %dma_wait3A_94 = arith.constant 0 : i32
      %dma_wait3A_95 = tpu.memref_slice %arg3[%dma_wait3A_93, %dma_wait3A_94] : memref<1000000x128xf32, #tpu.memory_space<hbm>> -> memref<1000000x128xf32, #tpu.memory_space<hbm>>
      tpu.wait_indirect_dma semaphore(%arg22 : memref<!tpu.dma_semaphore, #tpu.memory_space<semaphore_mem>>) src(%dma_wait3A_95 : memref<1000000x128xf32, #tpu.memory_space<hbm>>) dst(%arg14 : memref<128x128xf32, #tpu.memory_space<vmem>>)
      %mul3A_96 = arith.constant 128 : i32
      %mul3A_97 = arith.muli %mul3A_59, %mul3A_96 : i32
      %add3A_98 = arith.addi %mul3A_2, %mul3A_97 : i32
      %multiple_of3A_99 = tpu.assume_multiple %add3A_98, 128 : i32
      %dma_start3A_100 = arith.constant 0 : i32
      %dma_start3A_101 = tpu.memref_slice %arg7[%multiple_of3A_99, %dma_start3A_100] : memref<40960x128xf32, #tpu.memory_space<hbm>> -> memref<128x128xf32, #tpu.memory_space<hbm>>
      %dma_start3A_102 = arith.constant 0 : i32
      %dma_start3A_103 = tpu.memref_slice %arg7[%multiple_of3A_99, %dma_start3A_102] : memref<40960x128xf32, #tpu.memory_space<hbm>> -> memref<128x128xf32, #tpu.memory_space<hbm>>
      tpu.enqueue_dma source(%arg14 : memref<128x128xf32, #tpu.memory_space<vmem>>) target(%dma_start3A_103 : memref<128x128xf32, #tpu.memory_space<hbm>>) target_semaphore(%arg26 : memref<!tpu.dma_semaphore, #tpu.memory_space<semaphore_mem>>)
      %add3A_104 = arith.constant 2 : i32
      %add3A_105 = arith.addi %mul3A_59, %add3A_104 : i32
      %mul3A_106 = arith.constant 128 : i32
      %mul3A_107 = arith.muli %add3A_105, %mul3A_106 : i32
      %add3A_108 = arith.addi %mul3A_2, %mul3A_107 : i32
      %min3A_109 = arith.constant 40832 : i32
      %min3A_110 = arith.minsi %add3A_108, %min3A_109 : i32
      %dma_start3A_111 = tpu.memref_slice %arg5[%min3A_110] : memref<40960xi32, #tpu.memory_space<hbm>> -> memref<128xi32, #tpu.memory_space<hbm>>
      %dma_start3A_112 = tpu.memref_slice %arg5[%min3A_110] : memref<40960xi32, #tpu.memory_space<hbm>> -> memref<128xi32, #tpu.memory_space<hbm>>
      tpu.enqueue_dma source(%dma_start3A_112 : memref<128xi32, #tpu.memory_space<hbm>>) target(%arg10 : memref<128xi32, #tpu.memory_space<vmem>>) target_semaphore(%arg18 : memref<!tpu.dma_semaphore, #tpu.memory_space<semaphore_mem>>)
      %dma_wait3A_113 = arith.constant 0 : i32
      %dma_wait3A_114 = arith.constant 0 : i32
      %dma_wait3A_115 = tpu.memref_slice %arg2[%dma_wait3A_113, %dma_wait3A_114] : memref<100000x128xf32, #tpu.memory_space<hbm>> -> memref<100000x128xf32, #tpu.memory_space<hbm>>
      tpu.wait_indirect_dma semaphore(%arg21 : memref<!tpu.dma_semaphore, #tpu.memory_space<semaphore_mem>>) src(%dma_wait3A_115 : memref<100000x128xf32, #tpu.memory_space<hbm>>) dst(%arg13 : memref<128x128xf32, #tpu.memory_space<vmem>>)
      %add3A_116 = arith.constant 1 : i32
      %add3A_117 = arith.addi %mul3A_59, %add3A_116 : i32
      %mul3A_118 = arith.constant 128 : i32
      %mul3A_119 = arith.muli %add3A_117, %mul3A_118 : i32
      %add3A_120 = arith.addi %mul3A_2, %mul3A_119 : i32
      %multiple_of3A_121 = tpu.assume_multiple %add3A_120, 128 : i32
      %dma_start3A_122 = arith.constant 0 : i32
      %dma_start3A_123 = tpu.memref_slice %arg6[%multiple_of3A_121, %dma_start3A_122] : memref<40960x128xf32, #tpu.memory_space<hbm>> -> memref<128x128xf32, #tpu.memory_space<hbm>>
      %dma_start3A_124 = arith.constant 0 : i32
      %dma_start3A_125 = tpu.memref_slice %arg6[%multiple_of3A_121, %dma_start3A_124] : memref<40960x128xf32, #tpu.memory_space<hbm>> -> memref<128x128xf32, #tpu.memory_space<hbm>>
      tpu.enqueue_dma source(%arg13 : memref<128x128xf32, #tpu.memory_space<vmem>>) target(%dma_start3A_125 : memref<128x128xf32, #tpu.memory_space<hbm>>) target_semaphore(%arg25 : memref<!tpu.dma_semaphore, #tpu.memory_space<semaphore_mem>>)
      %add3A_126 = arith.constant 3 : i32
      %add3A_127 = arith.addi %mul3A_59, %add3A_126 : i32
      %mul3A_128 = arith.constant 128 : i32
      %mul3A_129 = arith.muli %add3A_127, %mul3A_128 : i32
      %add3A_130 = arith.addi %mul3A_2, %mul3A_129 : i32
      %min3A_131 = arith.constant 40832 : i32
      %min3A_132 = arith.minsi %add3A_130, %min3A_131 : i32
      %dma_start3A_133 = tpu.memref_slice %arg4[%min3A_132] : memref<40960xi32, #tpu.memory_space<hbm>> -> memref<128xi32, #tpu.memory_space<hbm>>
      %dma_start3A_134 = tpu.memref_slice %arg4[%min3A_132] : memref<40960xi32, #tpu.memory_space<hbm>> -> memref<128xi32, #tpu.memory_space<hbm>>
      tpu.enqueue_dma source(%dma_start3A_134 : memref<128xi32, #tpu.memory_space<hbm>>) target(%arg9 : memref<128xi32, #tpu.memory_space<vmem>>) target_semaphore(%arg17 : memref<!tpu.dma_semaphore, #tpu.memory_space<semaphore_mem>>)
      %dma_wait3A_135 = arith.constant 0 : i32
      %dma_wait3A_136 = arith.constant 0 : i32
      %dma_wait3A_137 = tpu.memref_slice %arg3[%dma_wait3A_135, %dma_wait3A_136] : memref<1000000x128xf32, #tpu.memory_space<hbm>> -> memref<1000000x128xf32, #tpu.memory_space<hbm>>
      tpu.wait_indirect_dma semaphore(%arg23 : memref<!tpu.dma_semaphore, #tpu.memory_space<semaphore_mem>>) src(%dma_wait3A_137 : memref<1000000x128xf32, #tpu.memory_space<hbm>>) dst(%arg15 : memref<128x128xf32, #tpu.memory_space<vmem>>)
      %add3A_138 = arith.constant 1 : i32
      %add3A_139 = arith.addi %mul3A_59, %add3A_138 : i32
      %mul3A_140 = arith.constant 128 : i32
      %mul3A_141 = arith.muli %add3A_139, %mul3A_140 : i32
      %add3A_142 = arith.addi %mul3A_2, %mul3A_141 : i32
      %multiple_of3A_143 = tpu.assume_multiple %add3A_142, 128 : i32
      %dma_start3A_144 = arith.constant 0 : i32
      %dma_start3A_145 = tpu.memref_slice %arg7[%multiple_of3A_143, %dma_start3A_144] : memref<40960x128xf32, #tpu.memory_space<hbm>> -> memref<128x128xf32, #tpu.memory_space<hbm>>
      %dma_start3A_146 = arith.constant 0 : i32
      %dma_start3A_147 = tpu.memref_slice %arg7[%multiple_of3A_143, %dma_start3A_146] : memref<40960x128xf32, #tpu.memory_space<hbm>> -> memref<128x128xf32, #tpu.memory_space<hbm>>
      tpu.enqueue_dma source(%arg15 : memref<128x128xf32, #tpu.memory_space<vmem>>) target(%dma_start3A_147 : memref<128x128xf32, #tpu.memory_space<hbm>>) target_semaphore(%arg27 : memref<!tpu.dma_semaphore, #tpu.memory_space<semaphore_mem>>)
      %add3A_148 = arith.constant 3 : i32
      %add3A_149 = arith.addi %mul3A_59, %add3A_148 : i32
      %mul3A_150 = arith.constant 128 : i32
      %mul3A_151 = arith.muli %add3A_149, %mul3A_150 : i32
      %add3A_152 = arith.addi %mul3A_2, %mul3A_151 : i32
      %min3A_153 = arith.constant 40832 : i32
      %min3A_154 = arith.minsi %add3A_152, %min3A_153 : i32
      %dma_start3A_155 = tpu.memref_slice %arg5[%min3A_154] : memref<40960xi32, #tpu.memory_space<hbm>> -> memref<128xi32, #tpu.memory_space<hbm>>
      %dma_start3A_156 = tpu.memref_slice %arg5[%min3A_154] : memref<40960xi32, #tpu.memory_space<hbm>> -> memref<128xi32, #tpu.memory_space<hbm>>
      tpu.enqueue_dma source(%dma_start3A_156 : memref<128xi32, #tpu.memory_space<hbm>>) target(%arg11 : memref<128xi32, #tpu.memory_space<vmem>>) target_semaphore(%arg19 : memref<!tpu.dma_semaphore, #tpu.memory_space<semaphore_mem>>)
      %dma_wait3A_157 = arith.constant 0 : i32
      %dma_wait3A_158 = tpu.memref_slice %arg4[%dma_wait3A_157] : memref<40960xi32, #tpu.memory_space<hbm>> -> memref<128xi32, #tpu.memory_space<hbm>>
      %dma_wait3A_159 = arith.constant 0 : i32
      %dma_wait3A_160 = tpu.memref_slice %arg4[%dma_wait3A_159] : memref<40960xi32, #tpu.memory_space<hbm>> -> memref<128xi32, #tpu.memory_space<hbm>>
      tpu.wait_dma2 semaphore(%arg16 : memref<!tpu.dma_semaphore, #tpu.memory_space<semaphore_mem>>) src(%dma_wait3A_160 : memref<128xi32, #tpu.memory_space<hbm>>) dst(%arg8 : memref<128xi32, #tpu.memory_space<vmem>>)
      %dma_wait3A_161 = arith.constant 0 : i32
      %dma_wait3A_162 = arith.constant 0 : i32
      %dma_wait3A_163 = tpu.memref_slice %arg6[%dma_wait3A_161, %dma_wait3A_162] : memref<40960x128xf32, #tpu.memory_space<hbm>> -> memref<128x128xf32, #tpu.memory_space<hbm>>
      %dma_wait3A_164 = arith.constant 0 : i32
      %dma_wait3A_165 = arith.constant 0 : i32
      %dma_wait3A_166 = tpu.memref_slice %arg6[%dma_wait3A_164, %dma_wait3A_165] : memref<40960x128xf32, #tpu.memory_space<hbm>> -> memref<128x128xf32, #tpu.memory_space<hbm>>
      tpu.wait_dma2 semaphore(%arg24 : memref<!tpu.dma_semaphore, #tpu.memory_space<semaphore_mem>>) src(%arg12 : memref<128x128xf32, #tpu.memory_space<vmem>>) dst(%dma_wait3A_166 : memref<128x128xf32, #tpu.memory_space<hbm>>)
      %dma_start3A_167 = arith.constant 0 : i32
      %dma_start3A_168 = arith.constant 0 : i32
      %dma_start3A_169 = tpu.memref_slice %arg2[%dma_start3A_167, %dma_start3A_168] : memref<100000x128xf32, #tpu.memory_space<hbm>> -> memref<100000x128xf32, #tpu.memory_space<hbm>>
      tpu.enqueue_indirect_dma source(%dma_start3A_169 : memref<100000x128xf32, #tpu.memory_space<hbm>>) target(%arg12 : memref<128x128xf32, #tpu.memory_space<vmem>>) offsets(%arg8 : memref<128xi32, #tpu.memory_space<vmem>>) semaphore(%arg20 : memref<!tpu.dma_semaphore, #tpu.memory_space<semaphore_mem>>)
      %dma_wait3A_170 = arith.constant 0 : i32
      %dma_wait3A_171 = tpu.memref_slice %arg5[%dma_wait3A_170] : memref<40960xi32, #tpu.memory_space<hbm>> -> memref<128xi32, #tpu.memory_space<hbm>>
      %dma_wait3A_172 = arith.constant 0 : i32
      %dma_wait3A_173 = tpu.memref_slice %arg5[%dma_wait3A_172] : memref<40960xi32, #tpu.memory_space<hbm>> -> memref<128xi32, #tpu.memory_space<hbm>>
      tpu.wait_dma2 semaphore(%arg18 : memref<!tpu.dma_semaphore, #tpu.memory_space<semaphore_mem>>) src(%dma_wait3A_173 : memref<128xi32, #tpu.memory_space<hbm>>) dst(%arg10 : memref<128xi32, #tpu.memory_space<vmem>>)
      %dma_wait3A_174 = arith.constant 0 : i32
      %dma_wait3A_175 = arith.constant 0 : i32
      %dma_wait3A_176 = tpu.memref_slice %arg7[%dma_wait3A_174, %dma_wait3A_175] : memref<40960x128xf32, #tpu.memory_space<hbm>> -> memref<128x128xf32, #tpu.memory_space<hbm>>
      %dma_wait3A_177 = arith.constant 0 : i32
      %dma_wait3A_178 = arith.constant 0 : i32
      %dma_wait3A_179 = tpu.memref_slice %arg7[%dma_wait3A_177, %dma_wait3A_178] : memref<40960x128xf32, #tpu.memory_space<hbm>> -> memref<128x128xf32, #tpu.memory_space<hbm>>
      tpu.wait_dma2 semaphore(%arg26 : memref<!tpu.dma_semaphore, #tpu.memory_space<semaphore_mem>>) src(%arg14 : memref<128x128xf32, #tpu.memory_space<vmem>>) dst(%dma_wait3A_179 : memref<128x128xf32, #tpu.memory_space<hbm>>)
      %dma_start3A_180 = arith.constant 0 : i32
      %dma_start3A_181 = arith.constant 0 : i32
      %dma_start3A_182 = tpu.memref_slice %arg3[%dma_start3A_180, %dma_start3A_181] : memref<1000000x128xf32, #tpu.memory_space<hbm>> -> memref<1000000x128xf32, #tpu.memory_space<hbm>>
      tpu.enqueue_indirect_dma source(%dma_start3A_182 : memref<1000000x128xf32, #tpu.memory_space<hbm>>) target(%arg14 : memref<128x128xf32, #tpu.memory_space<vmem>>) offsets(%arg10 : memref<128xi32, #tpu.memory_space<vmem>>) semaphore(%arg22 : memref<!tpu.dma_semaphore, #tpu.memory_space<semaphore_mem>>)
      %dma_wait3A_183 = arith.constant 0 : i32
      %dma_wait3A_184 = arith.constant 0 : i32
      %dma_wait3A_185 = tpu.memref_slice %arg6[%dma_wait3A_183, %dma_wait3A_184] : memref<40960x128xf32, #tpu.memory_space<hbm>> -> memref<128x128xf32, #tpu.memory_space<hbm>>
      %dma_wait3A_186 = arith.constant 0 : i32
      %dma_wait3A_187 = arith.constant 0 : i32
      %dma_wait3A_188 = tpu.memref_slice %arg6[%dma_wait3A_186, %dma_wait3A_187] : memref<40960x128xf32, #tpu.memory_space<hbm>> -> memref<128x128xf32, #tpu.memory_space<hbm>>
      tpu.wait_dma2 semaphore(%arg25 : memref<!tpu.dma_semaphore, #tpu.memory_space<semaphore_mem>>) src(%arg13 : memref<128x128xf32, #tpu.memory_space<vmem>>) dst(%dma_wait3A_188 : memref<128x128xf32, #tpu.memory_space<hbm>>)
      %dma_wait3A_189 = arith.constant 0 : i32
      %dma_wait3A_190 = arith.constant 0 : i32
      %dma_wait3A_191 = tpu.memref_slice %arg7[%dma_wait3A_189, %dma_wait3A_190] : memref<40960x128xf32, #tpu.memory_space<hbm>> -> memref<128x128xf32, #tpu.memory_space<hbm>>
      %dma_wait3A_192 = arith.constant 0 : i32
      %dma_wait3A_193 = arith.constant 0 : i32
      %dma_wait3A_194 = tpu.memref_slice %arg7[%dma_wait3A_192, %dma_wait3A_193] : memref<40960x128xf32, #tpu.memory_space<hbm>> -> memref<128x128xf32, #tpu.memory_space<hbm>>
      tpu.wait_dma2 semaphore(%arg27 : memref<!tpu.dma_semaphore, #tpu.memory_space<semaphore_mem>>) src(%arg15 : memref<128x128xf32, #tpu.memory_space<vmem>>) dst(%dma_wait3A_194 : memref<128x128xf32, #tpu.memory_space<hbm>>)
    }
    %scan3A_42 = arith.constant 5 : i32
    %dma_wait3A_43 = arith.constant 0 : i32
    %dma_wait3A_44 = arith.constant 0 : i32
    %dma_wait3A_45 = tpu.memref_slice %arg2[%dma_wait3A_43, %dma_wait3A_44] : memref<100000x128xf32, #tpu.memory_space<hbm>> -> memref<100000x128xf32, #tpu.memory_space<hbm>>
    tpu.wait_indirect_dma semaphore(%arg20 : memref<!tpu.dma_semaphore, #tpu.memory_space<semaphore_mem>>) src(%dma_wait3A_45 : memref<100000x128xf32, #tpu.memory_space<hbm>>) dst(%arg12 : memref<128x128xf32, #tpu.memory_space<vmem>>)
    %dma_wait3A_46 = arith.constant 0 : i32
    %dma_wait3A_47 = tpu.memref_slice %arg4[%dma_wait3A_46] : memref<40960xi32, #tpu.memory_space<hbm>> -> memref<128xi32, #tpu.memory_space<hbm>>
    %dma_wait3A_48 = arith.constant 0 : i32
    %dma_wait3A_49 = tpu.memref_slice %arg4[%dma_wait3A_48] : memref<40960xi32, #tpu.memory_space<hbm>> -> memref<128xi32, #tpu.memory_space<hbm>>
    tpu.wait_dma2 semaphore(%arg17 : memref<!tpu.dma_semaphore, #tpu.memory_space<semaphore_mem>>) src(%dma_wait3A_49 : memref<128xi32, #tpu.memory_space<hbm>>) dst(%arg9 : memref<128xi32, #tpu.memory_space<vmem>>)
    %dma_wait3A_50 = arith.constant 0 : i32
    %dma_wait3A_51 = arith.constant 0 : i32
    %dma_wait3A_52 = tpu.memref_slice %arg3[%dma_wait3A_50, %dma_wait3A_51] : memref<1000000x128xf32, #tpu.memory_space<hbm>> -> memref<1000000x128xf32, #tpu.memory_space<hbm>>
    tpu.wait_indirect_dma semaphore(%arg22 : memref<!tpu.dma_semaphore, #tpu.memory_space<semaphore_mem>>) src(%dma_wait3A_52 : memref<1000000x128xf32, #tpu.memory_space<hbm>>) dst(%arg14 : memref<128x128xf32, #tpu.memory_space<vmem>>)
    %dma_wait3A_53 = arith.constant 0 : i32
    %dma_wait3A_54 = tpu.memref_slice %arg5[%dma_wait3A_53] : memref<40960xi32, #tpu.memory_space<hbm>> -> memref<128xi32, #tpu.memory_space<hbm>>
    %dma_wait3A_55 = arith.constant 0 : i32
    %dma_wait3A_56 = tpu.memref_slice %arg5[%dma_wait3A_55] : memref<40960xi32, #tpu.memory_space<hbm>> -> memref<128xi32, #tpu.memory_space<hbm>>
    tpu.wait_dma2 semaphore(%arg19 : memref<!tpu.dma_semaphore, #tpu.memory_space<semaphore_mem>>) src(%dma_wait3A_56 : memref<128xi32, #tpu.memory_space<hbm>>) dst(%arg11 : memref<128xi32, #tpu.memory_space<vmem>>)
    return
  }
}

#map = affine_map<(d0, d1) -> (0, 0)>
#map1 = affine_map<(d0, d1) -> (0)>
module attributes {stable_mosaic.version = 14 : i64} {
  func.func @_sc_gather(%arg0: i32, %arg1: i32, %arg2: memref<100000x128xf32, #tpu.memory_space<hbm>>, %arg3: memref<1000000x128xf32, #tpu.memory_space<hbm>>, %arg4: memref<40960xi32, #tpu.memory_space<hbm>>, %arg5: memref<40960xi32, #tpu.memory_space<hbm>>, %arg6: memref<40960x128xf32, #tpu.memory_space<hbm>>, %arg7: memref<40960x128xf32, #tpu.memory_space<hbm>>, %arg8: memref<128xi32, #tpu.memory_space<vmem>>, %arg9: memref<128xi32, #tpu.memory_space<vmem>>, %arg10: memref<128xi32, #tpu.memory_space<vmem>>, %arg11: memref<128xi32, #tpu.memory_space<vmem>>, %arg12: memref<128x128xf32, #tpu.memory_space<vmem>>, %arg13: memref<128x128xf32, #tpu.memory_space<vmem>>, %arg14: memref<128x128xf32, #tpu.memory_space<vmem>>, %arg15: memref<128x128xf32, #tpu.memory_space<vmem>>, %arg16: memref<!tpu.dma_semaphore, #tpu.memory_space<semaphore_mem>>, %arg17: memref<!tpu.dma_semaphore, #tpu.memory_space<semaphore_mem>>, %arg18: memref<!tpu.dma_semaphore, #tpu.memory_space<semaphore_mem>>, %arg19: memref<!tpu.dma_semaphore, #tpu.memory_space<semaphore_mem>>, %arg20: memref<!tpu.dma_semaphore, #tpu.memory_space<semaphore_mem>>, %arg21: memref<!tpu.dma_semaphore, #tpu.memory_space<semaphore_mem>>, %arg22: memref<!tpu.dma_semaphore, #tpu.memory_space<semaphore_mem>>, %arg23: memref<!tpu.dma_semaphore, #tpu.memory_space<semaphore_mem>>, %arg24: memref<!tpu.dma_semaphore, #tpu.memory_space<semaphore_mem>>, %arg25: memref<!tpu.dma_semaphore, #tpu.memory_space<semaphore_mem>>, %arg26: memref<!tpu.dma_semaphore, #tpu.memory_space<semaphore_mem>>, %arg27: memref<!tpu.dma_semaphore, #tpu.memory_space<semaphore_mem>>) attributes {dimension_semantics = [#tpu.dimension_semantics<core_parallel>, #tpu.dimension_semantics<subcore_parallel>], iteration_bounds = array<i64: 2, 16>, scalar_prefetch = 0 : i64, scratch_operands = 20 : i64, tpu.core_type = #tpu.core_type<sc_vector_subcore>, window_params = [{transform_indices = #map}, {transform_indices = #map}, {transform_indices = #map1}, {transform_indices = #map1}, {transform_indices = #map}, {transform_indices = #map}]} {
    %mul3A = arith.constant 2 : i32
    %mul3A_0 = arith.muli %arg1, %mul3A : i32
    %add3A = arith.addi %mul3A_0, %arg0 : i32
    %mul3A_1 = arith.constant 1280 : i32
    %mul3A_2 = arith.muli %add3A, %mul3A_1 : i32
    %add3A_3 = arith.constant 0 : i32
    %add3A_4 = arith.addi %mul3A_2, %add3A_3 : i32
    %min3A = arith.constant 40832 : i32
    %min3A_5 = arith.minsi %add3A_4, %min3A : i32
    %dma_start3A = tpu.memref_slice %arg4[%min3A_5] : memref<40960xi32, #tpu.memory_space<hbm>> -> memref<128xi32, #tpu.memory_space<hbm>>
    %dma_start3A_6 = tpu.memref_slice %arg4[%min3A_5] : memref<40960xi32, #tpu.memory_space<hbm>> -> memref<128xi32, #tpu.memory_space<hbm>>
    tpu.enqueue_dma source(%dma_start3A_6 : memref<128xi32, #tpu.memory_space<hbm>>) target(%arg8 : memref<128xi32, #tpu.memory_space<vmem>>) target_semaphore(%arg16 : memref<!tpu.dma_semaphore, #tpu.memory_space<semaphore_mem>>)
    %add3A_7 = arith.constant 128 : i32
    %add3A_8 = arith.addi %mul3A_2, %add3A_7 : i32
    %min3A_9 = arith.constant 40832 : i32
    %min3A_10 = arith.minsi %add3A_8, %min3A_9 : i32
    %dma_start3A_11 = tpu.memref_slice %arg4[%min3A_10] : memref<40960xi32, #tpu.memory_space<hbm>> -> memref<128xi32, #tpu.memory_space<hbm>>
    %dma_start3A_12 = tpu.memref_slice %arg4[%min3A_10] : memref<40960xi32, #tpu.memory_space<hbm>> -> memref<128xi32, #tpu.memory_space<hbm>>
    tpu.enqueue_dma source(%dma_start3A_12 : memref<128xi32, #tpu.memory_space<hbm>>) target(%arg9 : memref<128xi32, #tpu.memory_space<vmem>>) target_semaphore(%arg17 : memref<!tpu.dma_semaphore, #tpu.memory_space<semaphore_mem>>)
    %add3A_13 = arith.constant 0 : i32
    %add3A_14 = arith.addi %mul3A_2, %add3A_13 : i32
    %min3A_15 = arith.constant 40832 : i32
    %min3A_16 = arith.minsi %add3A_14, %min3A_15 : i32
    %dma_start3A_17 = tpu.memref_slice %arg5[%min3A_16] : memref<40960xi32, #tpu.memory_space<hbm>> -> memref<128xi32, #tpu.memory_space<hbm>>
    %dma_start3A_18 = tpu.memref_slice %arg5[%min3A_16] : memref<40960xi32, #tpu.memory_space<hbm>> -> memref<128xi32, #tpu.memory_space<hbm>>
    tpu.enqueue_dma source(%dma_start3A_18 : memref<128xi32, #tpu.memory_space<hbm>>) target(%arg10 : memref<128xi32, #tpu.memory_space<vmem>>) target_semaphore(%arg18 : memref<!tpu.dma_semaphore, #tpu.memory_space<semaphore_mem>>)
    %add3A_19 = arith.constant 128 : i32
    %add3A_20 = arith.addi %mul3A_2, %add3A_19 : i32
    %min3A_21 = arith.constant 40832 : i32
    %min3A_22 = arith.minsi %add3A_20, %min3A_21 : i32
    %dma_start3A_23 = tpu.memref_slice %arg5[%min3A_22] : memref<40960xi32, #tpu.memory_space<hbm>> -> memref<128xi32, #tpu.memory_space<hbm>>
    %dma_start3A_24 = tpu.memref_slice %arg5[%min3A_22] : memref<40960xi32, #tpu.memory_space<hbm>> -> memref<128xi32, #tpu.memory_space<hbm>>
    tpu.enqueue_dma source(%dma_start3A_24 : memref<128xi32, #tpu.memory_space<hbm>>) target(%arg11 : memref<128xi32, #tpu.memory_space<vmem>>) target_semaphore(%arg19 : memref<!tpu.dma_semaphore, #tpu.memory_space<semaphore_mem>>)
    %dma_wait3A = arith.constant 0 : i32
    %dma_wait3A_25 = tpu.memref_slice %arg4[%dma_wait3A] : memref<40960xi32, #tpu.memory_space<hbm>> -> memref<128xi32, #tpu.memory_space<hbm>>
    %dma_wait3A_26 = arith.constant 0 : i32
    %dma_wait3A_27 = tpu.memref_slice %arg4[%dma_wait3A_26] : memref<40960xi32, #tpu.memory_space<hbm>> -> memref<128xi32, #tpu.memory_space<hbm>>
    tpu.wait_dma2 semaphore(%arg16 : memref<!tpu.dma_semaphore, #tpu.memory_space<semaphore_mem>>) src(%dma_wait3A_27 : memref<128xi32, #tpu.memory_space<hbm>>) dst(%arg8 : memref<128xi32, #tpu.memory_space<vmem>>)
    %dma_start3A_28 = arith.constant 0 : i32
    %dma_start3A_29 = arith.constant 0 : i32
    %dma_start3A_30 = tpu.memref_slice %arg2[%dma_start3A_28, %dma_start3A_29] : memref<100000x128xf32, #tpu.memory_space<hbm>> -> memref<100000x128xf32, #tpu.memory_space<hbm>>
    tpu.enqueue_indirect_dma source(%dma_start3A_30 : memref<100000x128xf32, #tpu.memory_space<hbm>>) target(%arg12 : memref<128x128xf32, #tpu.memory_space<vmem>>) offsets(%arg8 : memref<128xi32, #tpu.memory_space<vmem>>) semaphore(%arg20 : memref<!tpu.dma_semaphore, #tpu.memory_space<semaphore_mem>>)
    %dma_wait3A_31 = arith.constant 0 : i32
    %dma_wait3A_32 = tpu.memref_slice %arg5[%dma_wait3A_31] : memref<40960xi32, #tpu.memory_space<hbm>> -> memref<128xi32, #tpu.memory_space<hbm>>
    %dma_wait3A_33 = arith.constant 0 : i32
    %dma_wait3A_34 = tpu.memref_slice %arg5[%dma_wait3A_33] : memref<40960xi32, #tpu.memory_space<hbm>> -> memref<128xi32, #tpu.memory_space<hbm>>
    tpu.wait_dma2 semaphore(%arg18 : memref<!tpu.dma_semaphore, #tpu.memory_space<semaphore_mem>>) src(%dma_wait3A_34 : memref<128xi32, #tpu.memory_space<hbm>>) dst(%arg10 : memref<128xi32, #tpu.memory_space<vmem>>)
    %dma_start3A_35 = arith.constant 0 : i32
    %dma_start3A_36 = arith.constant 0 : i32
    %dma_start3A_37 = tpu.memref_slice %arg3[%dma_start3A_35, %dma_start3A_36] : memref<1000000x128xf32, #tpu.memory_space<hbm>> -> memref<1000000x128xf32, #tpu.memory_space<hbm>>
    tpu.enqueue_indirect_dma source(%dma_start3A_37 : memref<1000000x128xf32, #tpu.memory_space<hbm>>) target(%arg14 : memref<128x128xf32, #tpu.memory_space<vmem>>) offsets(%arg10 : memref<128xi32, #tpu.memory_space<vmem>>) semaphore(%arg22 : memref<!tpu.dma_semaphore, #tpu.memory_space<semaphore_mem>>)
    %scan3A = arith.constant 0 : i32
    %scan3A_38 = arith.constant 0 : i32
    %scan3A_39 = arith.constant 5 : i32
    %scan3A_40 = arith.addi %scan3A_38, %scan3A_39 : i32
    %scan3A_41 = arith.constant 1 : i32
    scf.for %scan3A_57 = %scan3A_38 to %scan3A_40 step %scan3A_41  : i32 {
      %mul3A_58 = arith.constant 2 : i32
      %mul3A_59 = arith.muli %mul3A_58, %scan3A_57 : i32
      %dma_wait3A_60 = arith.constant 0 : i32
      %dma_wait3A_61 = tpu.memref_slice %arg4[%dma_wait3A_60] : memref<40960xi32, #tpu.memory_space<hbm>> -> memref<128xi32, #tpu.memory_space<hbm>>
      %dma_wait3A_62 = arith.constant 0 : i32
      %dma_wait3A_63 = tpu.memref_slice %arg4[%dma_wait3A_62] : memref<40960xi32, #tpu.memory_space<hbm>> -> memref<128xi32, #tpu.memory_space<hbm>>
      tpu.wait_dma2 semaphore(%arg17 : memref<!tpu.dma_semaphore, #tpu.memory_space<semaphore_mem>>) src(%dma_wait3A_63 : memref<128xi32, #tpu.memory_space<hbm>>) dst(%arg9 : memref<128xi32, #tpu.memory_space<vmem>>)
      %dma_start3A_64 = arith.constant 0 : i32
      %dma_start3A_65 = arith.constant 0 : i32
      %dma_start3A_66 = tpu.memref_slice %arg2[%dma_start3A_64, %dma_start3A_65] : memref<100000x128xf32, #tpu.memory_space<hbm>> -> memref<100000x128xf32, #tpu.memory_space<hbm>>
      tpu.enqueue_indirect_dma source(%dma_start3A_66 : memref<100000x128xf32, #tpu.memory_space<hbm>>) target(%arg13 : memref<128x128xf32, #tpu.memory_space<vmem>>) offsets(%arg9 : memref<128xi32, #tpu.memory_space<vmem>>) semaphore(%arg21 : memref<!tpu.dma_semaphore, #tpu.memory_space<semaphore_mem>>)
      %dma_wait3A_67 = arith.constant 0 : i32
      %dma_wait3A_68 = tpu.memref_slice %arg5[%dma_wait3A_67] : memref<40960xi32, #tpu.memory_space<hbm>> -> memref<128xi32, #tpu.memory_space<hbm>>
      %dma_wait3A_69 = arith.constant 0 : i32
      %dma_wait3A_70 = tpu.memref_slice %arg5[%dma_wait3A_69] : memref<40960xi32, #tpu.memory_space<hbm>> -> memref<128xi32, #tpu.memory_space<hbm>>
      tpu.wait_dma2 semaphore(%arg19 : memref<!tpu.dma_semaphore, #tpu.memory_space<semaphore_mem>>) src(%dma_wait3A_70 : memref<128xi32, #tpu.memory_space<hbm>>) dst(%arg11 : memref<128xi32, #tpu.memory_space<vmem>>)
      %dma_start3A_71 = arith.constant 0 : i32
      %dma_start3A_72 = arith.constant 0 : i32
      %dma_start3A_73 = tpu.memref_slice %arg3[%dma_start3A_71, %dma_start3A_72] : memref<1000000x128xf32, #tpu.memory_space<hbm>> -> memref<1000000x128xf32, #tpu.memory_space<hbm>>
      tpu.enqueue_indirect_dma source(%dma_start3A_73 : memref<1000000x128xf32, #tpu.memory_space<hbm>>) target(%arg15 : memref<128x128xf32, #tpu.memory_space<vmem>>) offsets(%arg11 : memref<128xi32, #tpu.memory_space<vmem>>) semaphore(%arg23 : memref<!tpu.dma_semaphore, #tpu.memory_space<semaphore_mem>>)
      %dma_wait3A_74 = arith.constant 0 : i32
      %dma_wait3A_75 = arith.constant 0 : i32
      %dma_wait3A_76 = tpu.memref_slice %arg2[%dma_wait3A_74, %dma_wait3A_75] : memref<100000x128xf32, #tpu.memory_space<hbm>> -> memref<100000x128xf32, #tpu.memory_space<hbm>>
      tpu.wait_indirect_dma semaphore(%arg20 : memref<!tpu.dma_semaphore, #tpu.memory_space<semaphore_mem>>) src(%dma_wait3A_76 : memref<100000x128xf32, #tpu.memory_space<hbm>>) dst(%arg12 : memref<128x128xf32, #tpu.memory_space<vmem>>)
      %mul3A_77 = arith.constant 128 : i32
      %mul3A_78 = arith.muli %mul3A_59, %mul3A_77 : i32
      %add3A_79 = arith.addi %mul3A_2, %mul3A_78 : i32
      %multiple_of3A = tpu.assume_multiple %add3A_79, 128 : i32
      %dma_start3A_80 = arith.constant 0 : i32
      %dma_start3A_81 = tpu.memref_slice %arg6[%multiple_of3A, %dma_start3A_80] : memref<40960x128xf32, #tpu.memory_space<hbm>> -> memref<128x128xf32, #tpu.memory_space<hbm>>
      %dma_start3A_82 = arith.constant 0 : i32
      %dma_start3A_83 = tpu.memref_slice %arg6[%multiple_of3A, %dma_start3A_82] : memref<40960x128xf32, #tpu.memory_space<hbm>> -> memref<128x128xf32, #tpu.memory_space<hbm>>
      tpu.enqueue_dma source(%arg12 : memref<128x128xf32, #tpu.memory_space<vmem>>) target(%dma_start3A_83 : memref<128x128xf32, #tpu.memory_space<hbm>>) target_semaphore(%arg24 : memref<!tpu.dma_semaphore, #tpu.memory_space<semaphore_mem>>)
      %add3A_84 = arith.constant 2 : i32
      %add3A_85 = arith.addi %mul3A_59, %add3A_84 : i32
      %mul3A_86 = arith.constant 128 : i32
      %mul3A_87 = arith.muli %add3A_85, %mul3A_86 : i32
      %add3A_88 = arith.addi %mul3A_2, %mul3A_87 : i32
      %min3A_89 = arith.constant 40832 : i32
      %min3A_90 = arith.minsi %add3A_88, %min3A_89 : i32
      %dma_start3A_91 = tpu.memref_slice %arg4[%min3A_90] : memref<40960xi32, #tpu.memory_space<hbm>> -> memref<128xi32, #tpu.memory_space<hbm>>
      %dma_start3A_92 = tpu.memref_slice %arg4[%min3A_90] : memref<40960xi32, #tpu.memory_space<hbm>> -> memref<128xi32, #tpu.memory_space<hbm>>
      tpu.enqueue_dma source(%dma_start3A_92 : memref<128xi32, #tpu.memory_space<hbm>>) target(%arg8 : memref<128xi32, #tpu.memory_space<vmem>>) target_semaphore(%arg16 : memref<!tpu.dma_semaphore, #tpu.memory_space<semaphore_mem>>)
      %dma_wait3A_93 = arith.constant 0 : i32
      %dma_wait3A_94 = arith.constant 0 : i32
      %dma_wait3A_95 = tpu.memref_slice %arg3[%dma_wait3A_93, %dma_wait3A_94] : memref<1000000x128xf32, #tpu.memory_space<hbm>> -> memref<1000000x128xf32, #tpu.memory_space<hbm>>
      tpu.wait_indirect_dma semaphore(%arg22 : memref<!tpu.dma_semaphore, #tpu.memory_space<semaphore_mem>>) src(%dma_wait3A_95 : memref<1000000x128xf32, #tpu.memory_space<hbm>>) dst(%arg14 : memref<128x128xf32, #tpu.memory_space<vmem>>)
      %mul3A_96 = arith.constant 128 : i32
      %mul3A_97 = arith.muli %mul3A_59, %mul3A_96 : i32
      %add3A_98 = arith.addi %mul3A_2, %mul3A_97 : i32
      %multiple_of3A_99 = tpu.assume_multiple %add3A_98, 128 : i32
      %dma_start3A_100 = arith.constant 0 : i32
      %dma_start3A_101 = tpu.memref_slice %arg7[%multiple_of3A_99, %dma_start3A_100] : memref<40960x128xf32, #tpu.memory_space<hbm>> -> memref<128x128xf32, #tpu.memory_space<hbm>>
      %dma_start3A_102 = arith.constant 0 : i32
      %dma_start3A_103 = tpu.memref_slice %arg7[%multiple_of3A_99, %dma_start3A_102] : memref<40960x128xf32, #tpu.memory_space<hbm>> -> memref<128x128xf32, #tpu.memory_space<hbm>>
      tpu.enqueue_dma source(%arg14 : memref<128x128xf32, #tpu.memory_space<vmem>>) target(%dma_start3A_103 : memref<128x128xf32, #tpu.memory_space<hbm>>) target_semaphore(%arg26 : memref<!tpu.dma_semaphore, #tpu.memory_space<semaphore_mem>>)
      %add3A_104 = arith.constant 2 : i32
      %add3A_105 = arith.addi %mul3A_59, %add3A_104 : i32
      %mul3A_106 = arith.constant 128 : i32
      %mul3A_107 = arith.muli %add3A_105, %mul3A_106 : i32
      %add3A_108 = arith.addi %mul3A_2, %mul3A_107 : i32
      %min3A_109 = arith.constant 40832 : i32
      %min3A_110 = arith.minsi %add3A_108, %min3A_109 : i32
      %dma_start3A_111 = tpu.memref_slice %arg5[%min3A_110] : memref<40960xi32, #tpu.memory_space<hbm>> -> memref<128xi32, #tpu.memory_space<hbm>>
      %dma_start3A_112 = tpu.memref_slice %arg5[%min3A_110] : memref<40960xi32, #tpu.memory_space<hbm>> -> memref<128xi32, #tpu.memory_space<hbm>>
      tpu.enqueue_dma source(%dma_start3A_112 : memref<128xi32, #tpu.memory_space<hbm>>) target(%arg10 : memref<128xi32, #tpu.memory_space<vmem>>) target_semaphore(%arg18 : memref<!tpu.dma_semaphore, #tpu.memory_space<semaphore_mem>>)
      %dma_wait3A_113 = arith.constant 0 : i32
      %dma_wait3A_114 = arith.constant 0 : i32
      %dma_wait3A_115 = tpu.memref_slice %arg2[%dma_wait3A_113, %dma_wait3A_114] : memref<100000x128xf32, #tpu.memory_space<hbm>> -> memref<100000x128xf32, #tpu.memory_space<hbm>>
      tpu.wait_indirect_dma semaphore(%arg21 : memref<!tpu.dma_semaphore, #tpu.memory_space<semaphore_mem>>) src(%dma_wait3A_115 : memref<100000x128xf32, #tpu.memory_space<hbm>>) dst(%arg13 : memref<128x128xf32, #tpu.memory_space<vmem>>)
      %add3A_116 = arith.constant 1 : i32
      %add3A_117 = arith.addi %mul3A_59, %add3A_116 : i32
      %mul3A_118 = arith.constant 128 : i32
      %mul3A_119 = arith.muli %add3A_117, %mul3A_118 : i32
      %add3A_120 = arith.addi %mul3A_2, %mul3A_119 : i32
      %multiple_of3A_121 = tpu.assume_multiple %add3A_120, 128 : i32
      %dma_start3A_122 = arith.constant 0 : i32
      %dma_start3A_123 = tpu.memref_slice %arg6[%multiple_of3A_121, %dma_start3A_122] : memref<40960x128xf32, #tpu.memory_space<hbm>> -> memref<128x128xf32, #tpu.memory_space<hbm>>
      %dma_start3A_124 = arith.constant 0 : i32
      %dma_start3A_125 = tpu.memref_slice %arg6[%multiple_of3A_121, %dma_start3A_124] : memref<40960x128xf32, #tpu.memory_space<hbm>> -> memref<128x128xf32, #tpu.memory_space<hbm>>
      tpu.enqueue_dma source(%arg13 : memref<128x128xf32, #tpu.memory_space<vmem>>) target(%dma_start3A_125 : memref<128x128xf32, #tpu.memory_space<hbm>>) target_semaphore(%arg25 : memref<!tpu.dma_semaphore, #tpu.memory_space<semaphore_mem>>)
      %add3A_126 = arith.constant 3 : i32
      %add3A_127 = arith.addi %mul3A_59, %add3A_126 : i32
      %mul3A_128 = arith.constant 128 : i32
      %mul3A_129 = arith.muli %add3A_127, %mul3A_128 : i32
      %add3A_130 = arith.addi %mul3A_2, %mul3A_129 : i32
      %min3A_131 = arith.constant 40832 : i32
      %min3A_132 = arith.minsi %add3A_130, %min3A_131 : i32
      %dma_start3A_133 = tpu.memref_slice %arg4[%min3A_132] : memref<40960xi32, #tpu.memory_space<hbm>> -> memref<128xi32, #tpu.memory_space<hbm>>
      %dma_start3A_134 = tpu.memref_slice %arg4[%min3A_132] : memref<40960xi32, #tpu.memory_space<hbm>> -> memref<128xi32, #tpu.memory_space<hbm>>
      tpu.enqueue_dma source(%dma_start3A_134 : memref<128xi32, #tpu.memory_space<hbm>>) target(%arg9 : memref<128xi32, #tpu.memory_space<vmem>>) target_semaphore(%arg17 : memref<!tpu.dma_semaphore, #tpu.memory_space<semaphore_mem>>)
      %dma_wait3A_135 = arith.constant 0 : i32
      %dma_wait3A_136 = arith.constant 0 : i32
      %dma_wait3A_137 = tpu.memref_slice %arg3[%dma_wait3A_135, %dma_wait3A_136] : memref<1000000x128xf32, #tpu.memory_space<hbm>> -> memref<1000000x128xf32, #tpu.memory_space<hbm>>
      tpu.wait_indirect_dma semaphore(%arg23 : memref<!tpu.dma_semaphore, #tpu.memory_space<semaphore_mem>>) src(%dma_wait3A_137 : memref<1000000x128xf32, #tpu.memory_space<hbm>>) dst(%arg15 : memref<128x128xf32, #tpu.memory_space<vmem>>)
      %add3A_138 = arith.constant 1 : i32
      %add3A_139 = arith.addi %mul3A_59, %add3A_138 : i32
      %mul3A_140 = arith.constant 128 : i32
      %mul3A_141 = arith.muli %add3A_139, %mul3A_140 : i32
      %add3A_142 = arith.addi %mul3A_2, %mul3A_141 : i32
      %multiple_of3A_143 = tpu.assume_multiple %add3A_142, 128 : i32
      %dma_start3A_144 = arith.constant 0 : i32
      %dma_start3A_145 = tpu.memref_slice %arg7[%multiple_of3A_143, %dma_start3A_144] : memref<40960x128xf32, #tpu.memory_space<hbm>> -> memref<128x128xf32, #tpu.memory_space<hbm>>
      %dma_start3A_146 = arith.constant 0 : i32
      %dma_start3A_147 = tpu.memref_slice %arg7[%multiple_of3A_143, %dma_start3A_146] : memref<40960x128xf32, #tpu.memory_space<hbm>> -> memref<128x128xf32, #tpu.memory_space<hbm>>
      tpu.enqueue_dma source(%arg15 : memref<128x128xf32, #tpu.memory_space<vmem>>) target(%dma_start3A_147 : memref<128x128xf32, #tpu.memory_space<hbm>>) target_semaphore(%arg27 : memref<!tpu.dma_semaphore, #tpu.memory_space<semaphore_mem>>)
      %add3A_148 = arith.constant 3 : i32
      %add3A_149 = arith.addi %mul3A_59, %add3A_148 : i32
      %mul3A_150 = arith.constant 128 : i32
      %mul3A_151 = arith.muli %add3A_149, %mul3A_150 : i32
      %add3A_152 = arith.addi %mul3A_2, %mul3A_151 : i32
      %min3A_153 = arith.constant 40832 : i32
      %min3A_154 = arith.minsi %add3A_152, %min3A_153 : i32
      %dma_start3A_155 = tpu.memref_slice %arg5[%min3A_154] : memref<40960xi32, #tpu.memory_space<hbm>> -> memref<128xi32, #tpu.memory_space<hbm>>
      %dma_start3A_156 = tpu.memref_slice %arg5[%min3A_154] : memref<40960xi32, #tpu.memory_space<hbm>> -> memref<128xi32, #tpu.memory_space<hbm>>
      tpu.enqueue_dma source(%dma_start3A_156 : memref<128xi32, #tpu.memory_space<hbm>>) target(%arg11 : memref<128xi32, #tpu.memory_space<vmem>>) target_semaphore(%arg19 : memref<!tpu.dma_semaphore, #tpu.memory_space<semaphore_mem>>)
      %dma_wait3A_157 = arith.constant 0 : i32
      %dma_wait3A_158 = tpu.memref_slice %arg4[%dma_wait3A_157] : memref<40960xi32, #tpu.memory_space<hbm>> -> memref<128xi32, #tpu.memory_space<hbm>>
      %dma_wait3A_159 = arith.constant 0 : i32
      %dma_wait3A_160 = tpu.memref_slice %arg4[%dma_wait3A_159] : memref<40960xi32, #tpu.memory_space<hbm>> -> memref<128xi32, #tpu.memory_space<hbm>>
      tpu.wait_dma2 semaphore(%arg16 : memref<!tpu.dma_semaphore, #tpu.memory_space<semaphore_mem>>) src(%dma_wait3A_160 : memref<128xi32, #tpu.memory_space<hbm>>) dst(%arg8 : memref<128xi32, #tpu.memory_space<vmem>>)
      %dma_wait3A_161 = arith.constant 0 : i32
      %dma_wait3A_162 = arith.constant 0 : i32
      %dma_wait3A_163 = tpu.memref_slice %arg6[%dma_wait3A_161, %dma_wait3A_162] : memref<40960x128xf32, #tpu.memory_space<hbm>> -> memref<128x128xf32, #tpu.memory_space<hbm>>
      %dma_wait3A_164 = arith.constant 0 : i32
      %dma_wait3A_165 = arith.constant 0 : i32
      %dma_wait3A_166 = tpu.memref_slice %arg6[%dma_wait3A_164, %dma_wait3A_165] : memref<40960x128xf32, #tpu.memory_space<hbm>> -> memref<128x128xf32, #tpu.memory_space<hbm>>
      tpu.wait_dma2 semaphore(%arg24 : memref<!tpu.dma_semaphore, #tpu.memory_space<semaphore_mem>>) src(%arg12 : memref<128x128xf32, #tpu.memory_space<vmem>>) dst(%dma_wait3A_166 : memref<128x128xf32, #tpu.memory_space<hbm>>)
      %dma_start3A_167 = arith.constant 0 : i32
      %dma_start3A_168 = arith.constant 0 : i32
      %dma_start3A_169 = tpu.memref_slice %arg2[%dma_start3A_167, %dma_start3A_168] : memref<100000x128xf32, #tpu.memory_space<hbm>> -> memref<100000x128xf32, #tpu.memory_space<hbm>>
      tpu.enqueue_indirect_dma source(%dma_start3A_169 : memref<100000x128xf32, #tpu.memory_space<hbm>>) target(%arg12 : memref<128x128xf32, #tpu.memory_space<vmem>>) offsets(%arg8 : memref<128xi32, #tpu.memory_space<vmem>>) semaphore(%arg20 : memref<!tpu.dma_semaphore, #tpu.memory_space<semaphore_mem>>)
      %dma_wait3A_170 = arith.constant 0 : i32
      %dma_wait3A_171 = tpu.memref_slice %arg5[%dma_wait3A_170] : memref<40960xi32, #tpu.memory_space<hbm>> -> memref<128xi32, #tpu.memory_space<hbm>>
      %dma_wait3A_172 = arith.constant 0 : i32
      %dma_wait3A_173 = tpu.memref_slice %arg5[%dma_wait3A_172] : memref<40960xi32, #tpu.memory_space<hbm>> -> memref<128xi32, #tpu.memory_space<hbm>>
      tpu.wait_dma2 semaphore(%arg18 : memref<!tpu.dma_semaphore, #tpu.memory_space<semaphore_mem>>) src(%dma_wait3A_173 : memref<128xi32, #tpu.memory_space<hbm>>) dst(%arg10 : memref<128xi32, #tpu.memory_space<vmem>>)
      %dma_wait3A_174 = arith.constant 0 : i32
      %dma_wait3A_175 = arith.constant 0 : i32
      %dma_wait3A_176 = tpu.memref_slice %arg7[%dma_wait3A_174, %dma_wait3A_175] : memref<40960x128xf32, #tpu.memory_space<hbm>> -> memref<128x128xf32, #tpu.memory_space<hbm>>
      %dma_wait3A_177 = arith.constant 0 : i32
      %dma_wait3A_178 = arith.constant 0 : i32
      %dma_wait3A_179 = tpu.memref_slice %arg7[%dma_wait3A_177, %dma_wait3A_178] : memref<40960x128xf32, #tpu.memory_space<hbm>> -> memref<128x128xf32, #tpu.memory_space<hbm>>
      tpu.wait_dma2 semaphore(%arg26 : memref<!tpu.dma_semaphore, #tpu.memory_space<semaphore_mem>>) src(%arg14 : memref<128x128xf32, #tpu.memory_space<vmem>>) dst(%dma_wait3A_179 : memref<128x128xf32, #tpu.memory_space<hbm>>)
      %dma_start3A_180 = arith.constant 0 : i32
      %dma_start3A_181 = arith.constant 0 : i32
      %dma_start3A_182 = tpu.memref_slice %arg3[%dma_start3A_180, %dma_start3A_181] : memref<1000000x128xf32, #tpu.memory_space<hbm>> -> memref<1000000x128xf32, #tpu.memory_space<hbm>>
      tpu.enqueue_indirect_dma source(%dma_start3A_182 : memref<1000000x128xf32, #tpu.memory_space<hbm>>) target(%arg14 : memref<128x128xf32, #tpu.memory_space<vmem>>) offsets(%arg10 : memref<128xi32, #tpu.memory_space<vmem>>) semaphore(%arg22 : memref<!tpu.dma_semaphore, #tpu.memory_space<semaphore_mem>>)
      %dma_wait3A_183 = arith.constant 0 : i32
      %dma_wait3A_184 = arith.constant 0 : i32
      %dma_wait3A_185 = tpu.memref_slice %arg6[%dma_wait3A_183, %dma_wait3A_184] : memref<40960x128xf32, #tpu.memory_space<hbm>> -> memref<128x128xf32, #tpu.memory_space<hbm>>
      %dma_wait3A_186 = arith.constant 0 : i32
      %dma_wait3A_187 = arith.constant 0 : i32
      %dma_wait3A_188 = tpu.memref_slice %arg6[%dma_wait3A_186, %dma_wait3A_187] : memref<40960x128xf32, #tpu.memory_space<hbm>> -> memref<128x128xf32, #tpu.memory_space<hbm>>
      tpu.wait_dma2 semaphore(%arg25 : memref<!tpu.dma_semaphore, #tpu.memory_space<semaphore_mem>>) src(%arg13 : memref<128x128xf32, #tpu.memory_space<vmem>>) dst(%dma_wait3A_188 : memref<128x128xf32, #tpu.memory_space<hbm>>)
      %dma_wait3A_189 = arith.constant 0 : i32
      %dma_wait3A_190 = arith.constant 0 : i32
      %dma_wait3A_191 = tpu.memref_slice %arg7[%dma_wait3A_189, %dma_wait3A_190] : memref<40960x128xf32, #tpu.memory_space<hbm>> -> memref<128x128xf32, #tpu.memory_space<hbm>>
      %dma_wait3A_192 = arith.constant 0 : i32
      %dma_wait3A_193 = arith.constant 0 : i32
      %dma_wait3A_194 = tpu.memref_slice %arg7[%dma_wait3A_192, %dma_wait3A_193] : memref<40960x128xf32, #tpu.memory_space<hbm>> -> memref<128x128xf32, #tpu.memory_space<hbm>>
      tpu.wait_dma2 semaphore(%arg27 : memref<!tpu.dma_semaphore, #tpu.memory_space<semaphore_mem>>) src(%arg15 : memref<128x128xf32, #tpu.memory_space<vmem>>) dst(%dma_wait3A_194 : memref<128x128xf32, #tpu.memory_space<hbm>>)
    }
    %scan3A_42 = arith.constant 5 : i32
    %dma_wait3A_43 = arith.constant 0 : i32
    %dma_wait3A_44 = arith.constant 0 : i32
    %dma_wait3A_45 = tpu.memref_slice %arg2[%dma_wait3A_43, %dma_wait3A_44] : memref<100000x128xf32, #tpu.memory_space<hbm>> -> memref<100000x128xf32, #tpu.memory_space<hbm>>
    tpu.wait_indirect_dma semaphore(%arg20 : memref<!tpu.dma_semaphore, #tpu.memory_space<semaphore_mem>>) src(%dma_wait3A_45 : memref<100000x128xf32, #tpu.memory_space<hbm>>) dst(%arg12 : memref<128x128xf32, #tpu.memory_space<vmem>>)
    %dma_wait3A_46 = arith.constant 0 : i32
    %dma_wait3A_47 = tpu.memref_slice %arg4[%dma_wait3A_46] : memref<40960xi32, #tpu.memory_space<hbm>> -> memref<128xi32, #tpu.memory_space<hbm>>
    %dma_wait3A_48 = arith.constant 0 : i32
    %dma_wait3A_49 = tpu.memref_slice %arg4[%dma_wait3A_48] : memref<40960xi32, #tpu.memory_space<hbm>> -> memref<128xi32, #tpu.memory_space<hbm>>
    tpu.wait_dma2 semaphore(%arg17 : memref<!tpu.dma_semaphore, #tpu.memory_space<semaphore_mem>>) src(%dma_wait3A_49 : memref<128xi32, #tpu.memory_space<hbm>>) dst(%arg9 : memref<128xi32, #tpu.memory_space<vmem>>)
    %dma_wait3A_50 = arith.constant 0 : i32
    %dma_wait3A_51 = arith.constant 0 : i32
    %dma_wait3A_52 = tpu.memref_slice %arg3[%dma_wait3A_50, %dma_wait3A_51] : memref<1000000x128xf32, #tpu.memory_space<hbm>> -> memref<1000000x128xf32, #tpu.memory_space<hbm>>
    tpu.wait_indirect_dma semaphore(%arg22 : memref<!tpu.dma_semaphore, #tpu.memory_space<semaphore_mem>>) src(%dma_wait3A_52 : memref<1000000x128xf32, #tpu.memory_space<hbm>>) dst(%arg14 : memref<128x128xf32, #tpu.memory_space<vmem>>)
    %dma_wait3A_53 = arith.constant 0 : i32
    %dma_wait3A_54 = tpu.memref_slice %arg5[%dma_wait3A_53] : memref<40960xi32, #tpu.memory_space<hbm>> -> memref<128xi32, #tpu.memory_space<hbm>>
    %dma_wait3A_55 = arith.constant 0 : i32
    %dma_wait3A_56 = tpu.memref_slice %arg5[%dma_wait3A_55] : memref<40960xi32, #tpu.memory_space<hbm>> -> memref<128xi32, #tpu.memory_space<hbm>>
    tpu.wait_dma2 semaphore(%arg19 : memref<!tpu.dma_semaphore, #tpu.memory_space<semaphore_mem>>) src(%dma_wait3A_56 : memref<128xi32, #tpu.memory_space<hbm>>) dst(%arg11 : memref<128xi32, #tpu.memory_space<vmem>>)
    return
  }
}

#map = affine_map<(d0, d1) -> (0, 0)>
#map1 = affine_map<(d0, d1) -> (0)>
module attributes {stable_mosaic.version = 14 : i64} {
  func.func @_sc_gather(%arg0: i32, %arg1: i32, %arg2: memref<100000x128xf32, #tpu.memory_space<hbm>>, %arg3: memref<1000000x128xf32, #tpu.memory_space<hbm>>, %arg4: memref<40960xi32, #tpu.memory_space<hbm>>, %arg5: memref<40960xi32, #tpu.memory_space<hbm>>, %arg6: memref<40960x128xf32, #tpu.memory_space<hbm>>, %arg7: memref<40960x128xf32, #tpu.memory_space<hbm>>, %arg8: memref<128xi32, #tpu.memory_space<vmem>>, %arg9: memref<128xi32, #tpu.memory_space<vmem>>, %arg10: memref<128xi32, #tpu.memory_space<vmem>>, %arg11: memref<128xi32, #tpu.memory_space<vmem>>, %arg12: memref<128x128xf32, #tpu.memory_space<vmem>>, %arg13: memref<128x128xf32, #tpu.memory_space<vmem>>, %arg14: memref<128x128xf32, #tpu.memory_space<vmem>>, %arg15: memref<128x128xf32, #tpu.memory_space<vmem>>, %arg16: memref<!tpu.dma_semaphore, #tpu.memory_space<semaphore_mem>>, %arg17: memref<!tpu.dma_semaphore, #tpu.memory_space<semaphore_mem>>, %arg18: memref<!tpu.dma_semaphore, #tpu.memory_space<semaphore_mem>>, %arg19: memref<!tpu.dma_semaphore, #tpu.memory_space<semaphore_mem>>, %arg20: memref<!tpu.dma_semaphore, #tpu.memory_space<semaphore_mem>>, %arg21: memref<!tpu.dma_semaphore, #tpu.memory_space<semaphore_mem>>, %arg22: memref<!tpu.dma_semaphore, #tpu.memory_space<semaphore_mem>>, %arg23: memref<!tpu.dma_semaphore, #tpu.memory_space<semaphore_mem>>, %arg24: memref<!tpu.dma_semaphore, #tpu.memory_space<semaphore_mem>>, %arg25: memref<!tpu.dma_semaphore, #tpu.memory_space<semaphore_mem>>, %arg26: memref<!tpu.dma_semaphore, #tpu.memory_space<semaphore_mem>>, %arg27: memref<!tpu.dma_semaphore, #tpu.memory_space<semaphore_mem>>) attributes {dimension_semantics = [#tpu.dimension_semantics<core_parallel>, #tpu.dimension_semantics<subcore_parallel>], iteration_bounds = array<i64: 2, 16>, scalar_prefetch = 0 : i64, scratch_operands = 20 : i64, tpu.core_type = #tpu.core_type<sc_vector_subcore>, window_params = [{transform_indices = #map}, {transform_indices = #map}, {transform_indices = #map1}, {transform_indices = #map1}, {transform_indices = #map}, {transform_indices = #map}]} {
    %mul3A = arith.constant 2 : i32
    %mul3A_0 = arith.muli %arg1, %mul3A : i32
    %add3A = arith.addi %mul3A_0, %arg0 : i32
    %mul3A_1 = arith.constant 1280 : i32
    %mul3A_2 = arith.muli %add3A, %mul3A_1 : i32
    %add3A_3 = arith.constant 0 : i32
    %add3A_4 = arith.addi %mul3A_2, %add3A_3 : i32
    %min3A = arith.constant 40832 : i32
    %min3A_5 = arith.minsi %add3A_4, %min3A : i32
    %dma_start3A = tpu.memref_slice %arg4[%min3A_5] : memref<40960xi32, #tpu.memory_space<hbm>> -> memref<128xi32, #tpu.memory_space<hbm>>
    %dma_start3A_6 = tpu.memref_slice %arg4[%min3A_5] : memref<40960xi32, #tpu.memory_space<hbm>> -> memref<128xi32, #tpu.memory_space<hbm>>
    tpu.enqueue_dma source(%dma_start3A_6 : memref<128xi32, #tpu.memory_space<hbm>>) target(%arg8 : memref<128xi32, #tpu.memory_space<vmem>>) target_semaphore(%arg16 : memref<!tpu.dma_semaphore, #tpu.memory_space<semaphore_mem>>)
    %add3A_7 = arith.constant 128 : i32
    %add3A_8 = arith.addi %mul3A_2, %add3A_7 : i32
    %min3A_9 = arith.constant 40832 : i32
    %min3A_10 = arith.minsi %add3A_8, %min3A_9 : i32
    %dma_start3A_11 = tpu.memref_slice %arg4[%min3A_10] : memref<40960xi32, #tpu.memory_space<hbm>> -> memref<128xi32, #tpu.memory_space<hbm>>
    %dma_start3A_12 = tpu.memref_slice %arg4[%min3A_10] : memref<40960xi32, #tpu.memory_space<hbm>> -> memref<128xi32, #tpu.memory_space<hbm>>
    tpu.enqueue_dma source(%dma_start3A_12 : memref<128xi32, #tpu.memory_space<hbm>>) target(%arg9 : memref<128xi32, #tpu.memory_space<vmem>>) target_semaphore(%arg17 : memref<!tpu.dma_semaphore, #tpu.memory_space<semaphore_mem>>)
    %add3A_13 = arith.constant 0 : i32
    %add3A_14 = arith.addi %mul3A_2, %add3A_13 : i32
    %min3A_15 = arith.constant 40832 : i32
    %min3A_16 = arith.minsi %add3A_14, %min3A_15 : i32
    %dma_start3A_17 = tpu.memref_slice %arg5[%min3A_16] : memref<40960xi32, #tpu.memory_space<hbm>> -> memref<128xi32, #tpu.memory_space<hbm>>
    %dma_start3A_18 = tpu.memref_slice %arg5[%min3A_16] : memref<40960xi32, #tpu.memory_space<hbm>> -> memref<128xi32, #tpu.memory_space<hbm>>
    tpu.enqueue_dma source(%dma_start3A_18 : memref<128xi32, #tpu.memory_space<hbm>>) target(%arg10 : memref<128xi32, #tpu.memory_space<vmem>>) target_semaphore(%arg18 : memref<!tpu.dma_semaphore, #tpu.memory_space<semaphore_mem>>)
    %add3A_19 = arith.constant 128 : i32
    %add3A_20 = arith.addi %mul3A_2, %add3A_19 : i32
    %min3A_21 = arith.constant 40832 : i32
    %min3A_22 = arith.minsi %add3A_20, %min3A_21 : i32
    %dma_start3A_23 = tpu.memref_slice %arg5[%min3A_22] : memref<40960xi32, #tpu.memory_space<hbm>> -> memref<128xi32, #tpu.memory_space<hbm>>
    %dma_start3A_24 = tpu.memref_slice %arg5[%min3A_22] : memref<40960xi32, #tpu.memory_space<hbm>> -> memref<128xi32, #tpu.memory_space<hbm>>
    tpu.enqueue_dma source(%dma_start3A_24 : memref<128xi32, #tpu.memory_space<hbm>>) target(%arg11 : memref<128xi32, #tpu.memory_space<vmem>>) target_semaphore(%arg19 : memref<!tpu.dma_semaphore, #tpu.memory_space<semaphore_mem>>)
    %dma_wait3A = arith.constant 0 : i32
    %dma_wait3A_25 = tpu.memref_slice %arg4[%dma_wait3A] : memref<40960xi32, #tpu.memory_space<hbm>> -> memref<128xi32, #tpu.memory_space<hbm>>
    %dma_wait3A_26 = arith.constant 0 : i32
    %dma_wait3A_27 = tpu.memref_slice %arg4[%dma_wait3A_26] : memref<40960xi32, #tpu.memory_space<hbm>> -> memref<128xi32, #tpu.memory_space<hbm>>
    tpu.wait_dma2 semaphore(%arg16 : memref<!tpu.dma_semaphore, #tpu.memory_space<semaphore_mem>>) src(%dma_wait3A_27 : memref<128xi32, #tpu.memory_space<hbm>>) dst(%arg8 : memref<128xi32, #tpu.memory_space<vmem>>)
    %dma_start3A_28 = arith.constant 0 : i32
    %dma_start3A_29 = arith.constant 0 : i32
    %dma_start3A_30 = tpu.memref_slice %arg2[%dma_start3A_28, %dma_start3A_29] : memref<100000x128xf32, #tpu.memory_space<hbm>> -> memref<100000x128xf32, #tpu.memory_space<hbm>>
    tpu.enqueue_indirect_dma source(%dma_start3A_30 : memref<100000x128xf32, #tpu.memory_space<hbm>>) target(%arg12 : memref<128x128xf32, #tpu.memory_space<vmem>>) offsets(%arg8 : memref<128xi32, #tpu.memory_space<vmem>>) semaphore(%arg20 : memref<!tpu.dma_semaphore, #tpu.memory_space<semaphore_mem>>)
    %dma_wait3A_31 = arith.constant 0 : i32
    %dma_wait3A_32 = tpu.memref_slice %arg5[%dma_wait3A_31] : memref<40960xi32, #tpu.memory_space<hbm>> -> memref<128xi32, #tpu.memory_space<hbm>>
    %dma_wait3A_33 = arith.constant 0 : i32
    %dma_wait3A_34 = tpu.memref_slice %arg5[%dma_wait3A_33] : memref<40960xi32, #tpu.memory_space<hbm>> -> memref<128xi32, #tpu.memory_space<hbm>>
    tpu.wait_dma2 semaphore(%arg18 : memref<!tpu.dma_semaphore, #tpu.memory_space<semaphore_mem>>) src(%dma_wait3A_34 : memref<128xi32, #tpu.memory_space<hbm>>) dst(%arg10 : memref<128xi32, #tpu.memory_space<vmem>>)
    %dma_start3A_35 = arith.constant 0 : i32
    %dma_start3A_36 = arith.constant 0 : i32
    %dma_start3A_37 = tpu.memref_slice %arg3[%dma_start3A_35, %dma_start3A_36] : memref<1000000x128xf32, #tpu.memory_space<hbm>> -> memref<1000000x128xf32, #tpu.memory_space<hbm>>
    tpu.enqueue_indirect_dma source(%dma_start3A_37 : memref<1000000x128xf32, #tpu.memory_space<hbm>>) target(%arg14 : memref<128x128xf32, #tpu.memory_space<vmem>>) offsets(%arg10 : memref<128xi32, #tpu.memory_space<vmem>>) semaphore(%arg22 : memref<!tpu.dma_semaphore, #tpu.memory_space<semaphore_mem>>)
    %scan3A = arith.constant 0 : i32
    %scan3A_38 = arith.constant 0 : i32
    %scan3A_39 = arith.constant 5 : i32
    %scan3A_40 = arith.addi %scan3A_38, %scan3A_39 : i32
    %scan3A_41 = arith.constant 1 : i32
    scf.for %scan3A_57 = %scan3A_38 to %scan3A_40 step %scan3A_41  : i32 {
      %mul3A_58 = arith.constant 2 : i32
      %mul3A_59 = arith.muli %mul3A_58, %scan3A_57 : i32
      %dma_wait3A_60 = arith.constant 0 : i32
      %dma_wait3A_61 = tpu.memref_slice %arg4[%dma_wait3A_60] : memref<40960xi32, #tpu.memory_space<hbm>> -> memref<128xi32, #tpu.memory_space<hbm>>
      %dma_wait3A_62 = arith.constant 0 : i32
      %dma_wait3A_63 = tpu.memref_slice %arg4[%dma_wait3A_62] : memref<40960xi32, #tpu.memory_space<hbm>> -> memref<128xi32, #tpu.memory_space<hbm>>
      tpu.wait_dma2 semaphore(%arg17 : memref<!tpu.dma_semaphore, #tpu.memory_space<semaphore_mem>>) src(%dma_wait3A_63 : memref<128xi32, #tpu.memory_space<hbm>>) dst(%arg9 : memref<128xi32, #tpu.memory_space<vmem>>)
      %dma_start3A_64 = arith.constant 0 : i32
      %dma_start3A_65 = arith.constant 0 : i32
      %dma_start3A_66 = tpu.memref_slice %arg2[%dma_start3A_64, %dma_start3A_65] : memref<100000x128xf32, #tpu.memory_space<hbm>> -> memref<100000x128xf32, #tpu.memory_space<hbm>>
      tpu.enqueue_indirect_dma source(%dma_start3A_66 : memref<100000x128xf32, #tpu.memory_space<hbm>>) target(%arg13 : memref<128x128xf32, #tpu.memory_space<vmem>>) offsets(%arg9 : memref<128xi32, #tpu.memory_space<vmem>>) semaphore(%arg21 : memref<!tpu.dma_semaphore, #tpu.memory_space<semaphore_mem>>)
      %dma_wait3A_67 = arith.constant 0 : i32
      %dma_wait3A_68 = tpu.memref_slice %arg5[%dma_wait3A_67] : memref<40960xi32, #tpu.memory_space<hbm>> -> memref<128xi32, #tpu.memory_space<hbm>>
      %dma_wait3A_69 = arith.constant 0 : i32
      %dma_wait3A_70 = tpu.memref_slice %arg5[%dma_wait3A_69] : memref<40960xi32, #tpu.memory_space<hbm>> -> memref<128xi32, #tpu.memory_space<hbm>>
      tpu.wait_dma2 semaphore(%arg19 : memref<!tpu.dma_semaphore, #tpu.memory_space<semaphore_mem>>) src(%dma_wait3A_70 : memref<128xi32, #tpu.memory_space<hbm>>) dst(%arg11 : memref<128xi32, #tpu.memory_space<vmem>>)
      %dma_start3A_71 = arith.constant 0 : i32
      %dma_start3A_72 = arith.constant 0 : i32
      %dma_start3A_73 = tpu.memref_slice %arg3[%dma_start3A_71, %dma_start3A_72] : memref<1000000x128xf32, #tpu.memory_space<hbm>> -> memref<1000000x128xf32, #tpu.memory_space<hbm>>
      tpu.enqueue_indirect_dma source(%dma_start3A_73 : memref<1000000x128xf32, #tpu.memory_space<hbm>>) target(%arg15 : memref<128x128xf32, #tpu.memory_space<vmem>>) offsets(%arg11 : memref<128xi32, #tpu.memory_space<vmem>>) semaphore(%arg23 : memref<!tpu.dma_semaphore, #tpu.memory_space<semaphore_mem>>)
      %dma_wait3A_74 = arith.constant 0 : i32
      %dma_wait3A_75 = arith.constant 0 : i32
      %dma_wait3A_76 = tpu.memref_slice %arg2[%dma_wait3A_74, %dma_wait3A_75] : memref<100000x128xf32, #tpu.memory_space<hbm>> -> memref<100000x128xf32, #tpu.memory_space<hbm>>
      tpu.wait_indirect_dma semaphore(%arg20 : memref<!tpu.dma_semaphore, #tpu.memory_space<semaphore_mem>>) src(%dma_wait3A_76 : memref<100000x128xf32, #tpu.memory_space<hbm>>) dst(%arg12 : memref<128x128xf32, #tpu.memory_space<vmem>>)
      %mul3A_77 = arith.constant 128 : i32
      %mul3A_78 = arith.muli %mul3A_59, %mul3A_77 : i32
      %add3A_79 = arith.addi %mul3A_2, %mul3A_78 : i32
      %multiple_of3A = tpu.assume_multiple %add3A_79, 128 : i32
      %dma_start3A_80 = arith.constant 0 : i32
      %dma_start3A_81 = tpu.memref_slice %arg6[%multiple_of3A, %dma_start3A_80] : memref<40960x128xf32, #tpu.memory_space<hbm>> -> memref<128x128xf32, #tpu.memory_space<hbm>>
      %dma_start3A_82 = arith.constant 0 : i32
      %dma_start3A_83 = tpu.memref_slice %arg6[%multiple_of3A, %dma_start3A_82] : memref<40960x128xf32, #tpu.memory_space<hbm>> -> memref<128x128xf32, #tpu.memory_space<hbm>>
      tpu.enqueue_dma source(%arg12 : memref<128x128xf32, #tpu.memory_space<vmem>>) target(%dma_start3A_83 : memref<128x128xf32, #tpu.memory_space<hbm>>) target_semaphore(%arg24 : memref<!tpu.dma_semaphore, #tpu.memory_space<semaphore_mem>>)
      %add3A_84 = arith.constant 2 : i32
      %add3A_85 = arith.addi %mul3A_59, %add3A_84 : i32
      %mul3A_86 = arith.constant 128 : i32
      %mul3A_87 = arith.muli %add3A_85, %mul3A_86 : i32
      %add3A_88 = arith.addi %mul3A_2, %mul3A_87 : i32
      %min3A_89 = arith.constant 40832 : i32
      %min3A_90 = arith.minsi %add3A_88, %min3A_89 : i32
      %dma_start3A_91 = tpu.memref_slice %arg4[%min3A_90] : memref<40960xi32, #tpu.memory_space<hbm>> -> memref<128xi32, #tpu.memory_space<hbm>>
      %dma_start3A_92 = tpu.memref_slice %arg4[%min3A_90] : memref<40960xi32, #tpu.memory_space<hbm>> -> memref<128xi32, #tpu.memory_space<hbm>>
      tpu.enqueue_dma source(%dma_start3A_92 : memref<128xi32, #tpu.memory_space<hbm>>) target(%arg8 : memref<128xi32, #tpu.memory_space<vmem>>) target_semaphore(%arg16 : memref<!tpu.dma_semaphore, #tpu.memory_space<semaphore_mem>>)
      %dma_wait3A_93 = arith.constant 0 : i32
      %dma_wait3A_94 = arith.constant 0 : i32
      %dma_wait3A_95 = tpu.memref_slice %arg3[%dma_wait3A_93, %dma_wait3A_94] : memref<1000000x128xf32, #tpu.memory_space<hbm>> -> memref<1000000x128xf32, #tpu.memory_space<hbm>>
      tpu.wait_indirect_dma semaphore(%arg22 : memref<!tpu.dma_semaphore, #tpu.memory_space<semaphore_mem>>) src(%dma_wait3A_95 : memref<1000000x128xf32, #tpu.memory_space<hbm>>) dst(%arg14 : memref<128x128xf32, #tpu.memory_space<vmem>>)
      %mul3A_96 = arith.constant 128 : i32
      %mul3A_97 = arith.muli %mul3A_59, %mul3A_96 : i32
      %add3A_98 = arith.addi %mul3A_2, %mul3A_97 : i32
      %multiple_of3A_99 = tpu.assume_multiple %add3A_98, 128 : i32
      %dma_start3A_100 = arith.constant 0 : i32
      %dma_start3A_101 = tpu.memref_slice %arg7[%multiple_of3A_99, %dma_start3A_100] : memref<40960x128xf32, #tpu.memory_space<hbm>> -> memref<128x128xf32, #tpu.memory_space<hbm>>
      %dma_start3A_102 = arith.constant 0 : i32
      %dma_start3A_103 = tpu.memref_slice %arg7[%multiple_of3A_99, %dma_start3A_102] : memref<40960x128xf32, #tpu.memory_space<hbm>> -> memref<128x128xf32, #tpu.memory_space<hbm>>
      tpu.enqueue_dma source(%arg14 : memref<128x128xf32, #tpu.memory_space<vmem>>) target(%dma_start3A_103 : memref<128x128xf32, #tpu.memory_space<hbm>>) target_semaphore(%arg26 : memref<!tpu.dma_semaphore, #tpu.memory_space<semaphore_mem>>)
      %add3A_104 = arith.constant 2 : i32
      %add3A_105 = arith.addi %mul3A_59, %add3A_104 : i32
      %mul3A_106 = arith.constant 128 : i32
      %mul3A_107 = arith.muli %add3A_105, %mul3A_106 : i32
      %add3A_108 = arith.addi %mul3A_2, %mul3A_107 : i32
      %min3A_109 = arith.constant 40832 : i32
      %min3A_110 = arith.minsi %add3A_108, %min3A_109 : i32
      %dma_start3A_111 = tpu.memref_slice %arg5[%min3A_110] : memref<40960xi32, #tpu.memory_space<hbm>> -> memref<128xi32, #tpu.memory_space<hbm>>
      %dma_start3A_112 = tpu.memref_slice %arg5[%min3A_110] : memref<40960xi32, #tpu.memory_space<hbm>> -> memref<128xi32, #tpu.memory_space<hbm>>
      tpu.enqueue_dma source(%dma_start3A_112 : memref<128xi32, #tpu.memory_space<hbm>>) target(%arg10 : memref<128xi32, #tpu.memory_space<vmem>>) target_semaphore(%arg18 : memref<!tpu.dma_semaphore, #tpu.memory_space<semaphore_mem>>)
      %dma_wait3A_113 = arith.constant 0 : i32
      %dma_wait3A_114 = arith.constant 0 : i32
      %dma_wait3A_115 = tpu.memref_slice %arg2[%dma_wait3A_113, %dma_wait3A_114] : memref<100000x128xf32, #tpu.memory_space<hbm>> -> memref<100000x128xf32, #tpu.memory_space<hbm>>
      tpu.wait_indirect_dma semaphore(%arg21 : memref<!tpu.dma_semaphore, #tpu.memory_space<semaphore_mem>>) src(%dma_wait3A_115 : memref<100000x128xf32, #tpu.memory_space<hbm>>) dst(%arg13 : memref<128x128xf32, #tpu.memory_space<vmem>>)
      %add3A_116 = arith.constant 1 : i32
      %add3A_117 = arith.addi %mul3A_59, %add3A_116 : i32
      %mul3A_118 = arith.constant 128 : i32
      %mul3A_119 = arith.muli %add3A_117, %mul3A_118 : i32
      %add3A_120 = arith.addi %mul3A_2, %mul3A_119 : i32
      %multiple_of3A_121 = tpu.assume_multiple %add3A_120, 128 : i32
      %dma_start3A_122 = arith.constant 0 : i32
      %dma_start3A_123 = tpu.memref_slice %arg6[%multiple_of3A_121, %dma_start3A_122] : memref<40960x128xf32, #tpu.memory_space<hbm>> -> memref<128x128xf32, #tpu.memory_space<hbm>>
      %dma_start3A_124 = arith.constant 0 : i32
      %dma_start3A_125 = tpu.memref_slice %arg6[%multiple_of3A_121, %dma_start3A_124] : memref<40960x128xf32, #tpu.memory_space<hbm>> -> memref<128x128xf32, #tpu.memory_space<hbm>>
      tpu.enqueue_dma source(%arg13 : memref<128x128xf32, #tpu.memory_space<vmem>>) target(%dma_start3A_125 : memref<128x128xf32, #tpu.memory_space<hbm>>) target_semaphore(%arg25 : memref<!tpu.dma_semaphore, #tpu.memory_space<semaphore_mem>>)
      %add3A_126 = arith.constant 3 : i32
      %add3A_127 = arith.addi %mul3A_59, %add3A_126 : i32
      %mul3A_128 = arith.constant 128 : i32
      %mul3A_129 = arith.muli %add3A_127, %mul3A_128 : i32
      %add3A_130 = arith.addi %mul3A_2, %mul3A_129 : i32
      %min3A_131 = arith.constant 40832 : i32
      %min3A_132 = arith.minsi %add3A_130, %min3A_131 : i32
      %dma_start3A_133 = tpu.memref_slice %arg4[%min3A_132] : memref<40960xi32, #tpu.memory_space<hbm>> -> memref<128xi32, #tpu.memory_space<hbm>>
      %dma_start3A_134 = tpu.memref_slice %arg4[%min3A_132] : memref<40960xi32, #tpu.memory_space<hbm>> -> memref<128xi32, #tpu.memory_space<hbm>>
      tpu.enqueue_dma source(%dma_start3A_134 : memref<128xi32, #tpu.memory_space<hbm>>) target(%arg9 : memref<128xi32, #tpu.memory_space<vmem>>) target_semaphore(%arg17 : memref<!tpu.dma_semaphore, #tpu.memory_space<semaphore_mem>>)
      %dma_wait3A_135 = arith.constant 0 : i32
      %dma_wait3A_136 = arith.constant 0 : i32
      %dma_wait3A_137 = tpu.memref_slice %arg3[%dma_wait3A_135, %dma_wait3A_136] : memref<1000000x128xf32, #tpu.memory_space<hbm>> -> memref<1000000x128xf32, #tpu.memory_space<hbm>>
      tpu.wait_indirect_dma semaphore(%arg23 : memref<!tpu.dma_semaphore, #tpu.memory_space<semaphore_mem>>) src(%dma_wait3A_137 : memref<1000000x128xf32, #tpu.memory_space<hbm>>) dst(%arg15 : memref<128x128xf32, #tpu.memory_space<vmem>>)
      %add3A_138 = arith.constant 1 : i32
      %add3A_139 = arith.addi %mul3A_59, %add3A_138 : i32
      %mul3A_140 = arith.constant 128 : i32
      %mul3A_141 = arith.muli %add3A_139, %mul3A_140 : i32
      %add3A_142 = arith.addi %mul3A_2, %mul3A_141 : i32
      %multiple_of3A_143 = tpu.assume_multiple %add3A_142, 128 : i32
      %dma_start3A_144 = arith.constant 0 : i32
      %dma_start3A_145 = tpu.memref_slice %arg7[%multiple_of3A_143, %dma_start3A_144] : memref<40960x128xf32, #tpu.memory_space<hbm>> -> memref<128x128xf32, #tpu.memory_space<hbm>>
      %dma_start3A_146 = arith.constant 0 : i32
      %dma_start3A_147 = tpu.memref_slice %arg7[%multiple_of3A_143, %dma_start3A_146] : memref<40960x128xf32, #tpu.memory_space<hbm>> -> memref<128x128xf32, #tpu.memory_space<hbm>>
      tpu.enqueue_dma source(%arg15 : memref<128x128xf32, #tpu.memory_space<vmem>>) target(%dma_start3A_147 : memref<128x128xf32, #tpu.memory_space<hbm>>) target_semaphore(%arg27 : memref<!tpu.dma_semaphore, #tpu.memory_space<semaphore_mem>>)
      %add3A_148 = arith.constant 3 : i32
      %add3A_149 = arith.addi %mul3A_59, %add3A_148 : i32
      %mul3A_150 = arith.constant 128 : i32
      %mul3A_151 = arith.muli %add3A_149, %mul3A_150 : i32
      %add3A_152 = arith.addi %mul3A_2, %mul3A_151 : i32
      %min3A_153 = arith.constant 40832 : i32
      %min3A_154 = arith.minsi %add3A_152, %min3A_153 : i32
      %dma_start3A_155 = tpu.memref_slice %arg5[%min3A_154] : memref<40960xi32, #tpu.memory_space<hbm>> -> memref<128xi32, #tpu.memory_space<hbm>>
      %dma_start3A_156 = tpu.memref_slice %arg5[%min3A_154] : memref<40960xi32, #tpu.memory_space<hbm>> -> memref<128xi32, #tpu.memory_space<hbm>>
      tpu.enqueue_dma source(%dma_start3A_156 : memref<128xi32, #tpu.memory_space<hbm>>) target(%arg11 : memref<128xi32, #tpu.memory_space<vmem>>) target_semaphore(%arg19 : memref<!tpu.dma_semaphore, #tpu.memory_space<semaphore_mem>>)
      %dma_wait3A_157 = arith.constant 0 : i32
      %dma_wait3A_158 = tpu.memref_slice %arg4[%dma_wait3A_157] : memref<40960xi32, #tpu.memory_space<hbm>> -> memref<128xi32, #tpu.memory_space<hbm>>
      %dma_wait3A_159 = arith.constant 0 : i32
      %dma_wait3A_160 = tpu.memref_slice %arg4[%dma_wait3A_159] : memref<40960xi32, #tpu.memory_space<hbm>> -> memref<128xi32, #tpu.memory_space<hbm>>
      tpu.wait_dma2 semaphore(%arg16 : memref<!tpu.dma_semaphore, #tpu.memory_space<semaphore_mem>>) src(%dma_wait3A_160 : memref<128xi32, #tpu.memory_space<hbm>>) dst(%arg8 : memref<128xi32, #tpu.memory_space<vmem>>)
      %dma_wait3A_161 = arith.constant 0 : i32
      %dma_wait3A_162 = arith.constant 0 : i32
      %dma_wait3A_163 = tpu.memref_slice %arg6[%dma_wait3A_161, %dma_wait3A_162] : memref<40960x128xf32, #tpu.memory_space<hbm>> -> memref<128x128xf32, #tpu.memory_space<hbm>>
      %dma_wait3A_164 = arith.constant 0 : i32
      %dma_wait3A_165 = arith.constant 0 : i32
      %dma_wait3A_166 = tpu.memref_slice %arg6[%dma_wait3A_164, %dma_wait3A_165] : memref<40960x128xf32, #tpu.memory_space<hbm>> -> memref<128x128xf32, #tpu.memory_space<hbm>>
      tpu.wait_dma2 semaphore(%arg24 : memref<!tpu.dma_semaphore, #tpu.memory_space<semaphore_mem>>) src(%arg12 : memref<128x128xf32, #tpu.memory_space<vmem>>) dst(%dma_wait3A_166 : memref<128x128xf32, #tpu.memory_space<hbm>>)
      %dma_start3A_167 = arith.constant 0 : i32
      %dma_start3A_168 = arith.constant 0 : i32
      %dma_start3A_169 = tpu.memref_slice %arg2[%dma_start3A_167, %dma_start3A_168] : memref<100000x128xf32, #tpu.memory_space<hbm>> -> memref<100000x128xf32, #tpu.memory_space<hbm>>
      tpu.enqueue_indirect_dma source(%dma_start3A_169 : memref<100000x128xf32, #tpu.memory_space<hbm>>) target(%arg12 : memref<128x128xf32, #tpu.memory_space<vmem>>) offsets(%arg8 : memref<128xi32, #tpu.memory_space<vmem>>) semaphore(%arg20 : memref<!tpu.dma_semaphore, #tpu.memory_space<semaphore_mem>>)
      %dma_wait3A_170 = arith.constant 0 : i32
      %dma_wait3A_171 = tpu.memref_slice %arg5[%dma_wait3A_170] : memref<40960xi32, #tpu.memory_space<hbm>> -> memref<128xi32, #tpu.memory_space<hbm>>
      %dma_wait3A_172 = arith.constant 0 : i32
      %dma_wait3A_173 = tpu.memref_slice %arg5[%dma_wait3A_172] : memref<40960xi32, #tpu.memory_space<hbm>> -> memref<128xi32, #tpu.memory_space<hbm>>
      tpu.wait_dma2 semaphore(%arg18 : memref<!tpu.dma_semaphore, #tpu.memory_space<semaphore_mem>>) src(%dma_wait3A_173 : memref<128xi32, #tpu.memory_space<hbm>>) dst(%arg10 : memref<128xi32, #tpu.memory_space<vmem>>)
      %dma_wait3A_174 = arith.constant 0 : i32
      %dma_wait3A_175 = arith.constant 0 : i32
      %dma_wait3A_176 = tpu.memref_slice %arg7[%dma_wait3A_174, %dma_wait3A_175] : memref<40960x128xf32, #tpu.memory_space<hbm>> -> memref<128x128xf32, #tpu.memory_space<hbm>>
      %dma_wait3A_177 = arith.constant 0 : i32
      %dma_wait3A_178 = arith.constant 0 : i32
      %dma_wait3A_179 = tpu.memref_slice %arg7[%dma_wait3A_177, %dma_wait3A_178] : memref<40960x128xf32, #tpu.memory_space<hbm>> -> memref<128x128xf32, #tpu.memory_space<hbm>>
      tpu.wait_dma2 semaphore(%arg26 : memref<!tpu.dma_semaphore, #tpu.memory_space<semaphore_mem>>) src(%arg14 : memref<128x128xf32, #tpu.memory_space<vmem>>) dst(%dma_wait3A_179 : memref<128x128xf32, #tpu.memory_space<hbm>>)
      %dma_start3A_180 = arith.constant 0 : i32
      %dma_start3A_181 = arith.constant 0 : i32
      %dma_start3A_182 = tpu.memref_slice %arg3[%dma_start3A_180, %dma_start3A_181] : memref<1000000x128xf32, #tpu.memory_space<hbm>> -> memref<1000000x128xf32, #tpu.memory_space<hbm>>
      tpu.enqueue_indirect_dma source(%dma_start3A_182 : memref<1000000x128xf32, #tpu.memory_space<hbm>>) target(%arg14 : memref<128x128xf32, #tpu.memory_space<vmem>>) offsets(%arg10 : memref<128xi32, #tpu.memory_space<vmem>>) semaphore(%arg22 : memref<!tpu.dma_semaphore, #tpu.memory_space<semaphore_mem>>)
      %dma_wait3A_183 = arith.constant 0 : i32
      %dma_wait3A_184 = arith.constant 0 : i32
      %dma_wait3A_185 = tpu.memref_slice %arg6[%dma_wait3A_183, %dma_wait3A_184] : memref<40960x128xf32, #tpu.memory_space<hbm>> -> memref<128x128xf32, #tpu.memory_space<hbm>>
      %dma_wait3A_186 = arith.constant 0 : i32
      %dma_wait3A_187 = arith.constant 0 : i32
      %dma_wait3A_188 = tpu.memref_slice %arg6[%dma_wait3A_186, %dma_wait3A_187] : memref<40960x128xf32, #tpu.memory_space<hbm>> -> memref<128x128xf32, #tpu.memory_space<hbm>>
      tpu.wait_dma2 semaphore(%arg25 : memref<!tpu.dma_semaphore, #tpu.memory_space<semaphore_mem>>) src(%arg13 : memref<128x128xf32, #tpu.memory_space<vmem>>) dst(%dma_wait3A_188 : memref<128x128xf32, #tpu.memory_space<hbm>>)
      %dma_wait3A_189 = arith.constant 0 : i32
      %dma_wait3A_190 = arith.constant 0 : i32
      %dma_wait3A_191 = tpu.memref_slice %arg7[%dma_wait3A_189, %dma_wait3A_190] : memref<40960x128xf32, #tpu.memory_space<hbm>> -> memref<128x128xf32, #tpu.memory_space<hbm>>
      %dma_wait3A_192 = arith.constant 0 : i32
      %dma_wait3A_193 = arith.constant 0 : i32
      %dma_wait3A_194 = tpu.memref_slice %arg7[%dma_wait3A_192, %dma_wait3A_193] : memref<40960x128xf32, #tpu.memory_space<hbm>> -> memref<128x128xf32, #tpu.memory_space<hbm>>
      tpu.wait_dma2 semaphore(%arg27 : memref<!tpu.dma_semaphore, #tpu.memory_space<semaphore_mem>>) src(%arg15 : memref<128x128xf32, #tpu.memory_space<vmem>>) dst(%dma_wait3A_194 : memref<128x128xf32, #tpu.memory_space<hbm>>)
    }
    %scan3A_42 = arith.constant 5 : i32
    %dma_wait3A_43 = arith.constant 0 : i32
    %dma_wait3A_44 = arith.constant 0 : i32
    %dma_wait3A_45 = tpu.memref_slice %arg2[%dma_wait3A_43, %dma_wait3A_44] : memref<100000x128xf32, #tpu.memory_space<hbm>> -> memref<100000x128xf32, #tpu.memory_space<hbm>>
    tpu.wait_indirect_dma semaphore(%arg20 : memref<!tpu.dma_semaphore, #tpu.memory_space<semaphore_mem>>) src(%dma_wait3A_45 : memref<100000x128xf32, #tpu.memory_space<hbm>>) dst(%arg12 : memref<128x128xf32, #tpu.memory_space<vmem>>)
    %dma_wait3A_46 = arith.constant 0 : i32
    %dma_wait3A_47 = tpu.memref_slice %arg4[%dma_wait3A_46] : memref<40960xi32, #tpu.memory_space<hbm>> -> memref<128xi32, #tpu.memory_space<hbm>>
    %dma_wait3A_48 = arith.constant 0 : i32
    %dma_wait3A_49 = tpu.memref_slice %arg4[%dma_wait3A_48] : memref<40960xi32, #tpu.memory_space<hbm>> -> memref<128xi32, #tpu.memory_space<hbm>>
    tpu.wait_dma2 semaphore(%arg17 : memref<!tpu.dma_semaphore, #tpu.memory_space<semaphore_mem>>) src(%dma_wait3A_49 : memref<128xi32, #tpu.memory_space<hbm>>) dst(%arg9 : memref<128xi32, #tpu.memory_space<vmem>>)
    %dma_wait3A_50 = arith.constant 0 : i32
    %dma_wait3A_51 = arith.constant 0 : i32
    %dma_wait3A_52 = tpu.memref_slice %arg3[%dma_wait3A_50, %dma_wait3A_51] : memref<1000000x128xf32, #tpu.memory_space<hbm>> -> memref<1000000x128xf32, #tpu.memory_space<hbm>>
    tpu.wait_indirect_dma semaphore(%arg22 : memref<!tpu.dma_semaphore, #tpu.memory_space<semaphore_mem>>) src(%dma_wait3A_52 : memref<1000000x128xf32, #tpu.memory_space<hbm>>) dst(%arg14 : memref<128x128xf32, #tpu.memory_space<vmem>>)
    %dma_wait3A_53 = arith.constant 0 : i32
    %dma_wait3A_54 = tpu.memref_slice %arg5[%dma_wait3A_53] : memref<40960xi32, #tpu.memory_space<hbm>> -> memref<128xi32, #tpu.memory_space<hbm>>
    %dma_wait3A_55 = arith.constant 0 : i32
    %dma_wait3A_56 = tpu.memref_slice %arg5[%dma_wait3A_55] : memref<40960xi32, #tpu.memory_space<hbm>> -> memref<128xi32, #tpu.memory_space<hbm>>
    tpu.wait_dma2 semaphore(%arg19 : memref<!tpu.dma_semaphore, #tpu.memory_space<semaphore_mem>>) src(%dma_wait3A_56 : memref<128xi32, #tpu.memory_space<hbm>>) dst(%arg11 : memref<128xi32, #tpu.memory_space<vmem>>)
    return
  }
}

#map = affine_map<(d0, d1) -> (0, 0)>
#map1 = affine_map<(d0, d1) -> (0)>
module attributes {stable_mosaic.version = 14 : i64} {
  func.func @_sc_gather(%arg0: i32, %arg1: i32, %arg2: memref<100000x128xf32, #tpu.memory_space<hbm>>, %arg3: memref<1000000x128xf32, #tpu.memory_space<hbm>>, %arg4: memref<40960xi32, #tpu.memory_space<hbm>>, %arg5: memref<40960xi32, #tpu.memory_space<hbm>>, %arg6: memref<40960x128xf32, #tpu.memory_space<hbm>>, %arg7: memref<40960x128xf32, #tpu.memory_space<hbm>>, %arg8: memref<128xi32, #tpu.memory_space<vmem>>, %arg9: memref<128xi32, #tpu.memory_space<vmem>>, %arg10: memref<128xi32, #tpu.memory_space<vmem>>, %arg11: memref<128xi32, #tpu.memory_space<vmem>>, %arg12: memref<128x128xf32, #tpu.memory_space<vmem>>, %arg13: memref<128x128xf32, #tpu.memory_space<vmem>>, %arg14: memref<128x128xf32, #tpu.memory_space<vmem>>, %arg15: memref<128x128xf32, #tpu.memory_space<vmem>>, %arg16: memref<!tpu.dma_semaphore, #tpu.memory_space<semaphore_mem>>, %arg17: memref<!tpu.dma_semaphore, #tpu.memory_space<semaphore_mem>>, %arg18: memref<!tpu.dma_semaphore, #tpu.memory_space<semaphore_mem>>, %arg19: memref<!tpu.dma_semaphore, #tpu.memory_space<semaphore_mem>>, %arg20: memref<!tpu.dma_semaphore, #tpu.memory_space<semaphore_mem>>, %arg21: memref<!tpu.dma_semaphore, #tpu.memory_space<semaphore_mem>>, %arg22: memref<!tpu.dma_semaphore, #tpu.memory_space<semaphore_mem>>, %arg23: memref<!tpu.dma_semaphore, #tpu.memory_space<semaphore_mem>>, %arg24: memref<!tpu.dma_semaphore, #tpu.memory_space<semaphore_mem>>, %arg25: memref<!tpu.dma_semaphore, #tpu.memory_space<semaphore_mem>>, %arg26: memref<!tpu.dma_semaphore, #tpu.memory_space<semaphore_mem>>, %arg27: memref<!tpu.dma_semaphore, #tpu.memory_space<semaphore_mem>>) attributes {dimension_semantics = [#tpu.dimension_semantics<core_parallel>, #tpu.dimension_semantics<subcore_parallel>], iteration_bounds = array<i64: 2, 16>, scalar_prefetch = 0 : i64, scratch_operands = 20 : i64, tpu.core_type = #tpu.core_type<sc_vector_subcore>, window_params = [{transform_indices = #map}, {transform_indices = #map}, {transform_indices = #map1}, {transform_indices = #map1}, {transform_indices = #map}, {transform_indices = #map}]} {
    %mul3A = arith.constant 2 : i32
    %mul3A_0 = arith.muli %arg1, %mul3A : i32
    %add3A = arith.addi %mul3A_0, %arg0 : i32
    %mul3A_1 = arith.constant 1280 : i32
    %mul3A_2 = arith.muli %add3A, %mul3A_1 : i32
    %add3A_3 = arith.constant 0 : i32
    %add3A_4 = arith.addi %mul3A_2, %add3A_3 : i32
    %min3A = arith.constant 40832 : i32
    %min3A_5 = arith.minsi %add3A_4, %min3A : i32
    %dma_start3A = tpu.memref_slice %arg4[%min3A_5] : memref<40960xi32, #tpu.memory_space<hbm>> -> memref<128xi32, #tpu.memory_space<hbm>>
    %dma_start3A_6 = tpu.memref_slice %arg4[%min3A_5] : memref<40960xi32, #tpu.memory_space<hbm>> -> memref<128xi32, #tpu.memory_space<hbm>>
    tpu.enqueue_dma source(%dma_start3A_6 : memref<128xi32, #tpu.memory_space<hbm>>) target(%arg8 : memref<128xi32, #tpu.memory_space<vmem>>) target_semaphore(%arg16 : memref<!tpu.dma_semaphore, #tpu.memory_space<semaphore_mem>>)
    %add3A_7 = arith.constant 128 : i32
    %add3A_8 = arith.addi %mul3A_2, %add3A_7 : i32
    %min3A_9 = arith.constant 40832 : i32
    %min3A_10 = arith.minsi %add3A_8, %min3A_9 : i32
    %dma_start3A_11 = tpu.memref_slice %arg4[%min3A_10] : memref<40960xi32, #tpu.memory_space<hbm>> -> memref<128xi32, #tpu.memory_space<hbm>>
    %dma_start3A_12 = tpu.memref_slice %arg4[%min3A_10] : memref<40960xi32, #tpu.memory_space<hbm>> -> memref<128xi32, #tpu.memory_space<hbm>>
    tpu.enqueue_dma source(%dma_start3A_12 : memref<128xi32, #tpu.memory_space<hbm>>) target(%arg9 : memref<128xi32, #tpu.memory_space<vmem>>) target_semaphore(%arg17 : memref<!tpu.dma_semaphore, #tpu.memory_space<semaphore_mem>>)
    %add3A_13 = arith.constant 0 : i32
    %add3A_14 = arith.addi %mul3A_2, %add3A_13 : i32
    %min3A_15 = arith.constant 40832 : i32
    %min3A_16 = arith.minsi %add3A_14, %min3A_15 : i32
    %dma_start3A_17 = tpu.memref_slice %arg5[%min3A_16] : memref<40960xi32, #tpu.memory_space<hbm>> -> memref<128xi32, #tpu.memory_space<hbm>>
    %dma_start3A_18 = tpu.memref_slice %arg5[%min3A_16] : memref<40960xi32, #tpu.memory_space<hbm>> -> memref<128xi32, #tpu.memory_space<hbm>>
    tpu.enqueue_dma source(%dma_start3A_18 : memref<128xi32, #tpu.memory_space<hbm>>) target(%arg10 : memref<128xi32, #tpu.memory_space<vmem>>) target_semaphore(%arg18 : memref<!tpu.dma_semaphore, #tpu.memory_space<semaphore_mem>>)
    %add3A_19 = arith.constant 128 : i32
    %add3A_20 = arith.addi %mul3A_2, %add3A_19 : i32
    %min3A_21 = arith.constant 40832 : i32
    %min3A_22 = arith.minsi %add3A_20, %min3A_21 : i32
    %dma_start3A_23 = tpu.memref_slice %arg5[%min3A_22] : memref<40960xi32, #tpu.memory_space<hbm>> -> memref<128xi32, #tpu.memory_space<hbm>>
    %dma_start3A_24 = tpu.memref_slice %arg5[%min3A_22] : memref<40960xi32, #tpu.memory_space<hbm>> -> memref<128xi32, #tpu.memory_space<hbm>>
    tpu.enqueue_dma source(%dma_start3A_24 : memref<128xi32, #tpu.memory_space<hbm>>) target(%arg11 : memref<128xi32, #tpu.memory_space<vmem>>) target_semaphore(%arg19 : memref<!tpu.dma_semaphore, #tpu.memory_space<semaphore_mem>>)
    %dma_wait3A = arith.constant 0 : i32
    %dma_wait3A_25 = tpu.memref_slice %arg4[%dma_wait3A] : memref<40960xi32, #tpu.memory_space<hbm>> -> memref<128xi32, #tpu.memory_space<hbm>>
    %dma_wait3A_26 = arith.constant 0 : i32
    %dma_wait3A_27 = tpu.memref_slice %arg4[%dma_wait3A_26] : memref<40960xi32, #tpu.memory_space<hbm>> -> memref<128xi32, #tpu.memory_space<hbm>>
    tpu.wait_dma2 semaphore(%arg16 : memref<!tpu.dma_semaphore, #tpu.memory_space<semaphore_mem>>) src(%dma_wait3A_27 : memref<128xi32, #tpu.memory_space<hbm>>) dst(%arg8 : memref<128xi32, #tpu.memory_space<vmem>>)
    %dma_start3A_28 = arith.constant 0 : i32
    %dma_start3A_29 = arith.constant 0 : i32
    %dma_start3A_30 = tpu.memref_slice %arg2[%dma_start3A_28, %dma_start3A_29] : memref<100000x128xf32, #tpu.memory_space<hbm>> -> memref<100000x128xf32, #tpu.memory_space<hbm>>
    tpu.enqueue_indirect_dma source(%dma_start3A_30 : memref<100000x128xf32, #tpu.memory_space<hbm>>) target(%arg12 : memref<128x128xf32, #tpu.memory_space<vmem>>) offsets(%arg8 : memref<128xi32, #tpu.memory_space<vmem>>) semaphore(%arg20 : memref<!tpu.dma_semaphore, #tpu.memory_space<semaphore_mem>>)
    %dma_wait3A_31 = arith.constant 0 : i32
    %dma_wait3A_32 = tpu.memref_slice %arg5[%dma_wait3A_31] : memref<40960xi32, #tpu.memory_space<hbm>> -> memref<128xi32, #tpu.memory_space<hbm>>
    %dma_wait3A_33 = arith.constant 0 : i32
    %dma_wait3A_34 = tpu.memref_slice %arg5[%dma_wait3A_33] : memref<40960xi32, #tpu.memory_space<hbm>> -> memref<128xi32, #tpu.memory_space<hbm>>
    tpu.wait_dma2 semaphore(%arg18 : memref<!tpu.dma_semaphore, #tpu.memory_space<semaphore_mem>>) src(%dma_wait3A_34 : memref<128xi32, #tpu.memory_space<hbm>>) dst(%arg10 : memref<128xi32, #tpu.memory_space<vmem>>)
    %dma_start3A_35 = arith.constant 0 : i32
    %dma_start3A_36 = arith.constant 0 : i32
    %dma_start3A_37 = tpu.memref_slice %arg3[%dma_start3A_35, %dma_start3A_36] : memref<1000000x128xf32, #tpu.memory_space<hbm>> -> memref<1000000x128xf32, #tpu.memory_space<hbm>>
    tpu.enqueue_indirect_dma source(%dma_start3A_37 : memref<1000000x128xf32, #tpu.memory_space<hbm>>) target(%arg14 : memref<128x128xf32, #tpu.memory_space<vmem>>) offsets(%arg10 : memref<128xi32, #tpu.memory_space<vmem>>) semaphore(%arg22 : memref<!tpu.dma_semaphore, #tpu.memory_space<semaphore_mem>>)
    %scan3A = arith.constant 0 : i32
    %scan3A_38 = arith.constant 0 : i32
    %scan3A_39 = arith.constant 5 : i32
    %scan3A_40 = arith.addi %scan3A_38, %scan3A_39 : i32
    %scan3A_41 = arith.constant 1 : i32
    scf.for %scan3A_57 = %scan3A_38 to %scan3A_40 step %scan3A_41  : i32 {
      %mul3A_58 = arith.constant 2 : i32
      %mul3A_59 = arith.muli %mul3A_58, %scan3A_57 : i32
      %dma_wait3A_60 = arith.constant 0 : i32
      %dma_wait3A_61 = tpu.memref_slice %arg4[%dma_wait3A_60] : memref<40960xi32, #tpu.memory_space<hbm>> -> memref<128xi32, #tpu.memory_space<hbm>>
      %dma_wait3A_62 = arith.constant 0 : i32
      %dma_wait3A_63 = tpu.memref_slice %arg4[%dma_wait3A_62] : memref<40960xi32, #tpu.memory_space<hbm>> -> memref<128xi32, #tpu.memory_space<hbm>>
      tpu.wait_dma2 semaphore(%arg17 : memref<!tpu.dma_semaphore, #tpu.memory_space<semaphore_mem>>) src(%dma_wait3A_63 : memref<128xi32, #tpu.memory_space<hbm>>) dst(%arg9 : memref<128xi32, #tpu.memory_space<vmem>>)
      %dma_start3A_64 = arith.constant 0 : i32
      %dma_start3A_65 = arith.constant 0 : i32
      %dma_start3A_66 = tpu.memref_slice %arg2[%dma_start3A_64, %dma_start3A_65] : memref<100000x128xf32, #tpu.memory_space<hbm>> -> memref<100000x128xf32, #tpu.memory_space<hbm>>
      tpu.enqueue_indirect_dma source(%dma_start3A_66 : memref<100000x128xf32, #tpu.memory_space<hbm>>) target(%arg13 : memref<128x128xf32, #tpu.memory_space<vmem>>) offsets(%arg9 : memref<128xi32, #tpu.memory_space<vmem>>) semaphore(%arg21 : memref<!tpu.dma_semaphore, #tpu.memory_space<semaphore_mem>>)
      %dma_wait3A_67 = arith.constant 0 : i32
      %dma_wait3A_68 = tpu.memref_slice %arg5[%dma_wait3A_67] : memref<40960xi32, #tpu.memory_space<hbm>> -> memref<128xi32, #tpu.memory_space<hbm>>
      %dma_wait3A_69 = arith.constant 0 : i32
      %dma_wait3A_70 = tpu.memref_slice %arg5[%dma_wait3A_69] : memref<40960xi32, #tpu.memory_space<hbm>> -> memref<128xi32, #tpu.memory_space<hbm>>
      tpu.wait_dma2 semaphore(%arg19 : memref<!tpu.dma_semaphore, #tpu.memory_space<semaphore_mem>>) src(%dma_wait3A_70 : memref<128xi32, #tpu.memory_space<hbm>>) dst(%arg11 : memref<128xi32, #tpu.memory_space<vmem>>)
      %dma_start3A_71 = arith.constant 0 : i32
      %dma_start3A_72 = arith.constant 0 : i32
      %dma_start3A_73 = tpu.memref_slice %arg3[%dma_start3A_71, %dma_start3A_72] : memref<1000000x128xf32, #tpu.memory_space<hbm>> -> memref<1000000x128xf32, #tpu.memory_space<hbm>>
      tpu.enqueue_indirect_dma source(%dma_start3A_73 : memref<1000000x128xf32, #tpu.memory_space<hbm>>) target(%arg15 : memref<128x128xf32, #tpu.memory_space<vmem>>) offsets(%arg11 : memref<128xi32, #tpu.memory_space<vmem>>) semaphore(%arg23 : memref<!tpu.dma_semaphore, #tpu.memory_space<semaphore_mem>>)
      %dma_wait3A_74 = arith.constant 0 : i32
      %dma_wait3A_75 = arith.constant 0 : i32
      %dma_wait3A_76 = tpu.memref_slice %arg2[%dma_wait3A_74, %dma_wait3A_75] : memref<100000x128xf32, #tpu.memory_space<hbm>> -> memref<100000x128xf32, #tpu.memory_space<hbm>>
      tpu.wait_indirect_dma semaphore(%arg20 : memref<!tpu.dma_semaphore, #tpu.memory_space<semaphore_mem>>) src(%dma_wait3A_76 : memref<100000x128xf32, #tpu.memory_space<hbm>>) dst(%arg12 : memref<128x128xf32, #tpu.memory_space<vmem>>)
      %mul3A_77 = arith.constant 128 : i32
      %mul3A_78 = arith.muli %mul3A_59, %mul3A_77 : i32
      %add3A_79 = arith.addi %mul3A_2, %mul3A_78 : i32
      %multiple_of3A = tpu.assume_multiple %add3A_79, 128 : i32
      %dma_start3A_80 = arith.constant 0 : i32
      %dma_start3A_81 = tpu.memref_slice %arg6[%multiple_of3A, %dma_start3A_80] : memref<40960x128xf32, #tpu.memory_space<hbm>> -> memref<128x128xf32, #tpu.memory_space<hbm>>
      %dma_start3A_82 = arith.constant 0 : i32
      %dma_start3A_83 = tpu.memref_slice %arg6[%multiple_of3A, %dma_start3A_82] : memref<40960x128xf32, #tpu.memory_space<hbm>> -> memref<128x128xf32, #tpu.memory_space<hbm>>
      tpu.enqueue_dma source(%arg12 : memref<128x128xf32, #tpu.memory_space<vmem>>) target(%dma_start3A_83 : memref<128x128xf32, #tpu.memory_space<hbm>>) target_semaphore(%arg24 : memref<!tpu.dma_semaphore, #tpu.memory_space<semaphore_mem>>)
      %add3A_84 = arith.constant 2 : i32
      %add3A_85 = arith.addi %mul3A_59, %add3A_84 : i32
      %mul3A_86 = arith.constant 128 : i32
      %mul3A_87 = arith.muli %add3A_85, %mul3A_86 : i32
      %add3A_88 = arith.addi %mul3A_2, %mul3A_87 : i32
      %min3A_89 = arith.constant 40832 : i32
      %min3A_90 = arith.minsi %add3A_88, %min3A_89 : i32
      %dma_start3A_91 = tpu.memref_slice %arg4[%min3A_90] : memref<40960xi32, #tpu.memory_space<hbm>> -> memref<128xi32, #tpu.memory_space<hbm>>
      %dma_start3A_92 = tpu.memref_slice %arg4[%min3A_90] : memref<40960xi32, #tpu.memory_space<hbm>> -> memref<128xi32, #tpu.memory_space<hbm>>
      tpu.enqueue_dma source(%dma_start3A_92 : memref<128xi32, #tpu.memory_space<hbm>>) target(%arg8 : memref<128xi32, #tpu.memory_space<vmem>>) target_semaphore(%arg16 : memref<!tpu.dma_semaphore, #tpu.memory_space<semaphore_mem>>)
      %dma_wait3A_93 = arith.constant 0 : i32
      %dma_wait3A_94 = arith.constant 0 : i32
      %dma_wait3A_95 = tpu.memref_slice %arg3[%dma_wait3A_93, %dma_wait3A_94] : memref<1000000x128xf32, #tpu.memory_space<hbm>> -> memref<1000000x128xf32, #tpu.memory_space<hbm>>
      tpu.wait_indirect_dma semaphore(%arg22 : memref<!tpu.dma_semaphore, #tpu.memory_space<semaphore_mem>>) src(%dma_wait3A_95 : memref<1000000x128xf32, #tpu.memory_space<hbm>>) dst(%arg14 : memref<128x128xf32, #tpu.memory_space<vmem>>)
      %mul3A_96 = arith.constant 128 : i32
      %mul3A_97 = arith.muli %mul3A_59, %mul3A_96 : i32
      %add3A_98 = arith.addi %mul3A_2, %mul3A_97 : i32
      %multiple_of3A_99 = tpu.assume_multiple %add3A_98, 128 : i32
      %dma_start3A_100 = arith.constant 0 : i32
      %dma_start3A_101 = tpu.memref_slice %arg7[%multiple_of3A_99, %dma_start3A_100] : memref<40960x128xf32, #tpu.memory_space<hbm>> -> memref<128x128xf32, #tpu.memory_space<hbm>>
      %dma_start3A_102 = arith.constant 0 : i32
      %dma_start3A_103 = tpu.memref_slice %arg7[%multiple_of3A_99, %dma_start3A_102] : memref<40960x128xf32, #tpu.memory_space<hbm>> -> memref<128x128xf32, #tpu.memory_space<hbm>>
      tpu.enqueue_dma source(%arg14 : memref<128x128xf32, #tpu.memory_space<vmem>>) target(%dma_start3A_103 : memref<128x128xf32, #tpu.memory_space<hbm>>) target_semaphore(%arg26 : memref<!tpu.dma_semaphore, #tpu.memory_space<semaphore_mem>>)
      %add3A_104 = arith.constant 2 : i32
      %add3A_105 = arith.addi %mul3A_59, %add3A_104 : i32
      %mul3A_106 = arith.constant 128 : i32
      %mul3A_107 = arith.muli %add3A_105, %mul3A_106 : i32
      %add3A_108 = arith.addi %mul3A_2, %mul3A_107 : i32
      %min3A_109 = arith.constant 40832 : i32
      %min3A_110 = arith.minsi %add3A_108, %min3A_109 : i32
      %dma_start3A_111 = tpu.memref_slice %arg5[%min3A_110] : memref<40960xi32, #tpu.memory_space<hbm>> -> memref<128xi32, #tpu.memory_space<hbm>>
      %dma_start3A_112 = tpu.memref_slice %arg5[%min3A_110] : memref<40960xi32, #tpu.memory_space<hbm>> -> memref<128xi32, #tpu.memory_space<hbm>>
      tpu.enqueue_dma source(%dma_start3A_112 : memref<128xi32, #tpu.memory_space<hbm>>) target(%arg10 : memref<128xi32, #tpu.memory_space<vmem>>) target_semaphore(%arg18 : memref<!tpu.dma_semaphore, #tpu.memory_space<semaphore_mem>>)
      %dma_wait3A_113 = arith.constant 0 : i32
      %dma_wait3A_114 = arith.constant 0 : i32
      %dma_wait3A_115 = tpu.memref_slice %arg2[%dma_wait3A_113, %dma_wait3A_114] : memref<100000x128xf32, #tpu.memory_space<hbm>> -> memref<100000x128xf32, #tpu.memory_space<hbm>>
      tpu.wait_indirect_dma semaphore(%arg21 : memref<!tpu.dma_semaphore, #tpu.memory_space<semaphore_mem>>) src(%dma_wait3A_115 : memref<100000x128xf32, #tpu.memory_space<hbm>>) dst(%arg13 : memref<128x128xf32, #tpu.memory_space<vmem>>)
      %add3A_116 = arith.constant 1 : i32
      %add3A_117 = arith.addi %mul3A_59, %add3A_116 : i32
      %mul3A_118 = arith.constant 128 : i32
      %mul3A_119 = arith.muli %add3A_117, %mul3A_118 : i32
      %add3A_120 = arith.addi %mul3A_2, %mul3A_119 : i32
      %multiple_of3A_121 = tpu.assume_multiple %add3A_120, 128 : i32
      %dma_start3A_122 = arith.constant 0 : i32
      %dma_start3A_123 = tpu.memref_slice %arg6[%multiple_of3A_121, %dma_start3A_122] : memref<40960x128xf32, #tpu.memory_space<hbm>> -> memref<128x128xf32, #tpu.memory_space<hbm>>
      %dma_start3A_124 = arith.constant 0 : i32
      %dma_start3A_125 = tpu.memref_slice %arg6[%multiple_of3A_121, %dma_start3A_124] : memref<40960x128xf32, #tpu.memory_space<hbm>> -> memref<128x128xf32, #tpu.memory_space<hbm>>
      tpu.enqueue_dma source(%arg13 : memref<128x128xf32, #tpu.memory_space<vmem>>) target(%dma_start3A_125 : memref<128x128xf32, #tpu.memory_space<hbm>>) target_semaphore(%arg25 : memref<!tpu.dma_semaphore, #tpu.memory_space<semaphore_mem>>)
      %add3A_126 = arith.constant 3 : i32
      %add3A_127 = arith.addi %mul3A_59, %add3A_126 : i32
      %mul3A_128 = arith.constant 128 : i32
      %mul3A_129 = arith.muli %add3A_127, %mul3A_128 : i32
      %add3A_130 = arith.addi %mul3A_2, %mul3A_129 : i32
      %min3A_131 = arith.constant 40832 : i32
      %min3A_132 = arith.minsi %add3A_130, %min3A_131 : i32
      %dma_start3A_133 = tpu.memref_slice %arg4[%min3A_132] : memref<40960xi32, #tpu.memory_space<hbm>> -> memref<128xi32, #tpu.memory_space<hbm>>
      %dma_start3A_134 = tpu.memref_slice %arg4[%min3A_132] : memref<40960xi32, #tpu.memory_space<hbm>> -> memref<128xi32, #tpu.memory_space<hbm>>
      tpu.enqueue_dma source(%dma_start3A_134 : memref<128xi32, #tpu.memory_space<hbm>>) target(%arg9 : memref<128xi32, #tpu.memory_space<vmem>>) target_semaphore(%arg17 : memref<!tpu.dma_semaphore, #tpu.memory_space<semaphore_mem>>)
      %dma_wait3A_135 = arith.constant 0 : i32
      %dma_wait3A_136 = arith.constant 0 : i32
      %dma_wait3A_137 = tpu.memref_slice %arg3[%dma_wait3A_135, %dma_wait3A_136] : memref<1000000x128xf32, #tpu.memory_space<hbm>> -> memref<1000000x128xf32, #tpu.memory_space<hbm>>
      tpu.wait_indirect_dma semaphore(%arg23 : memref<!tpu.dma_semaphore, #tpu.memory_space<semaphore_mem>>) src(%dma_wait3A_137 : memref<1000000x128xf32, #tpu.memory_space<hbm>>) dst(%arg15 : memref<128x128xf32, #tpu.memory_space<vmem>>)
      %add3A_138 = arith.constant 1 : i32
      %add3A_139 = arith.addi %mul3A_59, %add3A_138 : i32
      %mul3A_140 = arith.constant 128 : i32
      %mul3A_141 = arith.muli %add3A_139, %mul3A_140 : i32
      %add3A_142 = arith.addi %mul3A_2, %mul3A_141 : i32
      %multiple_of3A_143 = tpu.assume_multiple %add3A_142, 128 : i32
      %dma_start3A_144 = arith.constant 0 : i32
      %dma_start3A_145 = tpu.memref_slice %arg7[%multiple_of3A_143, %dma_start3A_144] : memref<40960x128xf32, #tpu.memory_space<hbm>> -> memref<128x128xf32, #tpu.memory_space<hbm>>
      %dma_start3A_146 = arith.constant 0 : i32
      %dma_start3A_147 = tpu.memref_slice %arg7[%multiple_of3A_143, %dma_start3A_146] : memref<40960x128xf32, #tpu.memory_space<hbm>> -> memref<128x128xf32, #tpu.memory_space<hbm>>
      tpu.enqueue_dma source(%arg15 : memref<128x128xf32, #tpu.memory_space<vmem>>) target(%dma_start3A_147 : memref<128x128xf32, #tpu.memory_space<hbm>>) target_semaphore(%arg27 : memref<!tpu.dma_semaphore, #tpu.memory_space<semaphore_mem>>)
      %add3A_148 = arith.constant 3 : i32
      %add3A_149 = arith.addi %mul3A_59, %add3A_148 : i32
      %mul3A_150 = arith.constant 128 : i32
      %mul3A_151 = arith.muli %add3A_149, %mul3A_150 : i32
      %add3A_152 = arith.addi %mul3A_2, %mul3A_151 : i32
      %min3A_153 = arith.constant 40832 : i32
      %min3A_154 = arith.minsi %add3A_152, %min3A_153 : i32
      %dma_start3A_155 = tpu.memref_slice %arg5[%min3A_154] : memref<40960xi32, #tpu.memory_space<hbm>> -> memref<128xi32, #tpu.memory_space<hbm>>
      %dma_start3A_156 = tpu.memref_slice %arg5[%min3A_154] : memref<40960xi32, #tpu.memory_space<hbm>> -> memref<128xi32, #tpu.memory_space<hbm>>
      tpu.enqueue_dma source(%dma_start3A_156 : memref<128xi32, #tpu.memory_space<hbm>>) target(%arg11 : memref<128xi32, #tpu.memory_space<vmem>>) target_semaphore(%arg19 : memref<!tpu.dma_semaphore, #tpu.memory_space<semaphore_mem>>)
      %dma_wait3A_157 = arith.constant 0 : i32
      %dma_wait3A_158 = tpu.memref_slice %arg4[%dma_wait3A_157] : memref<40960xi32, #tpu.memory_space<hbm>> -> memref<128xi32, #tpu.memory_space<hbm>>
      %dma_wait3A_159 = arith.constant 0 : i32
      %dma_wait3A_160 = tpu.memref_slice %arg4[%dma_wait3A_159] : memref<40960xi32, #tpu.memory_space<hbm>> -> memref<128xi32, #tpu.memory_space<hbm>>
      tpu.wait_dma2 semaphore(%arg16 : memref<!tpu.dma_semaphore, #tpu.memory_space<semaphore_mem>>) src(%dma_wait3A_160 : memref<128xi32, #tpu.memory_space<hbm>>) dst(%arg8 : memref<128xi32, #tpu.memory_space<vmem>>)
      %dma_wait3A_161 = arith.constant 0 : i32
      %dma_wait3A_162 = arith.constant 0 : i32
      %dma_wait3A_163 = tpu.memref_slice %arg6[%dma_wait3A_161, %dma_wait3A_162] : memref<40960x128xf32, #tpu.memory_space<hbm>> -> memref<128x128xf32, #tpu.memory_space<hbm>>
      %dma_wait3A_164 = arith.constant 0 : i32
      %dma_wait3A_165 = arith.constant 0 : i32
      %dma_wait3A_166 = tpu.memref_slice %arg6[%dma_wait3A_164, %dma_wait3A_165] : memref<40960x128xf32, #tpu.memory_space<hbm>> -> memref<128x128xf32, #tpu.memory_space<hbm>>
      tpu.wait_dma2 semaphore(%arg24 : memref<!tpu.dma_semaphore, #tpu.memory_space<semaphore_mem>>) src(%arg12 : memref<128x128xf32, #tpu.memory_space<vmem>>) dst(%dma_wait3A_166 : memref<128x128xf32, #tpu.memory_space<hbm>>)
      %dma_start3A_167 = arith.constant 0 : i32
      %dma_start3A_168 = arith.constant 0 : i32
      %dma_start3A_169 = tpu.memref_slice %arg2[%dma_start3A_167, %dma_start3A_168] : memref<100000x128xf32, #tpu.memory_space<hbm>> -> memref<100000x128xf32, #tpu.memory_space<hbm>>
      tpu.enqueue_indirect_dma source(%dma_start3A_169 : memref<100000x128xf32, #tpu.memory_space<hbm>>) target(%arg12 : memref<128x128xf32, #tpu.memory_space<vmem>>) offsets(%arg8 : memref<128xi32, #tpu.memory_space<vmem>>) semaphore(%arg20 : memref<!tpu.dma_semaphore, #tpu.memory_space<semaphore_mem>>)
      %dma_wait3A_170 = arith.constant 0 : i32
      %dma_wait3A_171 = tpu.memref_slice %arg5[%dma_wait3A_170] : memref<40960xi32, #tpu.memory_space<hbm>> -> memref<128xi32, #tpu.memory_space<hbm>>
      %dma_wait3A_172 = arith.constant 0 : i32
      %dma_wait3A_173 = tpu.memref_slice %arg5[%dma_wait3A_172] : memref<40960xi32, #tpu.memory_space<hbm>> -> memref<128xi32, #tpu.memory_space<hbm>>
      tpu.wait_dma2 semaphore(%arg18 : memref<!tpu.dma_semaphore, #tpu.memory_space<semaphore_mem>>) src(%dma_wait3A_173 : memref<128xi32, #tpu.memory_space<hbm>>) dst(%arg10 : memref<128xi32, #tpu.memory_space<vmem>>)
      %dma_wait3A_174 = arith.constant 0 : i32
      %dma_wait3A_175 = arith.constant 0 : i32
      %dma_wait3A_176 = tpu.memref_slice %arg7[%dma_wait3A_174, %dma_wait3A_175] : memref<40960x128xf32, #tpu.memory_space<hbm>> -> memref<128x128xf32, #tpu.memory_space<hbm>>
      %dma_wait3A_177 = arith.constant 0 : i32
      %dma_wait3A_178 = arith.constant 0 : i32
      %dma_wait3A_179 = tpu.memref_slice %arg7[%dma_wait3A_177, %dma_wait3A_178] : memref<40960x128xf32, #tpu.memory_space<hbm>> -> memref<128x128xf32, #tpu.memory_space<hbm>>
      tpu.wait_dma2 semaphore(%arg26 : memref<!tpu.dma_semaphore, #tpu.memory_space<semaphore_mem>>) src(%arg14 : memref<128x128xf32, #tpu.memory_space<vmem>>) dst(%dma_wait3A_179 : memref<128x128xf32, #tpu.memory_space<hbm>>)
      %dma_start3A_180 = arith.constant 0 : i32
      %dma_start3A_181 = arith.constant 0 : i32
      %dma_start3A_182 = tpu.memref_slice %arg3[%dma_start3A_180, %dma_start3A_181] : memref<1000000x128xf32, #tpu.memory_space<hbm>> -> memref<1000000x128xf32, #tpu.memory_space<hbm>>
      tpu.enqueue_indirect_dma source(%dma_start3A_182 : memref<1000000x128xf32, #tpu.memory_space<hbm>>) target(%arg14 : memref<128x128xf32, #tpu.memory_space<vmem>>) offsets(%arg10 : memref<128xi32, #tpu.memory_space<vmem>>) semaphore(%arg22 : memref<!tpu.dma_semaphore, #tpu.memory_space<semaphore_mem>>)
      %dma_wait3A_183 = arith.constant 0 : i32
      %dma_wait3A_184 = arith.constant 0 : i32
      %dma_wait3A_185 = tpu.memref_slice %arg6[%dma_wait3A_183, %dma_wait3A_184] : memref<40960x128xf32, #tpu.memory_space<hbm>> -> memref<128x128xf32, #tpu.memory_space<hbm>>
      %dma_wait3A_186 = arith.constant 0 : i32
      %dma_wait3A_187 = arith.constant 0 : i32
      %dma_wait3A_188 = tpu.memref_slice %arg6[%dma_wait3A_186, %dma_wait3A_187] : memref<40960x128xf32, #tpu.memory_space<hbm>> -> memref<128x128xf32, #tpu.memory_space<hbm>>
      tpu.wait_dma2 semaphore(%arg25 : memref<!tpu.dma_semaphore, #tpu.memory_space<semaphore_mem>>) src(%arg13 : memref<128x128xf32, #tpu.memory_space<vmem>>) dst(%dma_wait3A_188 : memref<128x128xf32, #tpu.memory_space<hbm>>)
      %dma_wait3A_189 = arith.constant 0 : i32
      %dma_wait3A_190 = arith.constant 0 : i32
      %dma_wait3A_191 = tpu.memref_slice %arg7[%dma_wait3A_189, %dma_wait3A_190] : memref<40960x128xf32, #tpu.memory_space<hbm>> -> memref<128x128xf32, #tpu.memory_space<hbm>>
      %dma_wait3A_192 = arith.constant 0 : i32
      %dma_wait3A_193 = arith.constant 0 : i32
      %dma_wait3A_194 = tpu.memref_slice %arg7[%dma_wait3A_192, %dma_wait3A_193] : memref<40960x128xf32, #tpu.memory_space<hbm>> -> memref<128x128xf32, #tpu.memory_space<hbm>>
      tpu.wait_dma2 semaphore(%arg27 : memref<!tpu.dma_semaphore, #tpu.memory_space<semaphore_mem>>) src(%arg15 : memref<128x128xf32, #tpu.memory_space<vmem>>) dst(%dma_wait3A_194 : memref<128x128xf32, #tpu.memory_space<hbm>>)
    }
    %scan3A_42 = arith.constant 5 : i32
    %dma_wait3A_43 = arith.constant 0 : i32
    %dma_wait3A_44 = arith.constant 0 : i32
    %dma_wait3A_45 = tpu.memref_slice %arg2[%dma_wait3A_43, %dma_wait3A_44] : memref<100000x128xf32, #tpu.memory_space<hbm>> -> memref<100000x128xf32, #tpu.memory_space<hbm>>
    tpu.wait_indirect_dma semaphore(%arg20 : memref<!tpu.dma_semaphore, #tpu.memory_space<semaphore_mem>>) src(%dma_wait3A_45 : memref<100000x128xf32, #tpu.memory_space<hbm>>) dst(%arg12 : memref<128x128xf32, #tpu.memory_space<vmem>>)
    %dma_wait3A_46 = arith.constant 0 : i32
    %dma_wait3A_47 = tpu.memref_slice %arg4[%dma_wait3A_46] : memref<40960xi32, #tpu.memory_space<hbm>> -> memref<128xi32, #tpu.memory_space<hbm>>
    %dma_wait3A_48 = arith.constant 0 : i32
    %dma_wait3A_49 = tpu.memref_slice %arg4[%dma_wait3A_48] : memref<40960xi32, #tpu.memory_space<hbm>> -> memref<128xi32, #tpu.memory_space<hbm>>
    tpu.wait_dma2 semaphore(%arg17 : memref<!tpu.dma_semaphore, #tpu.memory_space<semaphore_mem>>) src(%dma_wait3A_49 : memref<128xi32, #tpu.memory_space<hbm>>) dst(%arg9 : memref<128xi32, #tpu.memory_space<vmem>>)
    %dma_wait3A_50 = arith.constant 0 : i32
    %dma_wait3A_51 = arith.constant 0 : i32
    %dma_wait3A_52 = tpu.memref_slice %arg3[%dma_wait3A_50, %dma_wait3A_51] : memref<1000000x128xf32, #tpu.memory_space<hbm>> -> memref<1000000x128xf32, #tpu.memory_space<hbm>>
    tpu.wait_indirect_dma semaphore(%arg22 : memref<!tpu.dma_semaphore, #tpu.memory_space<semaphore_mem>>) src(%dma_wait3A_52 : memref<1000000x128xf32, #tpu.memory_space<hbm>>) dst(%arg14 : memref<128x128xf32, #tpu.memory_space<vmem>>)
    %dma_wait3A_53 = arith.constant 0 : i32
    %dma_wait3A_54 = tpu.memref_slice %arg5[%dma_wait3A_53] : memref<40960xi32, #tpu.memory_space<hbm>> -> memref<128xi32, #tpu.memory_space<hbm>>
    %dma_wait3A_55 = arith.constant 0 : i32
    %dma_wait3A_56 = tpu.memref_slice %arg5[%dma_wait3A_55] : memref<40960xi32, #tpu.memory_space<hbm>> -> memref<128xi32, #tpu.memory_space<hbm>>
    tpu.wait_dma2 semaphore(%arg19 : memref<!tpu.dma_semaphore, #tpu.memory_space<semaphore_mem>>) src(%dma_wait3A_56 : memref<128xi32, #tpu.memory_space<hbm>>) dst(%arg11 : memref<128xi32, #tpu.memory_space<vmem>>)
    return
  }
}

#map = affine_map<(d0, d1) -> (0, 0)>
#map1 = affine_map<(d0, d1) -> (0)>
module attributes {stable_mosaic.version = 14 : i64} {
  func.func @_sc_gather(%arg0: i32, %arg1: i32, %arg2: memref<100000x128xf32, #tpu.memory_space<hbm>>, %arg3: memref<1000000x128xf32, #tpu.memory_space<hbm>>, %arg4: memref<40960xi32, #tpu.memory_space<hbm>>, %arg5: memref<40960xi32, #tpu.memory_space<hbm>>, %arg6: memref<40960x128xf32, #tpu.memory_space<hbm>>, %arg7: memref<40960x128xf32, #tpu.memory_space<hbm>>, %arg8: memref<128xi32, #tpu.memory_space<vmem>>, %arg9: memref<128xi32, #tpu.memory_space<vmem>>, %arg10: memref<128xi32, #tpu.memory_space<vmem>>, %arg11: memref<128xi32, #tpu.memory_space<vmem>>, %arg12: memref<128x128xf32, #tpu.memory_space<vmem>>, %arg13: memref<128x128xf32, #tpu.memory_space<vmem>>, %arg14: memref<128x128xf32, #tpu.memory_space<vmem>>, %arg15: memref<128x128xf32, #tpu.memory_space<vmem>>, %arg16: memref<!tpu.dma_semaphore, #tpu.memory_space<semaphore_mem>>, %arg17: memref<!tpu.dma_semaphore, #tpu.memory_space<semaphore_mem>>, %arg18: memref<!tpu.dma_semaphore, #tpu.memory_space<semaphore_mem>>, %arg19: memref<!tpu.dma_semaphore, #tpu.memory_space<semaphore_mem>>, %arg20: memref<!tpu.dma_semaphore, #tpu.memory_space<semaphore_mem>>, %arg21: memref<!tpu.dma_semaphore, #tpu.memory_space<semaphore_mem>>, %arg22: memref<!tpu.dma_semaphore, #tpu.memory_space<semaphore_mem>>, %arg23: memref<!tpu.dma_semaphore, #tpu.memory_space<semaphore_mem>>, %arg24: memref<!tpu.dma_semaphore, #tpu.memory_space<semaphore_mem>>, %arg25: memref<!tpu.dma_semaphore, #tpu.memory_space<semaphore_mem>>, %arg26: memref<!tpu.dma_semaphore, #tpu.memory_space<semaphore_mem>>, %arg27: memref<!tpu.dma_semaphore, #tpu.memory_space<semaphore_mem>>) attributes {dimension_semantics = [#tpu.dimension_semantics<core_parallel>, #tpu.dimension_semantics<subcore_parallel>], iteration_bounds = array<i64: 2, 16>, scalar_prefetch = 0 : i64, scratch_operands = 20 : i64, tpu.core_type = #tpu.core_type<sc_vector_subcore>, window_params = [{transform_indices = #map}, {transform_indices = #map}, {transform_indices = #map1}, {transform_indices = #map1}, {transform_indices = #map}, {transform_indices = #map}]} {
    %mul3A = arith.constant 2 : i32
    %mul3A_0 = arith.muli %arg1, %mul3A : i32
    %add3A = arith.addi %mul3A_0, %arg0 : i32
    %mul3A_1 = arith.constant 1280 : i32
    %mul3A_2 = arith.muli %add3A, %mul3A_1 : i32
    %add3A_3 = arith.constant 0 : i32
    %add3A_4 = arith.addi %mul3A_2, %add3A_3 : i32
    %min3A = arith.constant 40832 : i32
    %min3A_5 = arith.minsi %add3A_4, %min3A : i32
    %dma_start3A = tpu.memref_slice %arg4[%min3A_5] : memref<40960xi32, #tpu.memory_space<hbm>> -> memref<128xi32, #tpu.memory_space<hbm>>
    %dma_start3A_6 = tpu.memref_slice %arg4[%min3A_5] : memref<40960xi32, #tpu.memory_space<hbm>> -> memref<128xi32, #tpu.memory_space<hbm>>
    tpu.enqueue_dma source(%dma_start3A_6 : memref<128xi32, #tpu.memory_space<hbm>>) target(%arg8 : memref<128xi32, #tpu.memory_space<vmem>>) target_semaphore(%arg16 : memref<!tpu.dma_semaphore, #tpu.memory_space<semaphore_mem>>)
    %add3A_7 = arith.constant 128 : i32
    %add3A_8 = arith.addi %mul3A_2, %add3A_7 : i32
    %min3A_9 = arith.constant 40832 : i32
    %min3A_10 = arith.minsi %add3A_8, %min3A_9 : i32
    %dma_start3A_11 = tpu.memref_slice %arg4[%min3A_10] : memref<40960xi32, #tpu.memory_space<hbm>> -> memref<128xi32, #tpu.memory_space<hbm>>
    %dma_start3A_12 = tpu.memref_slice %arg4[%min3A_10] : memref<40960xi32, #tpu.memory_space<hbm>> -> memref<128xi32, #tpu.memory_space<hbm>>
    tpu.enqueue_dma source(%dma_start3A_12 : memref<128xi32, #tpu.memory_space<hbm>>) target(%arg9 : memref<128xi32, #tpu.memory_space<vmem>>) target_semaphore(%arg17 : memref<!tpu.dma_semaphore, #tpu.memory_space<semaphore_mem>>)
    %add3A_13 = arith.constant 0 : i32
    %add3A_14 = arith.addi %mul3A_2, %add3A_13 : i32
    %min3A_15 = arith.constant 40832 : i32
    %min3A_16 = arith.minsi %add3A_14, %min3A_15 : i32
    %dma_start3A_17 = tpu.memref_slice %arg5[%min3A_16] : memref<40960xi32, #tpu.memory_space<hbm>> -> memref<128xi32, #tpu.memory_space<hbm>>
    %dma_start3A_18 = tpu.memref_slice %arg5[%min3A_16] : memref<40960xi32, #tpu.memory_space<hbm>> -> memref<128xi32, #tpu.memory_space<hbm>>
    tpu.enqueue_dma source(%dma_start3A_18 : memref<128xi32, #tpu.memory_space<hbm>>) target(%arg10 : memref<128xi32, #tpu.memory_space<vmem>>) target_semaphore(%arg18 : memref<!tpu.dma_semaphore, #tpu.memory_space<semaphore_mem>>)
    %add3A_19 = arith.constant 128 : i32
    %add3A_20 = arith.addi %mul3A_2, %add3A_19 : i32
    %min3A_21 = arith.constant 40832 : i32
    %min3A_22 = arith.minsi %add3A_20, %min3A_21 : i32
    %dma_start3A_23 = tpu.memref_slice %arg5[%min3A_22] : memref<40960xi32, #tpu.memory_space<hbm>> -> memref<128xi32, #tpu.memory_space<hbm>>
    %dma_start3A_24 = tpu.memref_slice %arg5[%min3A_22] : memref<40960xi32, #tpu.memory_space<hbm>> -> memref<128xi32, #tpu.memory_space<hbm>>
    tpu.enqueue_dma source(%dma_start3A_24 : memref<128xi32, #tpu.memory_space<hbm>>) target(%arg11 : memref<128xi32, #tpu.memory_space<vmem>>) target_semaphore(%arg19 : memref<!tpu.dma_semaphore, #tpu.memory_space<semaphore_mem>>)
    %dma_wait3A = arith.constant 0 : i32
    %dma_wait3A_25 = tpu.memref_slice %arg4[%dma_wait3A] : memref<40960xi32, #tpu.memory_space<hbm>> -> memref<128xi32, #tpu.memory_space<hbm>>
    %dma_wait3A_26 = arith.constant 0 : i32
    %dma_wait3A_27 = tpu.memref_slice %arg4[%dma_wait3A_26] : memref<40960xi32, #tpu.memory_space<hbm>> -> memref<128xi32, #tpu.memory_space<hbm>>
    tpu.wait_dma2 semaphore(%arg16 : memref<!tpu.dma_semaphore, #tpu.memory_space<semaphore_mem>>) src(%dma_wait3A_27 : memref<128xi32, #tpu.memory_space<hbm>>) dst(%arg8 : memref<128xi32, #tpu.memory_space<vmem>>)
    %dma_start3A_28 = arith.constant 0 : i32
    %dma_start3A_29 = arith.constant 0 : i32
    %dma_start3A_30 = tpu.memref_slice %arg2[%dma_start3A_28, %dma_start3A_29] : memref<100000x128xf32, #tpu.memory_space<hbm>> -> memref<100000x128xf32, #tpu.memory_space<hbm>>
    tpu.enqueue_indirect_dma source(%dma_start3A_30 : memref<100000x128xf32, #tpu.memory_space<hbm>>) target(%arg12 : memref<128x128xf32, #tpu.memory_space<vmem>>) offsets(%arg8 : memref<128xi32, #tpu.memory_space<vmem>>) semaphore(%arg20 : memref<!tpu.dma_semaphore, #tpu.memory_space<semaphore_mem>>)
    %dma_wait3A_31 = arith.constant 0 : i32
    %dma_wait3A_32 = tpu.memref_slice %arg5[%dma_wait3A_31] : memref<40960xi32, #tpu.memory_space<hbm>> -> memref<128xi32, #tpu.memory_space<hbm>>
    %dma_wait3A_33 = arith.constant 0 : i32
    %dma_wait3A_34 = tpu.memref_slice %arg5[%dma_wait3A_33] : memref<40960xi32, #tpu.memory_space<hbm>> -> memref<128xi32, #tpu.memory_space<hbm>>
    tpu.wait_dma2 semaphore(%arg18 : memref<!tpu.dma_semaphore, #tpu.memory_space<semaphore_mem>>) src(%dma_wait3A_34 : memref<128xi32, #tpu.memory_space<hbm>>) dst(%arg10 : memref<128xi32, #tpu.memory_space<vmem>>)
    %dma_start3A_35 = arith.constant 0 : i32
    %dma_start3A_36 = arith.constant 0 : i32
    %dma_start3A_37 = tpu.memref_slice %arg3[%dma_start3A_35, %dma_start3A_36] : memref<1000000x128xf32, #tpu.memory_space<hbm>> -> memref<1000000x128xf32, #tpu.memory_space<hbm>>
    tpu.enqueue_indirect_dma source(%dma_start3A_37 : memref<1000000x128xf32, #tpu.memory_space<hbm>>) target(%arg14 : memref<128x128xf32, #tpu.memory_space<vmem>>) offsets(%arg10 : memref<128xi32, #tpu.memory_space<vmem>>) semaphore(%arg22 : memref<!tpu.dma_semaphore, #tpu.memory_space<semaphore_mem>>)
    %scan3A = arith.constant 0 : i32
    %scan3A_38 = arith.constant 0 : i32
    %scan3A_39 = arith.constant 5 : i32
    %scan3A_40 = arith.addi %scan3A_38, %scan3A_39 : i32
    %scan3A_41 = arith.constant 1 : i32
    scf.for %scan3A_57 = %scan3A_38 to %scan3A_40 step %scan3A_41  : i32 {
      %mul3A_58 = arith.constant 2 : i32
      %mul3A_59 = arith.muli %mul3A_58, %scan3A_57 : i32
      %dma_wait3A_60 = arith.constant 0 : i32
      %dma_wait3A_61 = tpu.memref_slice %arg4[%dma_wait3A_60] : memref<40960xi32, #tpu.memory_space<hbm>> -> memref<128xi32, #tpu.memory_space<hbm>>
      %dma_wait3A_62 = arith.constant 0 : i32
      %dma_wait3A_63 = tpu.memref_slice %arg4[%dma_wait3A_62] : memref<40960xi32, #tpu.memory_space<hbm>> -> memref<128xi32, #tpu.memory_space<hbm>>
      tpu.wait_dma2 semaphore(%arg17 : memref<!tpu.dma_semaphore, #tpu.memory_space<semaphore_mem>>) src(%dma_wait3A_63 : memref<128xi32, #tpu.memory_space<hbm>>) dst(%arg9 : memref<128xi32, #tpu.memory_space<vmem>>)
      %dma_start3A_64 = arith.constant 0 : i32
      %dma_start3A_65 = arith.constant 0 : i32
      %dma_start3A_66 = tpu.memref_slice %arg2[%dma_start3A_64, %dma_start3A_65] : memref<100000x128xf32, #tpu.memory_space<hbm>> -> memref<100000x128xf32, #tpu.memory_space<hbm>>
      tpu.enqueue_indirect_dma source(%dma_start3A_66 : memref<100000x128xf32, #tpu.memory_space<hbm>>) target(%arg13 : memref<128x128xf32, #tpu.memory_space<vmem>>) offsets(%arg9 : memref<128xi32, #tpu.memory_space<vmem>>) semaphore(%arg21 : memref<!tpu.dma_semaphore, #tpu.memory_space<semaphore_mem>>)
      %dma_wait3A_67 = arith.constant 0 : i32
      %dma_wait3A_68 = tpu.memref_slice %arg5[%dma_wait3A_67] : memref<40960xi32, #tpu.memory_space<hbm>> -> memref<128xi32, #tpu.memory_space<hbm>>
      %dma_wait3A_69 = arith.constant 0 : i32
      %dma_wait3A_70 = tpu.memref_slice %arg5[%dma_wait3A_69] : memref<40960xi32, #tpu.memory_space<hbm>> -> memref<128xi32, #tpu.memory_space<hbm>>
      tpu.wait_dma2 semaphore(%arg19 : memref<!tpu.dma_semaphore, #tpu.memory_space<semaphore_mem>>) src(%dma_wait3A_70 : memref<128xi32, #tpu.memory_space<hbm>>) dst(%arg11 : memref<128xi32, #tpu.memory_space<vmem>>)
      %dma_start3A_71 = arith.constant 0 : i32
      %dma_start3A_72 = arith.constant 0 : i32
      %dma_start3A_73 = tpu.memref_slice %arg3[%dma_start3A_71, %dma_start3A_72] : memref<1000000x128xf32, #tpu.memory_space<hbm>> -> memref<1000000x128xf32, #tpu.memory_space<hbm>>
      tpu.enqueue_indirect_dma source(%dma_start3A_73 : memref<1000000x128xf32, #tpu.memory_space<hbm>>) target(%arg15 : memref<128x128xf32, #tpu.memory_space<vmem>>) offsets(%arg11 : memref<128xi32, #tpu.memory_space<vmem>>) semaphore(%arg23 : memref<!tpu.dma_semaphore, #tpu.memory_space<semaphore_mem>>)
      %dma_wait3A_74 = arith.constant 0 : i32
      %dma_wait3A_75 = arith.constant 0 : i32
      %dma_wait3A_76 = tpu.memref_slice %arg2[%dma_wait3A_74, %dma_wait3A_75] : memref<100000x128xf32, #tpu.memory_space<hbm>> -> memref<100000x128xf32, #tpu.memory_space<hbm>>
      tpu.wait_indirect_dma semaphore(%arg20 : memref<!tpu.dma_semaphore, #tpu.memory_space<semaphore_mem>>) src(%dma_wait3A_76 : memref<100000x128xf32, #tpu.memory_space<hbm>>) dst(%arg12 : memref<128x128xf32, #tpu.memory_space<vmem>>)
      %mul3A_77 = arith.constant 128 : i32
      %mul3A_78 = arith.muli %mul3A_59, %mul3A_77 : i32
      %add3A_79 = arith.addi %mul3A_2, %mul3A_78 : i32
      %multiple_of3A = tpu.assume_multiple %add3A_79, 128 : i32
      %dma_start3A_80 = arith.constant 0 : i32
      %dma_start3A_81 = tpu.memref_slice %arg6[%multiple_of3A, %dma_start3A_80] : memref<40960x128xf32, #tpu.memory_space<hbm>> -> memref<128x128xf32, #tpu.memory_space<hbm>>
      %dma_start3A_82 = arith.constant 0 : i32
      %dma_start3A_83 = tpu.memref_slice %arg6[%multiple_of3A, %dma_start3A_82] : memref<40960x128xf32, #tpu.memory_space<hbm>> -> memref<128x128xf32, #tpu.memory_space<hbm>>
      tpu.enqueue_dma source(%arg12 : memref<128x128xf32, #tpu.memory_space<vmem>>) target(%dma_start3A_83 : memref<128x128xf32, #tpu.memory_space<hbm>>) target_semaphore(%arg24 : memref<!tpu.dma_semaphore, #tpu.memory_space<semaphore_mem>>)
      %add3A_84 = arith.constant 2 : i32
      %add3A_85 = arith.addi %mul3A_59, %add3A_84 : i32
      %mul3A_86 = arith.constant 128 : i32
      %mul3A_87 = arith.muli %add3A_85, %mul3A_86 : i32
      %add3A_88 = arith.addi %mul3A_2, %mul3A_87 : i32
      %min3A_89 = arith.constant 40832 : i32
      %min3A_90 = arith.minsi %add3A_88, %min3A_89 : i32
      %dma_start3A_91 = tpu.memref_slice %arg4[%min3A_90] : memref<40960xi32, #tpu.memory_space<hbm>> -> memref<128xi32, #tpu.memory_space<hbm>>
      %dma_start3A_92 = tpu.memref_slice %arg4[%min3A_90] : memref<40960xi32, #tpu.memory_space<hbm>> -> memref<128xi32, #tpu.memory_space<hbm>>
      tpu.enqueue_dma source(%dma_start3A_92 : memref<128xi32, #tpu.memory_space<hbm>>) target(%arg8 : memref<128xi32, #tpu.memory_space<vmem>>) target_semaphore(%arg16 : memref<!tpu.dma_semaphore, #tpu.memory_space<semaphore_mem>>)
      %dma_wait3A_93 = arith.constant 0 : i32
      %dma_wait3A_94 = arith.constant 0 : i32
      %dma_wait3A_95 = tpu.memref_slice %arg3[%dma_wait3A_93, %dma_wait3A_94] : memref<1000000x128xf32, #tpu.memory_space<hbm>> -> memref<1000000x128xf32, #tpu.memory_space<hbm>>
      tpu.wait_indirect_dma semaphore(%arg22 : memref<!tpu.dma_semaphore, #tpu.memory_space<semaphore_mem>>) src(%dma_wait3A_95 : memref<1000000x128xf32, #tpu.memory_space<hbm>>) dst(%arg14 : memref<128x128xf32, #tpu.memory_space<vmem>>)
      %mul3A_96 = arith.constant 128 : i32
      %mul3A_97 = arith.muli %mul3A_59, %mul3A_96 : i32
      %add3A_98 = arith.addi %mul3A_2, %mul3A_97 : i32
      %multiple_of3A_99 = tpu.assume_multiple %add3A_98, 128 : i32
      %dma_start3A_100 = arith.constant 0 : i32
      %dma_start3A_101 = tpu.memref_slice %arg7[%multiple_of3A_99, %dma_start3A_100] : memref<40960x128xf32, #tpu.memory_space<hbm>> -> memref<128x128xf32, #tpu.memory_space<hbm>>
      %dma_start3A_102 = arith.constant 0 : i32
      %dma_start3A_103 = tpu.memref_slice %arg7[%multiple_of3A_99, %dma_start3A_102] : memref<40960x128xf32, #tpu.memory_space<hbm>> -> memref<128x128xf32, #tpu.memory_space<hbm>>
      tpu.enqueue_dma source(%arg14 : memref<128x128xf32, #tpu.memory_space<vmem>>) target(%dma_start3A_103 : memref<128x128xf32, #tpu.memory_space<hbm>>) target_semaphore(%arg26 : memref<!tpu.dma_semaphore, #tpu.memory_space<semaphore_mem>>)
      %add3A_104 = arith.constant 2 : i32
      %add3A_105 = arith.addi %mul3A_59, %add3A_104 : i32
      %mul3A_106 = arith.constant 128 : i32
      %mul3A_107 = arith.muli %add3A_105, %mul3A_106 : i32
      %add3A_108 = arith.addi %mul3A_2, %mul3A_107 : i32
      %min3A_109 = arith.constant 40832 : i32
      %min3A_110 = arith.minsi %add3A_108, %min3A_109 : i32
      %dma_start3A_111 = tpu.memref_slice %arg5[%min3A_110] : memref<40960xi32, #tpu.memory_space<hbm>> -> memref<128xi32, #tpu.memory_space<hbm>>
      %dma_start3A_112 = tpu.memref_slice %arg5[%min3A_110] : memref<40960xi32, #tpu.memory_space<hbm>> -> memref<128xi32, #tpu.memory_space<hbm>>
      tpu.enqueue_dma source(%dma_start3A_112 : memref<128xi32, #tpu.memory_space<hbm>>) target(%arg10 : memref<128xi32, #tpu.memory_space<vmem>>) target_semaphore(%arg18 : memref<!tpu.dma_semaphore, #tpu.memory_space<semaphore_mem>>)
      %dma_wait3A_113 = arith.constant 0 : i32
      %dma_wait3A_114 = arith.constant 0 : i32
      %dma_wait3A_115 = tpu.memref_slice %arg2[%dma_wait3A_113, %dma_wait3A_114] : memref<100000x128xf32, #tpu.memory_space<hbm>> -> memref<100000x128xf32, #tpu.memory_space<hbm>>
      tpu.wait_indirect_dma semaphore(%arg21 : memref<!tpu.dma_semaphore, #tpu.memory_space<semaphore_mem>>) src(%dma_wait3A_115 : memref<100000x128xf32, #tpu.memory_space<hbm>>) dst(%arg13 : memref<128x128xf32, #tpu.memory_space<vmem>>)
      %add3A_116 = arith.constant 1 : i32
      %add3A_117 = arith.addi %mul3A_59, %add3A_116 : i32
      %mul3A_118 = arith.constant 128 : i32
      %mul3A_119 = arith.muli %add3A_117, %mul3A_118 : i32
      %add3A_120 = arith.addi %mul3A_2, %mul3A_119 : i32
      %multiple_of3A_121 = tpu.assume_multiple %add3A_120, 128 : i32
      %dma_start3A_122 = arith.constant 0 : i32
      %dma_start3A_123 = tpu.memref_slice %arg6[%multiple_of3A_121, %dma_start3A_122] : memref<40960x128xf32, #tpu.memory_space<hbm>> -> memref<128x128xf32, #tpu.memory_space<hbm>>
      %dma_start3A_124 = arith.constant 0 : i32
      %dma_start3A_125 = tpu.memref_slice %arg6[%multiple_of3A_121, %dma_start3A_124] : memref<40960x128xf32, #tpu.memory_space<hbm>> -> memref<128x128xf32, #tpu.memory_space<hbm>>
      tpu.enqueue_dma source(%arg13 : memref<128x128xf32, #tpu.memory_space<vmem>>) target(%dma_start3A_125 : memref<128x128xf32, #tpu.memory_space<hbm>>) target_semaphore(%arg25 : memref<!tpu.dma_semaphore, #tpu.memory_space<semaphore_mem>>)
      %add3A_126 = arith.constant 3 : i32
      %add3A_127 = arith.addi %mul3A_59, %add3A_126 : i32
      %mul3A_128 = arith.constant 128 : i32
      %mul3A_129 = arith.muli %add3A_127, %mul3A_128 : i32
      %add3A_130 = arith.addi %mul3A_2, %mul3A_129 : i32
      %min3A_131 = arith.constant 40832 : i32
      %min3A_132 = arith.minsi %add3A_130, %min3A_131 : i32
      %dma_start3A_133 = tpu.memref_slice %arg4[%min3A_132] : memref<40960xi32, #tpu.memory_space<hbm>> -> memref<128xi32, #tpu.memory_space<hbm>>
      %dma_start3A_134 = tpu.memref_slice %arg4[%min3A_132] : memref<40960xi32, #tpu.memory_space<hbm>> -> memref<128xi32, #tpu.memory_space<hbm>>
      tpu.enqueue_dma source(%dma_start3A_134 : memref<128xi32, #tpu.memory_space<hbm>>) target(%arg9 : memref<128xi32, #tpu.memory_space<vmem>>) target_semaphore(%arg17 : memref<!tpu.dma_semaphore, #tpu.memory_space<semaphore_mem>>)
      %dma_wait3A_135 = arith.constant 0 : i32
      %dma_wait3A_136 = arith.constant 0 : i32
      %dma_wait3A_137 = tpu.memref_slice %arg3[%dma_wait3A_135, %dma_wait3A_136] : memref<1000000x128xf32, #tpu.memory_space<hbm>> -> memref<1000000x128xf32, #tpu.memory_space<hbm>>
      tpu.wait_indirect_dma semaphore(%arg23 : memref<!tpu.dma_semaphore, #tpu.memory_space<semaphore_mem>>) src(%dma_wait3A_137 : memref<1000000x128xf32, #tpu.memory_space<hbm>>) dst(%arg15 : memref<128x128xf32, #tpu.memory_space<vmem>>)
      %add3A_138 = arith.constant 1 : i32
      %add3A_139 = arith.addi %mul3A_59, %add3A_138 : i32
      %mul3A_140 = arith.constant 128 : i32
      %mul3A_141 = arith.muli %add3A_139, %mul3A_140 : i32
      %add3A_142 = arith.addi %mul3A_2, %mul3A_141 : i32
      %multiple_of3A_143 = tpu.assume_multiple %add3A_142, 128 : i32
      %dma_start3A_144 = arith.constant 0 : i32
      %dma_start3A_145 = tpu.memref_slice %arg7[%multiple_of3A_143, %dma_start3A_144] : memref<40960x128xf32, #tpu.memory_space<hbm>> -> memref<128x128xf32, #tpu.memory_space<hbm>>
      %dma_start3A_146 = arith.constant 0 : i32
      %dma_start3A_147 = tpu.memref_slice %arg7[%multiple_of3A_143, %dma_start3A_146] : memref<40960x128xf32, #tpu.memory_space<hbm>> -> memref<128x128xf32, #tpu.memory_space<hbm>>
      tpu.enqueue_dma source(%arg15 : memref<128x128xf32, #tpu.memory_space<vmem>>) target(%dma_start3A_147 : memref<128x128xf32, #tpu.memory_space<hbm>>) target_semaphore(%arg27 : memref<!tpu.dma_semaphore, #tpu.memory_space<semaphore_mem>>)
      %add3A_148 = arith.constant 3 : i32
      %add3A_149 = arith.addi %mul3A_59, %add3A_148 : i32
      %mul3A_150 = arith.constant 128 : i32
      %mul3A_151 = arith.muli %add3A_149, %mul3A_150 : i32
      %add3A_152 = arith.addi %mul3A_2, %mul3A_151 : i32
      %min3A_153 = arith.constant 40832 : i32
      %min3A_154 = arith.minsi %add3A_152, %min3A_153 : i32
      %dma_start3A_155 = tpu.memref_slice %arg5[%min3A_154] : memref<40960xi32, #tpu.memory_space<hbm>> -> memref<128xi32, #tpu.memory_space<hbm>>
      %dma_start3A_156 = tpu.memref_slice %arg5[%min3A_154] : memref<40960xi32, #tpu.memory_space<hbm>> -> memref<128xi32, #tpu.memory_space<hbm>>
      tpu.enqueue_dma source(%dma_start3A_156 : memref<128xi32, #tpu.memory_space<hbm>>) target(%arg11 : memref<128xi32, #tpu.memory_space<vmem>>) target_semaphore(%arg19 : memref<!tpu.dma_semaphore, #tpu.memory_space<semaphore_mem>>)
      %dma_wait3A_157 = arith.constant 0 : i32
      %dma_wait3A_158 = tpu.memref_slice %arg4[%dma_wait3A_157] : memref<40960xi32, #tpu.memory_space<hbm>> -> memref<128xi32, #tpu.memory_space<hbm>>
      %dma_wait3A_159 = arith.constant 0 : i32
      %dma_wait3A_160 = tpu.memref_slice %arg4[%dma_wait3A_159] : memref<40960xi32, #tpu.memory_space<hbm>> -> memref<128xi32, #tpu.memory_space<hbm>>
      tpu.wait_dma2 semaphore(%arg16 : memref<!tpu.dma_semaphore, #tpu.memory_space<semaphore_mem>>) src(%dma_wait3A_160 : memref<128xi32, #tpu.memory_space<hbm>>) dst(%arg8 : memref<128xi32, #tpu.memory_space<vmem>>)
      %dma_wait3A_161 = arith.constant 0 : i32
      %dma_wait3A_162 = arith.constant 0 : i32
      %dma_wait3A_163 = tpu.memref_slice %arg6[%dma_wait3A_161, %dma_wait3A_162] : memref<40960x128xf32, #tpu.memory_space<hbm>> -> memref<128x128xf32, #tpu.memory_space<hbm>>
      %dma_wait3A_164 = arith.constant 0 : i32
      %dma_wait3A_165 = arith.constant 0 : i32
      %dma_wait3A_166 = tpu.memref_slice %arg6[%dma_wait3A_164, %dma_wait3A_165] : memref<40960x128xf32, #tpu.memory_space<hbm>> -> memref<128x128xf32, #tpu.memory_space<hbm>>
      tpu.wait_dma2 semaphore(%arg24 : memref<!tpu.dma_semaphore, #tpu.memory_space<semaphore_mem>>) src(%arg12 : memref<128x128xf32, #tpu.memory_space<vmem>>) dst(%dma_wait3A_166 : memref<128x128xf32, #tpu.memory_space<hbm>>)
      %dma_start3A_167 = arith.constant 0 : i32
      %dma_start3A_168 = arith.constant 0 : i32
      %dma_start3A_169 = tpu.memref_slice %arg2[%dma_start3A_167, %dma_start3A_168] : memref<100000x128xf32, #tpu.memory_space<hbm>> -> memref<100000x128xf32, #tpu.memory_space<hbm>>
      tpu.enqueue_indirect_dma source(%dma_start3A_169 : memref<100000x128xf32, #tpu.memory_space<hbm>>) target(%arg12 : memref<128x128xf32, #tpu.memory_space<vmem>>) offsets(%arg8 : memref<128xi32, #tpu.memory_space<vmem>>) semaphore(%arg20 : memref<!tpu.dma_semaphore, #tpu.memory_space<semaphore_mem>>)
      %dma_wait3A_170 = arith.constant 0 : i32
      %dma_wait3A_171 = tpu.memref_slice %arg5[%dma_wait3A_170] : memref<40960xi32, #tpu.memory_space<hbm>> -> memref<128xi32, #tpu.memory_space<hbm>>
      %dma_wait3A_172 = arith.constant 0 : i32
      %dma_wait3A_173 = tpu.memref_slice %arg5[%dma_wait3A_172] : memref<40960xi32, #tpu.memory_space<hbm>> -> memref<128xi32, #tpu.memory_space<hbm>>
      tpu.wait_dma2 semaphore(%arg18 : memref<!tpu.dma_semaphore, #tpu.memory_space<semaphore_mem>>) src(%dma_wait3A_173 : memref<128xi32, #tpu.memory_space<hbm>>) dst(%arg10 : memref<128xi32, #tpu.memory_space<vmem>>)
      %dma_wait3A_174 = arith.constant 0 : i32
      %dma_wait3A_175 = arith.constant 0 : i32
      %dma_wait3A_176 = tpu.memref_slice %arg7[%dma_wait3A_174, %dma_wait3A_175] : memref<40960x128xf32, #tpu.memory_space<hbm>> -> memref<128x128xf32, #tpu.memory_space<hbm>>
      %dma_wait3A_177 = arith.constant 0 : i32
      %dma_wait3A_178 = arith.constant 0 : i32
      %dma_wait3A_179 = tpu.memref_slice %arg7[%dma_wait3A_177, %dma_wait3A_178] : memref<40960x128xf32, #tpu.memory_space<hbm>> -> memref<128x128xf32, #tpu.memory_space<hbm>>
      tpu.wait_dma2 semaphore(%arg26 : memref<!tpu.dma_semaphore, #tpu.memory_space<semaphore_mem>>) src(%arg14 : memref<128x128xf32, #tpu.memory_space<vmem>>) dst(%dma_wait3A_179 : memref<128x128xf32, #tpu.memory_space<hbm>>)
      %dma_start3A_180 = arith.constant 0 : i32
      %dma_start3A_181 = arith.constant 0 : i32
      %dma_start3A_182 = tpu.memref_slice %arg3[%dma_start3A_180, %dma_start3A_181] : memref<1000000x128xf32, #tpu.memory_space<hbm>> -> memref<1000000x128xf32, #tpu.memory_space<hbm>>
      tpu.enqueue_indirect_dma source(%dma_start3A_182 : memref<1000000x128xf32, #tpu.memory_space<hbm>>) target(%arg14 : memref<128x128xf32, #tpu.memory_space<vmem>>) offsets(%arg10 : memref<128xi32, #tpu.memory_space<vmem>>) semaphore(%arg22 : memref<!tpu.dma_semaphore, #tpu.memory_space<semaphore_mem>>)
      %dma_wait3A_183 = arith.constant 0 : i32
      %dma_wait3A_184 = arith.constant 0 : i32
      %dma_wait3A_185 = tpu.memref_slice %arg6[%dma_wait3A_183, %dma_wait3A_184] : memref<40960x128xf32, #tpu.memory_space<hbm>> -> memref<128x128xf32, #tpu.memory_space<hbm>>
      %dma_wait3A_186 = arith.constant 0 : i32
      %dma_wait3A_187 = arith.constant 0 : i32
      %dma_wait3A_188 = tpu.memref_slice %arg6[%dma_wait3A_186, %dma_wait3A_187] : memref<40960x128xf32, #tpu.memory_space<hbm>> -> memref<128x128xf32, #tpu.memory_space<hbm>>
      tpu.wait_dma2 semaphore(%arg25 : memref<!tpu.dma_semaphore, #tpu.memory_space<semaphore_mem>>) src(%arg13 : memref<128x128xf32, #tpu.memory_space<vmem>>) dst(%dma_wait3A_188 : memref<128x128xf32, #tpu.memory_space<hbm>>)
      %dma_wait3A_189 = arith.constant 0 : i32
      %dma_wait3A_190 = arith.constant 0 : i32
      %dma_wait3A_191 = tpu.memref_slice %arg7[%dma_wait3A_189, %dma_wait3A_190] : memref<40960x128xf32, #tpu.memory_space<hbm>> -> memref<128x128xf32, #tpu.memory_space<hbm>>
      %dma_wait3A_192 = arith.constant 0 : i32
      %dma_wait3A_193 = arith.constant 0 : i32
      %dma_wait3A_194 = tpu.memref_slice %arg7[%dma_wait3A_192, %dma_wait3A_193] : memref<40960x128xf32, #tpu.memory_space<hbm>> -> memref<128x128xf32, #tpu.memory_space<hbm>>
      tpu.wait_dma2 semaphore(%arg27 : memref<!tpu.dma_semaphore, #tpu.memory_space<semaphore_mem>>) src(%arg15 : memref<128x128xf32, #tpu.memory_space<vmem>>) dst(%dma_wait3A_194 : memref<128x128xf32, #tpu.memory_space<hbm>>)
    }
    %scan3A_42 = arith.constant 5 : i32
    %dma_wait3A_43 = arith.constant 0 : i32
    %dma_wait3A_44 = arith.constant 0 : i32
    %dma_wait3A_45 = tpu.memref_slice %arg2[%dma_wait3A_43, %dma_wait3A_44] : memref<100000x128xf32, #tpu.memory_space<hbm>> -> memref<100000x128xf32, #tpu.memory_space<hbm>>
    tpu.wait_indirect_dma semaphore(%arg20 : memref<!tpu.dma_semaphore, #tpu.memory_space<semaphore_mem>>) src(%dma_wait3A_45 : memref<100000x128xf32, #tpu.memory_space<hbm>>) dst(%arg12 : memref<128x128xf32, #tpu.memory_space<vmem>>)
    %dma_wait3A_46 = arith.constant 0 : i32
    %dma_wait3A_47 = tpu.memref_slice %arg4[%dma_wait3A_46] : memref<40960xi32, #tpu.memory_space<hbm>> -> memref<128xi32, #tpu.memory_space<hbm>>
    %dma_wait3A_48 = arith.constant 0 : i32
    %dma_wait3A_49 = tpu.memref_slice %arg4[%dma_wait3A_48] : memref<40960xi32, #tpu.memory_space<hbm>> -> memref<128xi32, #tpu.memory_space<hbm>>
    tpu.wait_dma2 semaphore(%arg17 : memref<!tpu.dma_semaphore, #tpu.memory_space<semaphore_mem>>) src(%dma_wait3A_49 : memref<128xi32, #tpu.memory_space<hbm>>) dst(%arg9 : memref<128xi32, #tpu.memory_space<vmem>>)
    %dma_wait3A_50 = arith.constant 0 : i32
    %dma_wait3A_51 = arith.constant 0 : i32
    %dma_wait3A_52 = tpu.memref_slice %arg3[%dma_wait3A_50, %dma_wait3A_51] : memref<1000000x128xf32, #tpu.memory_space<hbm>> -> memref<1000000x128xf32, #tpu.memory_space<hbm>>
    tpu.wait_indirect_dma semaphore(%arg22 : memref<!tpu.dma_semaphore, #tpu.memory_space<semaphore_mem>>) src(%dma_wait3A_52 : memref<1000000x128xf32, #tpu.memory_space<hbm>>) dst(%arg14 : memref<128x128xf32, #tpu.memory_space<vmem>>)
    %dma_wait3A_53 = arith.constant 0 : i32
    %dma_wait3A_54 = tpu.memref_slice %arg5[%dma_wait3A_53] : memref<40960xi32, #tpu.memory_space<hbm>> -> memref<128xi32, #tpu.memory_space<hbm>>
    %dma_wait3A_55 = arith.constant 0 : i32
    %dma_wait3A_56 = tpu.memref_slice %arg5[%dma_wait3A_55] : memref<40960xi32, #tpu.memory_space<hbm>> -> memref<128xi32, #tpu.memory_space<hbm>>
    tpu.wait_dma2 semaphore(%arg19 : memref<!tpu.dma_semaphore, #tpu.memory_space<semaphore_mem>>) src(%dma_wait3A_56 : memref<128xi32, #tpu.memory_space<hbm>>) dst(%arg11 : memref<128xi32, #tpu.memory_space<vmem>>)
    return
  }
}

module attributes {stable_mosaic.version = 14 : i64} {
  func.func @_mlp_body(%arg0: i32, %arg1: memref<4096x128xf32, #tpu.memory_space<vmem>>, %arg2: memref<4096x128xf32, #tpu.memory_space<vmem>>, %arg3: memref<256x128xbf16, #tpu.memory_space<vmem>>, %arg4: memref<256x128xbf16, #tpu.memory_space<vmem>>, %arg5: memref<256x1xf32, #tpu.memory_space<vmem>>, %arg6: memref<128x256xbf16, #tpu.memory_space<vmem>>, %arg7: memref<128x1xf32, #tpu.memory_space<vmem>>, %arg8: memref<64x128xbf16, #tpu.memory_space<vmem>>, %arg9: memref<64x1xf32, #tpu.memory_space<vmem>>, %arg10: memref<8x64xbf16, #tpu.memory_space<vmem>>, %arg11: memref<1x1xf32, #tpu.memory_space<smem>>, %arg12: memref<1x1x4096xf32, #tpu.memory_space<vmem>>) attributes {dimension_semantics = [#tpu.dimension_semantics<arbitrary>], iteration_bounds = array<i64: 10>, scalar_prefetch = 0 : i64, scratch_operands = 0 : i64, tpu.core_type = #tpu.core_type<tc>, window_params = [{transform_indices = @transform_0, window_bounds = array<i64: 4096, 128>}, {transform_indices = @transform_1, window_bounds = array<i64: 4096, 128>}, {pipeline_mode = #tpu.pipeline_mode<synchronous>, transform_indices = @transform_2, window_bounds = array<i64: 256, 128>}, {pipeline_mode = #tpu.pipeline_mode<synchronous>, transform_indices = @transform_3, window_bounds = array<i64: 256, 128>}, {pipeline_mode = #tpu.pipeline_mode<synchronous>, transform_indices = @transform_4, window_bounds = array<i64: 256, 1>}, {pipeline_mode = #tpu.pipeline_mode<synchronous>, transform_indices = @transform_5, window_bounds = array<i64: 128, 256>}, {pipeline_mode = #tpu.pipeline_mode<synchronous>, transform_indices = @transform_6, window_bounds = array<i64: 128, 1>}, {pipeline_mode = #tpu.pipeline_mode<synchronous>, transform_indices = @transform_7, window_bounds = array<i64: 64, 128>}, {pipeline_mode = #tpu.pipeline_mode<synchronous>, transform_indices = @transform_8, window_bounds = array<i64: 64, 1>}, {pipeline_mode = #tpu.pipeline_mode<synchronous>, transform_indices = @transform_9, window_bounds = array<i64: 8, 64>}, {transform_indices = @transform_10, window_bounds = array<i64: 1, 1>}, {transform_indices = @transform_11, window_bounds = array<i64: 1, 1, 4096>}]} {
    %get3A = arith.constant 0 : index
    %get3A_0 = arith.constant 0 : index
    %get3A_1 = vector.load %arg1[%get3A, %get3A_0] : memref<4096x128xf32, #tpu.memory_space<vmem>>, vector<4096x128xf32>
    %convert_element_type3A = arith.truncf %get3A_1 : vector<4096x128xf32> to vector<4096x128xbf16>
    %get3A_2 = arith.constant 0 : index
    %get3A_3 = arith.constant 0 : index
    %get3A_4 = vector.load %arg2[%get3A_2, %get3A_3] : memref<4096x128xf32, #tpu.memory_space<vmem>>, vector<4096x128xf32>
    %convert_element_type3A_5 = arith.truncf %get3A_4 : vector<4096x128xf32> to vector<4096x128xbf16>
    %get3A_6 = arith.constant 0 : index
    %get3A_7 = arith.constant 0 : index
    %get3A_8 = vector.load %arg3[%get3A_6, %get3A_7] : memref<256x128xbf16, #tpu.memory_space<vmem>>, vector<256x128xbf16>
    %dot_general3A = arith.constant dense<0.000000e+00> : vector<256x4096xf32>
    %dot_general3A_9 = tpu.matmul %get3A_8, %convert_element_type3A, %dot_general3A {dimension_numbers = #tpu.dot_dimension_numbers<[1], [1], [0], [0], [0, 0, 1, 0], [], []>, transpose_lhs_hint = false} : vector<256x128xbf16>, vector<4096x128xbf16>, vector<256x4096xf32> -> vector<256x4096xf32>
    %get3A_10 = arith.constant 0 : index
    %get3A_11 = arith.constant 0 : index
    %get3A_12 = vector.load %arg4[%get3A_10, %get3A_11] : memref<256x128xbf16, #tpu.memory_space<vmem>>, vector<256x128xbf16>
    %dot_general3A_13 = arith.constant dense<0.000000e+00> : vector<256x4096xf32>
    %dot_general3A_14 = tpu.matmul %get3A_12, %convert_element_type3A_5, %dot_general3A_13 {dimension_numbers = #tpu.dot_dimension_numbers<[1], [1], [0], [0], [0, 0, 1, 0], [], []>, transpose_lhs_hint = false} : vector<256x128xbf16>, vector<4096x128xbf16>, vector<256x4096xf32> -> vector<256x4096xf32>
    %add3A = arith.addf %dot_general3A_9, %dot_general3A_14 : vector<256x4096xf32>
    %get3A_15 = arith.constant 0 : index
    %get3A_16 = arith.constant 0 : index
    %get3A_17 = vector.load %arg5[%get3A_15, %get3A_16] : memref<256x1xf32, #tpu.memory_space<vmem>>, vector<256x1xf32>
    %add3A_18 = vector.broadcast %get3A_17 : vector<256x1xf32> to vector<256x4096xf32>
    %add3A_19 = arith.addf %add3A, %add3A_18 : vector<256x4096xf32>
    %max3A = arith.constant 0.000000e+00 : f32
    %max3A_20 = vector.broadcast %max3A : f32 to vector<256x4096xf32>
    %max3A_21 = arith.maximumf %add3A_19, %max3A_20 : vector<256x4096xf32>
    %get3A_22 = arith.constant 0 : index
    %get3A_23 = arith.constant 0 : index
    %get3A_24 = vector.load %arg6[%get3A_22, %get3A_23] : memref<128x256xbf16, #tpu.memory_space<vmem>>, vector<128x256xbf16>
    %convert_element_type3A_25 = arith.truncf %max3A_21 : vector<256x4096xf32> to vector<256x4096xbf16>
    %dot_general3A_26 = arith.constant dense<0.000000e+00> : vector<128x4096xf32>
    %dot_general3A_27 = tpu.matmul %get3A_24, %convert_element_type3A_25, %dot_general3A_26 {dimension_numbers = #tpu.dot_dimension_numbers<[1], [0], [0], [1], [0, 0, 1, 1], [], []>, transpose_lhs_hint = false} : vector<128x256xbf16>, vector<256x4096xbf16>, vector<128x4096xf32> -> vector<128x4096xf32>
    %get3A_28 = arith.constant 0 : index
    %get3A_29 = arith.constant 0 : index
    %get3A_30 = vector.load %arg7[%get3A_28, %get3A_29] : memref<128x1xf32, #tpu.memory_space<vmem>>, vector<128x1xf32>
    %add3A_31 = vector.broadcast %get3A_30 : vector<128x1xf32> to vector<128x4096xf32>
    %add3A_32 = arith.addf %dot_general3A_27, %add3A_31 : vector<128x4096xf32>
    %max3A_33 = arith.constant 0.000000e+00 : f32
    %max3A_34 = vector.broadcast %max3A_33 : f32 to vector<128x4096xf32>
    %max3A_35 = arith.maximumf %add3A_32, %max3A_34 : vector<128x4096xf32>
    %get3A_36 = arith.constant 0 : index
    %get3A_37 = arith.constant 0 : index
    %get3A_38 = vector.load %arg8[%get3A_36, %get3A_37] : memref<64x128xbf16, #tpu.memory_space<vmem>>, vector<64x128xbf16>
    %convert_element_type3A_39 = arith.truncf %max3A_35 : vector<128x4096xf32> to vector<128x4096xbf16>
    %dot_general3A_40 = arith.constant dense<0.000000e+00> : vector<64x4096xf32>
    %dot_general3A_41 = tpu.matmul %get3A_38, %convert_element_type3A_39, %dot_general3A_40 {dimension_numbers = #tpu.dot_dimension_numbers<[1], [0], [0], [1], [0, 0, 1, 1], [], []>, transpose_lhs_hint = false} : vector<64x128xbf16>, vector<128x4096xbf16>, vector<64x4096xf32> -> vector<64x4096xf32>
    %get3A_42 = arith.constant 0 : index
    %get3A_43 = arith.constant 0 : index
    %get3A_44 = vector.load %arg9[%get3A_42, %get3A_43] : memref<64x1xf32, #tpu.memory_space<vmem>>, vector<64x1xf32>
    %add3A_45 = vector.broadcast %get3A_44 : vector<64x1xf32> to vector<64x4096xf32>
    %add3A_46 = arith.addf %dot_general3A_41, %add3A_45 : vector<64x4096xf32>
    %max3A_47 = arith.constant 0.000000e+00 : f32
    %max3A_48 = vector.broadcast %max3A_47 : f32 to vector<64x4096xf32>
    %max3A_49 = arith.maximumf %add3A_46, %max3A_48 : vector<64x4096xf32>
    %get3A_50 = arith.constant 0 : index
    %get3A_51 = arith.constant 0 : index
    %get3A_52 = vector.load %arg10[%get3A_50, %get3A_51] : memref<8x64xbf16, #tpu.memory_space<vmem>>, vector<8x64xbf16>
    %convert_element_type3A_53 = arith.truncf %max3A_49 : vector<64x4096xf32> to vector<64x4096xbf16>
    %dot_general3A_54 = arith.constant dense<0.000000e+00> : vector<8x4096xf32>
    %dot_general3A_55 = tpu.matmul %get3A_52, %convert_element_type3A_53, %dot_general3A_54 {dimension_numbers = #tpu.dot_dimension_numbers<[1], [0], [0], [1], [0, 0, 1, 1], [], []>, transpose_lhs_hint = false} : vector<8x64xbf16>, vector<64x4096xbf16>, vector<8x4096xf32> -> vector<8x4096xf32>
    %slice3A = vector.extract_strided_slice %dot_general3A_55 {offsets = [0, 0], sizes = [1, 4096], strides = [1, 1]} : vector<8x4096xf32> to vector<1x4096xf32>
    %get3A_56 = arith.constant 0 : index
    %get3A_57 = arith.constant 0 : index
    %get3A_58 = memref.load %arg11[%get3A_56, %get3A_57] : memref<1x1xf32, #tpu.memory_space<smem>>
    %add3A_59 = vector.broadcast %get3A_58 : f32 to vector<1x4096xf32>
    %add3A_60 = arith.addf %slice3A, %add3A_59 : vector<1x4096xf32>
    %logistic3A = arith.negf %add3A_60 : vector<1x4096xf32>
    %logistic3A_61 = math.exp %logistic3A : vector<1x4096xf32>
    %logistic3A_62 = arith.constant 1.000000e+00 : f32
    %logistic3A_63 = vector.broadcast %logistic3A_62 : f32 to vector<1x4096xf32>
    %logistic3A_64 = arith.addf %logistic3A_63, %logistic3A_61 : vector<1x4096xf32>
    %logistic3A_65 = arith.divf %logistic3A_63, %logistic3A_64 : vector<1x4096xf32>
    %reshape3A = vector.shape_cast %logistic3A_65 : vector<1x4096xf32> to vector<1x1x4096xf32>
    %swap3A = arith.constant 0 : index
    %swap3A_66 = arith.constant 0 : index
    %swap3A_67 = arith.constant 0 : index
    %swap3A_68 = vector.load %arg12[%swap3A, %swap3A_66, %swap3A_67] : memref<1x1x4096xf32, #tpu.memory_space<vmem>>, vector<1x1x4096xf32>
    tpu.vector_store %arg12[%swap3A, %swap3A_66, %swap3A_67], %reshape3A {strides = array<i32>} : memref<1x1x4096xf32, #tpu.memory_space<vmem>>, vector<1x1x4096xf32>,
    return
  }
  func.func @transform_0(%arg0: i32) -> (i32, i32) {
    %c0_i32 = arith.constant 0 : i32
    %c0_i32_0 = arith.constant 0 : i32
    return %arg0, %c0_i32 : i32, i32
  }
  func.func @transform_1(%arg0: i32) -> (i32, i32) {
    %c0_i32 = arith.constant 0 : i32
    %c0_i32_0 = arith.constant 0 : i32
    return %arg0, %c0_i32 : i32, i32
  }
  func.func @transform_2(%arg0: i32) -> (i32, i32) {
    %c0_i32 = arith.constant 0 : i32
    %c0_i32_0 = arith.constant 0 : i32
    %c0_i32_1 = arith.constant 0 : i32
    return %c0_i32, %c0_i32_0 : i32, i32
  }
  func.func @transform_3(%arg0: i32) -> (i32, i32) {
    %c0_i32 = arith.constant 0 : i32
    %c0_i32_0 = arith.constant 0 : i32
    %c0_i32_1 = arith.constant 0 : i32
    return %c0_i32, %c0_i32_0 : i32, i32
  }
  func.func @transform_4(%arg0: i32) -> (i32, i32) {
    %c0_i32 = arith.constant 0 : i32
    %c0_i32_0 = arith.constant 0 : i32
    %c0_i32_1 = arith.constant 0 : i32
    return %c0_i32, %c0_i32_0 : i32, i32
  }
  func.func @transform_5(%arg0: i32) -> (i32, i32) {
    %c0_i32 = arith.constant 0 : i32
    %c0_i32_0 = arith.constant 0 : i32
    %c0_i32_1 = arith.constant 0 : i32
    return %c0_i32, %c0_i32_0 : i32, i32
  }
  func.func @transform_6(%arg0: i32) -> (i32, i32) {
    %c0_i32 = arith.constant 0 : i32
    %c0_i32_0 = arith.constant 0 : i32
    %c0_i32_1 = arith.constant 0 : i32
    return %c0_i32, %c0_i32_0 : i32, i32
  }
  func.func @transform_7(%arg0: i32) -> (i32, i32) {
    %c0_i32 = arith.constant 0 : i32
    %c0_i32_0 = arith.constant 0 : i32
    %c0_i32_1 = arith.constant 0 : i32
    return %c0_i32, %c0_i32_0 : i32, i32
  }
  func.func @transform_8(%arg0: i32) -> (i32, i32) {
    %c0_i32 = arith.constant 0 : i32
    %c0_i32_0 = arith.constant 0 : i32
    %c0_i32_1 = arith.constant 0 : i32
    return %c0_i32, %c0_i32_0 : i32, i32
  }
  func.func @transform_9(%arg0: i32) -> (i32, i32) {
    %c0_i32 = arith.constant 0 : i32
    %c0_i32_0 = arith.constant 0 : i32
    %c0_i32_1 = arith.constant 0 : i32
    return %c0_i32, %c0_i32_0 : i32, i32
  }
  func.func @transform_10(%arg0: i32) -> (i32, i32) {
    %c0_i32 = arith.constant 0 : i32
    %c0_i32_0 = arith.constant 0 : i32
    %c0_i32_1 = arith.constant 0 : i32
    return %c0_i32, %c0_i32_0 : i32, i32
  }
  func.func @transform_11(%arg0: i32) -> (i32, i32, i32) {
    %c0_i32 = arith.constant 0 : i32
    %c0_i32_0 = arith.constant 0 : i32
    %c0_i32_1 = arith.constant 0 : i32
    return %arg0, %c0_i32, %c0_i32_0 : i32, i32, i32
  }
}

</mosaic_0001>

<sc_bundles>
// kernel: kernel.12.cloned.1.call-start
scs
__scs_entry_jumppad:
0x0: {  	(pc) =	sbr.rel $0x88, $3  }
0x1: {  	(tag) =	ssettag $0x0;
	lr =	simm.s32 $0x1  }
0x2: {  	[smem:$0x3F95] =	sst lr;
	_ =	strace $0xD0000000  }
0x3: {  	_ = 	snop  }
0x4: {  	_ = 	snop  }
0x5: {  	_ = 	snop  }
0x6: {  	_ = 	snop  }
0x7: {  	_ = 	snop  }
__scs_overlays_trampoline_lowered:
0x8: {  	[smem:$0x3FA4] =	sst s0  }
0x9: {  	[smem:$0x3FA5] =	sst s1  }
0xa: {  	[smem:$0x3FA6] =	sst s2  }
0xb: {  	[smem:$0x3FA7] =	sst s3  }
0xc: {  	[smem:$0x3FA8] =	sst s4  }
0xd: {  	[smem:$0x3FA9] =	sst s5  }
0xe: {  	[smem:$0x3FAA] =	sst s6  }
0xf: {  	[smem:$0x3FAB] =	sst s7  }
0x10: {  	[smem:$0x3FAC] =	sst s8  }
0x11: {  	[smem:$0x3FAD] =	sst s9;
	s0 =	simm.s32 @!p0 $0x0  }
0x12: {  	s1 =	sld [smem:$0x3F93];
	s0 =	simm.s32 @p0 $0x1  }
0x13: {  	[smem:$0x3FAE] =	sst s0;
	s0 =	simm.s32 @!p1 $0x0  }
0x14: {  	s2 =	sld [smem:$0x3F92];
	s0 =	simm.s32 @p1 $0x1  }
0x15: {  	[smem:$0x3FAF] =	sst s0;
	s0 =	simm.s32 @!p2 $0x0  }
0x16: {  	s3 =	sld [smem:$0x3FDB];
	s0 =	simm.s32 @p2 $0x1  }
0x17: {  	s4 =	simm.s32 $0x1BF5;
	[smem:$0x3FB1] =	sst s0  }
0x18: {  	s0 =	sld [smem:$0x3F94];
	_ =	swait.ge [sflag:s4], $0x0  }
0x19: {  	s7 =	sld [smem:$0x3F95]  }
0x1a: {  	s8 =	sadd.s32 $0xFFFFE003, lr  }
0x1b: {  	s9 =	sadd.s32 $0xFFFFFEF7, lr;
	s5 =	simm.s32 $0xFFFFFFFF;
	p2 =	slt.u32 s8, $0xFFFFF086  }
0x1c: {  	p1 =	slt.u32 s9, $0xF7A;
	s5 =	simm.s32 @!p2 $0x0  }
0x1d: {  	s5 =	simm.s32 @p1 $0x1;
	p0 =	seq.s32 s7, s2  }
0x1e: {  	s7 =	smul.u32 @!p0 $0xF7A, s2;
	p2 =	seq.s32 @!p0 s5, $0x0  }
0x1f: {  	s9 =	smul.u32 $0xF7A, s1;
	s8 =	simm.s32 @!p0 $0x1BF5;
	p2 =	por !p2, p0  }
0x20: {  	[sflag:s8] =	ssyncset.s32 @!p0 $0xFFFFF086;
	s6 =	sadd.s32 @!p0 s3, s7;
	s7 =	simm.s32 @!p0 $0x108  }
0x21: {  	s3 =	sadd.s32 s3, s9;
	s6 =	sadd.s32 @!p0 $0x88, s6;
	s7 =	simm.s32 @p2 $0x1082  }
0x22: {  	[simem:s7], [sflag:s8] =	dma.local @!p0 [hbm:s6], $0xF7A  }
0x23: {  	s9 =	sor.u32 $0xD0000000, s2;
	s6 =	simm.s32 $0x108;
	_ =	swait.ge @!p0 [sflag:s8], $0x0  }
0x24: {  	s3 =	sadd.s32 $0x88, s3;
	s6 =	simm.s32 @!p1 $0x1082;
	[sflag:s4] =	ssyncset.s32 $0xFFFFF086  }
0x25: {  	[simem:s6], [sflag:s4] =	dma.local [hbm:s3], $0xF7A  }
0x26: {  	[smem:$0x3F95] =	sst s1;
	(tag) =	ssettag s2;
	_ =	strace s9  }
0x27: {  	s1 =	sld [smem:$0x3FA5]  }
0x28: {  	s2 =	sld [smem:$0x3FA6]  }
0x29: {  	s4 =	sld [smem:$0x3FA8]  }
0x2a: {  	p0 =	seq.s32 s5, $0x0;
	s5 =	sld [smem:$0x3FA9]  }
0x2b: {  	s6 =	sld [smem:$0x3FAA]  }
0x2c: {  	s7 =	sld [smem:$0x3FAB]  }
0x2d: {  	s3 =	simm.s32 $0x108;
	s8 =	sld [smem:$0x3FAC]  }
0x2e: {  	s3 =	simm.s32 @!p0 $0x1082;
	s9 =	sld [smem:$0x3FAD]  }
0x2f: {  	lr =	sadd.s32 s0, s3;
	s0 =	sld [smem:$0x3FA4]  }
0x30: {  	s3 =	sld [smem:$0x3FA7]  }
0x31: {  	[smem:$0x3FB0] =	sst s10  }
0x32: {  	s10 =	sld [smem:$0x3FAE];
	_ =	sdelay $0x3  }
0x33: {  	p0 =	seq.s32 s10, $0x1;
	s10 =	sld [smem:$0x3FB0];
	_ =	sdelay $0x3  }
0x34: {  	[smem:$0x3FB0] =	sst s10  }
0x35: {  	s10 =	sld [smem:$0x3FAF];
	_ =	sdelay $0x3  }
0x36: {  	p1 =	seq.s32 s10, $0x1;
	s10 =	sld [smem:$0x3FB0];
	_ =	sdelay $0x3  }
0x37: {  	[smem:$0x3FB0] =	sst s10  }
0x38: {  	s10 =	sld [smem:$0x3FB1]  }
0x39: {  	_ = 	snop;
	(pc) =	sbr.ind lr, $3  }
0x3a: {  	_ = 	snop  }
0x3b: {  	_ = 	snop  }
0x3c: {  	p2 =	seq.s32 s10, $0x1;
	s10 =	sld [smem:$0x3FB0]  }
0x3d: {  	_ =	shalt  }
0x3e: {  	_ =	shalt  }
0x3f: {  	_ =	shalt  }
0x40: {  	_ =	shalt  }
0x41: {  	_ =	shalt  }
0x42: {  	_ =	shalt  }
0x43: {  	_ =	shalt  }
0x44: {  	_ =	shalt  }
0x45: {  	_ =	shalt  }
0x46: {  	_ =	shalt  }
0x47: {  	_ =	shalt  }
0x48: {  	_ =	shalt  }
0x49: {  	_ =	shalt  }
0x4a: {  	_ =	shalt  }
0x4b: {  	_ =	shalt  }
0x4c: {  	_ =	shalt  }
0x4d: {  	_ =	shalt  }
0x4e: {  	_ =	shalt  }
0x4f: {  	_ =	shalt  }
0x50: {  	_ =	shalt  }
0x51: {  	_ =	shalt  }
0x52: {  	_ =	shalt  }
0x53: {  	_ =	shalt  }
0x54: {  	_ =	shalt  }
0x55: {  	_ =	shalt  }
0x56: {  	_ =	shalt  }
0x57: {  	_ =	shalt  }
0x58: {  	_ =	shalt  }
0x59: {  	_ =	shalt  }
0x5a: {  	_ =	shalt  }
0x5b: {  	_ =	shalt  }
0x5c: {  	_ =	shalt  }
0x5d: {  	_ =	shalt  }
0x5e: {  	_ =	shalt  }
0x5f: {  	_ =	shalt  }
0x60: {  	_ =	shalt  }
0x61: {  	_ =	shalt  }
0x62: {  	_ =	shalt  }
0x63: {  	_ =	shalt  }
0x64: {  	_ =	shalt  }
0x65: {  	_ =	shalt  }
0x66: {  	_ =	shalt  }
0x67: {  	_ =	shalt  }
0x68: {  	_ =	shalt  }
0x69: {  	_ =	shalt  }
0x6a: {  	_ =	shalt  }
0x6b: {  	_ =	shalt  }
0x6c: {  	_ =	shalt  }
0x6d: {  	_ =	shalt  }
0x6e: {  	_ =	shalt  }
0x6f: {  	_ =	shalt  }
0x70: {  	_ =	shalt  }
0x71: {  	_ =	shalt  }
0x72: {  	_ =	shalt  }
0x73: {  	_ =	shalt  }
0x74: {  	_ =	shalt  }
0x75: {  	_ =	shalt  }
0x76: {  	_ =	shalt  }
0x77: {  	_ =	shalt  }
0x78: {  	_ =	shalt  }
0x79: {  	_ =	shalt  }
0x7a: {  	_ =	shalt  }
0x7b: {  	_ =	shalt  }
0x7c: {  	_ =	shalt  }
0x7d: {  	_ =	shalt  }
0x7e: {  	_ =	shalt  }
0x7f: {  	_ =	shalt  }
0x80: {  	_ =	shalt  }
0x81: {  	_ =	shalt  }
0x82: {  	_ =	shalt  }
0x83: {  	_ =	shalt  }
0x84: {  	_ =	shalt  }
0x85: {  	_ =	shalt  }
0x86: {  	_ =	shalt  }
0x87: {  	_ =	shalt  }
.Lfunc_end0:
.L_simem_size_0:
called_computation_lowered:
.L_overlay_start_0:
0x88: {  	s2 =	sld [smem:$0x3FD9]  }
0x89: {  	s3 =	sld [smem:$0x3FFE];
	_ =	sdelay $0x1  }
0x8a: {  	s1 =	srdreg.scid  }
0x8b: {  	s0 =	sand.u32 $0x1, s1  }
0x8c: {  	s17 =	sshll.u32 s0, $0xA;
	s2 =	sadd.s32 s3, s2  }
0x8d: {  	s2 =	sadd.s32 s2, s17  }
0x8e: {  	[smem:$0x3FBC] =	sst s2  }
0x8f: {  	_ = 	snop  }
0x90: {  	s18 =	sld [smem:$0x3FC7]  }
0x91: {  	s4 =	sld [smem:$0x3FC6];
	(tm) =	ssettm $0x1  }
0x92: {  	s19 =	sld [smem:$0x3FFB];
	_ =	sdelay $0x3  }
0x93: {  	_ =	strace s19  }
0x94: {  	s2 =	sld [smem:$0x3FFC];
	_ =	sdelay $0x3  }
0x95: {  	_ =	strace s2  }
0x96: {  	s2 =	sld [smem:$0x3FFD];
	_ =	sdelay $0x3  }
0x97: {  	_ =	strace s2  }
0x98: {  	_ =	strace $0x8FFFFFFF  }
0x99: {  	s20 =	sld [smem:$0x3FDB];
	_ =	sdelay $0x1  }
0x9a: {  	s5 =	simm.s32 $_scs_section_size  }
0x9b: {  	s6 =	simm.s32 $_size__tile_overlayer_lowered;
	s7 =	simm.s32 $_tile_overlayer_lowered  }
0x9c: {  	s8 =	simm.s32 $0x1BFF;
	s21 =	sshll.u32 s7, $0x1;
	s5 =	sadd.s32 s5, s20  }
0x9d: {  	s22 =	simm.s32 $0x0;
	s6 =	sshll.u32 s6, $0x1;
	s7 =	sadd.s32 s21, s5  }
0x9e: {  	[timem:s22], [sflag:s8] =	dma.local [hbm:s7], s6  }
0x9f: {  	_ =	swait.ge [sflag:s8], s6  }
0xa0: {  	s6 =	ssub.s32 $0x0, s6;
	[sflag:s8] =	ssyncset.done $0x0  }
0xa1: {  	[sflag:s8] =	ssyncadd.s32 s6;
	_ =	sdelay $0x1  }
0xa2: {  	s23 =	simm.s32 $0x1B8B  }
0xa3: {  	_ =	swait.ge [sflag:s23], $0x1  }
0xa4: {  	[sflag:s23] =	ssyncset.done $0x0  }
0xa5: {  	[sflag:s23] =	ssyncadd.s32 $0xFFFFFFFF  }
0xa6: {  	s6 =	sld [smem:$0x0]  }
0xa7: {  	s7 =	sand.u32 $0xFFFFFFFE, s1  }
0xa8: {  	p0 =	sne.s32 s1, s7  }
0xa9: {  	s7 =	sshll.u32 @p0 s7, $0xE  }
0xaa: {  	s7 =	sadd.s32 @p0 $0x11B8D, s7;
	s8 =	sshll.u32 @p0 s6, $0x11  }
0xab: {  	s7 =	sor.u32 @p0 s8, s7  }
0xac: {  	[sflag:s7] =	ssyncadd.remote.s32 @p0 $0x1;
	_ =	sdelay $0x1  }
0xad: {  	s7 =	simm.s32 @p0 $0x1B8D  }
0xae: {  	_ =	swait.eq @p0 [sflag:s7], $0x1  }
0xaf: {  	[sflag:s7] =	ssyncadd.s32 @p0 $0xFFFFFFFF  }
0xb0: {  	s8 =	sshll.u32 @!p0 s1, $0xE  }
0xb1: {  	s8 =	sor.u32 @!p0 $0x4000, s8;
	s7 =	simm.s32 @!p0 $0x1B8D  }
0xb2: {  	s6 =	sshll.u32 @!p0 s6, $0x11;
	s8 =	sadd.s32 @!p0 $0x11B8D, s8;
	_ =	swait.eq @!p0 [sflag:s7], $0x1  }
0xb3: {  	s6 =	sor.u32 @!p0 s6, s8;
	[sflag:s7] =	ssyncadd.s32 @!p0 $0xFFFFFFFF  }
0xb4: {  	s25 =	simm.s32 $0x1B8E;
	s24 =	sld [smem:$0x3FFE];
	[sflag:s6] =	ssyncadd.remote.s32 @!p0 $0x1  }
0xb5: {  	s26 =	simm.s32 $execute0_lowered;
	[smem:$0x3FD2] =	sst s25  }
0xb6: {  	s7 =	sshll.u32 s26, $0x1;
	_ =	strace $0x8000004F;
	[dreg:$0x1] =	wrdreg $0xFFFFFFFF  }
0xb7: {  	s28 =	simm.s32 $_size_execute0_lowered;
	s5 =	sadd.s32 s5, s7;
	[dreg:$0x0] =	wrdreg $0x0  }
0xb8: {  	s7 =	sshll.u32 s28, $0x1;
	[dreg:$0x2] =	wrdreg s5  }
0xb9: {  	[dreg:$0x3] =	wrdreg s7  }
0xba: {  	[dreg:$0x4] =	wrdreg $0xC0  }
0xbb: {  	_ =	task [dreg:s22], $0x5FFFF  }
0xbc: {  	[dreg:$0x1] =	wrdreg $0xFFFFFFFF  }
0xbd: {  	[dreg:$0x0] =	wrdreg $0x60  }
0xbe: {  	[dreg:$0x2] =	wrdreg s18  }
0xbf: {  	[dreg:$0x3] =	wrdreg s4  }
0xc0: {  	[dreg:$0x4] =	wrdreg s24  }
0xc1: {  	[dreg:$0x5] =	wrdreg $0x9  }
0xc2: {  	_ =	task.clear_ibuf [dreg:s22], $0x6FFFF;
	_ =	strace $0x9000004F  }
0xc3: {  	s29 =	simm.s32 $0x9;
	_ =	strace $0x80000051  }
0xc4: {  	_ =	swait.ge [sflag:s29], $0x1  }
0xc5: {  	[sflag:s29] =	ssyncadd.s32 $0xFFFFFFFF  }
0xc6: {  	_ =	strace $0x90000051  }
0xc7: {  	_ =	sfence  }
0xc8: {  	s30 =	sld [smem:$0x0];
	_ =	sdelay $0x2  }
0xc9: {  	s31 =	sshll.u32 s1, $0xD;
	s1 =	sshrl.u32 s1, $0x2  }
0xca: {  	s4 =	sand.u32 $0x4000, s31;
	s1 =	sadd.s32 s1, s30  }
0xcb: {  	s0 =	sor.u32 s4, s0;
	s1 =	sshll.u32 s1, $0x11  }
0xcc: {  	s0 =	sor.u32 s1, s0  }
0xcd: {  	s0 =	sadd.s32 $0x8F2B, s0  }
0xce: {  	[sflag:s0] =	ssyncadd.remote.s32 $0x1  }
0xcf: {  	_ =	sfence.sel $0xFFFF  }
0xd0: {  	[dreg:$0x0] =	wrdreg $0xFFFFFFFF;
	(pc) =	sbr.abs _section_cstart, $3  }
0xd1: {  	[dreg:$0x1] =	wrdreg $0xFFFFFFFF  }
0xd2: {  	_ =	task.clear_ibuf [dreg:s22], $0x2FFFF;
	_ =	strace $0x9FFFFFFF  }
0xd3: {  	(tm) =	ssettm $0x7FFFFFFF  }
tec
execute0_lowered:
.L_overlay_start_1:
0x0: {  	(tag) =	ssettag $0x1  }
0x1: {  	s1 =	rddreg [dreg:$0x0]  }
0x2: {  	s2 =	rddreg [dreg:$0x1]  }
0x3: {  	s0 =	rddreg [dreg:$0x2];
	s4 =	simm.s32 $0x0;
	s3 =	srdreg.scid  }
0x4: {  	s14 =	stileid.u32;
	s15 =	simm.s32 $0x180;
	s16 =	simm.s32 $0x1  }
0x5: {  	s17 =	simm.s32 $0x200;
	s28 =	simm.s32 $0x8;
	s29 =	simm.s32 $0x9  }
0x6: {  	s30 =	simm.s32 $0xB;
	s31 =	simm.s32 $0xA;
	s10 =	smul.u32 $0x50000, s14  }
0x7: {  	[smem:$0x7FF] =	sst s4;
	s3 =	sand.u32 $0x1, s3;
	s22 =	smul.u32 $0xA00, s14  }
0x8: {  	s6 =	sshll.u32 s14, $0x1;
	s8 =	sadd.s32 $0x3CF800, s0;
	s14 =	smul.u32 $0xA000, s14  }
0x9: {  	s5 =	sadd.s32 $0xD000, s0;
	_ =	strace $0x80000050;
	s13 =	smul.u32 $0x28000, s3  }
0xa: {  	s7 =	sor.u32 s3, s6;
	s9 =	ssub.s32 $0x2, s3;
	s25 =	smul.u32 $0x5000, s3  }
0xb: {  	s6 =	sadd.s32 $0xBC00, s0;
	s3 =	smul.u32 $0x500, s3;
	s11 =	sshrl.u32 s9, $0x1  }
0xc: {  	s0 =	sadd.s32 $0x46F800, s0;
	s7 =	smul.u32 $0x500, s7;
	s9 =	ssub.s32 s9, s11  }
0xd: {  	s10 =	sadd.s32 s13, s10;
	s3 =	sadd.s32 s3, s22;
	s13 =	simm.s32 $0x80  }
0xe: {  	s22 =	simm.s32 $0x4;
	s12 =	sor.u32 $0x80, s7;
	s7 =	sshrl.u32 s7, $0x3  }
0xf: {  	s21 =	sshrl.u32 s10, $0x3;
	s9 =	smax.u32 s9, $0x1;
	s18 =	sshrl.u32 s12, $0x3  }
0x10: {  	s19 =	sadd.s32 s5, s7;
	s7 =	sadd.s32 s6, s7;
	[dreg:$0xc] =	wrdreg s9  }
0x11: {  	s24 =	sadd.s32 s21, s0;
	s0 =	sadd.s32 s14, s0;
	[dreg:$0x8] =	wrdreg s19  }
0x12: {  	s20 =	sadd.s32 s5, s18;
	[dreg:$0xa] =	wrdreg s7;
	s23 =	sadd.s32 s6, s18  }
0x13: {  	[dreg:$0x4] =	wrdreg s24;
	s7 =	sadd.s32 s21, s8;
	s8 =	sadd.s32 s14, s8  }
0x14: {  	s0 =	sadd.s32 s25, s0;
	s14 =	simm.s32 $0x100;
	[dreg:$0x9] =	wrdreg s20  }
0x15: {  	s18 =	simm.s32 $0x3;
	s19 =	simm.s32 $0x8200;
	[dreg:$0xb] =	wrdreg s23  }
0x16: {  	s21 =	simm.s32 $0x4200;
	s24 =	simm.s32 $0x5;
	[dreg:$0x5] =	wrdreg s7  }
0x17: {  	s26 =	sadd.s32 s25, s8;
	s8 =	sadd.s32 $0x180, s3;
	s0 =	sadd.s32 $0x800, s0  }
0x18: {  	s20 =	simm.s32 $0x2;
	s23 =	simm.s32 $0xC200;
	s25 =	simm.s32 $0x7  }
0x19: {  	s3 =	simm.s32 $0x0;
	s7 =	sadd.s32 $0x800, s26;
	[dreg:$0x7] =	wrdreg s0  }
0x1a: {  	s26 =	simm.s32 $0x6;
	s0 =	simm.s32 $0xC;
	[dreg:$0x6] =	wrdreg s7  }
.LBB2_1:
0x1b: {  	s7 =	rddreg [dreg:$0x8]  }
0x1c: {  	[tilespmem:s4], [sflag:$0x1] =	stream.linear.gather [hbm4b:s7+s4], $0x80, $0x38;
	[tilespmem:$0x10200] =	vst v63  }
0x1d: {  	s9 =	rddreg [dreg:$0x9]  }
0x1e: {  	[tilespmem:s13], [sflag:$0x2] =	stream.linear.gather [hbm4b:s9+s4], $0x80, $0x38;
	[tilespmem:$0x10200] =	vst v63  }
0x1f: {  	s10 =	rddreg [dreg:$0xa]  }
0x20: {  	[tilespmem:s14], [sflag:$0x3] =	stream.linear.gather [hbm4b:s10+s4], $0x80, $0x38;
	[tilespmem:$0x10200] =	vst v63  }
0x21: {  	s11 =	rddreg [dreg:$0xb]  }
0x22: {  	[tilespmem:s15], [sflag:$0x4] =	stream.linear.gather [hbm4b:s11+s4], $0x80, $0x38;
	[tilespmem:$0x10200] =	vst v63  }
0x23: {  	_ =	swait.ge [sflag:s16], $0x80  }
0x24: {  	[sflag:s16] =	ssyncset.done $0x0  }
0x25: {  	[sflag:s16] =	ssyncadd.s32 $0xFFFFFF80  }
0x26: {  	[tilespmem:s17], [sflag:$0x5] =	stream.indirect.gather [hbm4b:s1+s13], $0x80, s4, s13, $0xb8;
	[tilespmem:$0x10200] =	vst v63  }
0x27: {  	_ =	swait.ge [sflag:s18], $0x80  }
0x28: {  	[sflag:s18] =	ssyncset.done $0x0  }
0x29: {  	[sflag:s18] =	ssyncadd.s32 $0xFFFFFF80  }
0x2a: {  	[tilespmem:s19], [sflag:$0x7] =	stream.indirect.gather [hbm4b:s2+s13], $0x80, s14, s13, $0xb8;
	[tilespmem:$0x10200] =	vst v63  }
0x2b: {  	_ =	swait.ge [sflag:s20], $0x80  }
0x2c: {  	[sflag:s20] =	ssyncset.done $0x0  }
0x2d: {  	[sflag:s20] =	ssyncadd.s32 $0xFFFFFF80  }
0x2e: {  	[tilespmem:s21], [sflag:$0x6] =	stream.indirect.gather [hbm4b:s1+s13], $0x80, s13, s13, $0xb8;
	[tilespmem:$0x10200] =	vst v63  }
0x2f: {  	_ =	swait.ge [sflag:s22], $0x80  }
0x30: {  	[sflag:s22] =	ssyncset.done $0x0  }
0x31: {  	s9 =	sadd.s32 $0xFFFFFF80, s8;
	[sflag:s22] =	ssyncadd.s32 $0xFFFFFF80  }
0x32: {  	[tilespmem:s23], [sflag:$0x8] =	stream.indirect.gather [hbm4b:s2+s13], $0x80, s15, s13, $0xb8;
	[tilespmem:$0x10200] =	vst v63  }
0x33: {  	p0 =	slt.s32 s9, $0x9F80;
	_ =	swait.ge [sflag:s24], $0x4000  }
0x34: {  	s9 =	simm.s32 @!p0 $0x9F80;
	s12 =	rddreg [dreg:$0x5];
	[sflag:s24] =	ssyncset.done $0x0  }
0x35: {  	s10 =	sshrl.u32 s9, $0x3;
	[sflag:s24] =	ssyncadd.s32 $0xFFFFC000;
	s7 =	sadd.s32 $0x0, s12  }
0x36: {  	[hbm4b:s7+s4] =	stream.linear.scatter [tilespmem:s17], [sflag:$0x9], $0x4000, $0x38;
	[tilespmem:$0x10200] =	vst v63  }
0x37: {  	s9 =	sadd.s32 s5, s10  }
0x38: {  	[tilespmem:s4], [sflag:$0x1] =	stream.linear.gather [hbm4b:s9+s4], $0x80, $0x38;
	[tilespmem:$0x10200] =	vst v63  }
0x39: {  	_ =	swait.ge [sflag:s25], $0x4000  }
0x3a: {  	s11 =	rddreg [dreg:$0x4];
	[sflag:s25] =	ssyncset.done $0x0  }
0x3b: {  	[sflag:s25] =	ssyncadd.s32 $0xFFFFC000;
	s9 =	sadd.s32 $0x0, s11  }
0x3c: {  	[hbm4b:s9+s4] =	stream.linear.scatter [tilespmem:s19], [sflag:$0xB], $0x4000, $0x38;
	[tilespmem:$0x10200] =	vst v63  }
0x3d: {  	s7 =	sadd.s32 s6, s10  }
0x3e: {  	[tilespmem:s14], [sflag:$0x3] =	stream.linear.gather [hbm4b:s7+s4], $0x80, $0x38;
	[tilespmem:$0x10200] =	vst v63  }
0x3f: {  	p0 =	slt.s32 s8, $0x9F80;
	s9 =	smov.u32 s8;
	_ =	swait.ge [sflag:s26], $0x4000  }
0x40: {  	s9 =	simm.s32 @!p0 $0x9F80;
	s12 =	rddreg [dreg:$0x6];
	[sflag:s26] =	ssyncset.done $0x0  }
0x41: {  	s9 =	sshrl.u32 s9, $0x3;
	[sflag:s26] =	ssyncadd.s32 $0xFFFFC000;
	s7 =	sadd.s32 $0x0, s12  }
0x42: {  	[hbm4b:s7+s4] =	stream.linear.scatter [tilespmem:s21], [sflag:$0xA], $0x4000, $0x38;
	[tilespmem:$0x10200] =	vst v63  }
0x43: {  	s10 =	sadd.s32 s5, s9  }
0x44: {  	[tilespmem:s13], [sflag:$0x2] =	stream.linear.gather [hbm4b:s10+s4], $0x80, $0x38;
	[tilespmem:$0x10200] =	vst v63  }
0x45: {  	_ =	swait.ge [sflag:s28], $0x4000  }
0x46: {  	s11 =	rddreg [dreg:$0x7];
	[sflag:s28] =	ssyncset.done $0x0  }
0x47: {  	[sflag:s28] =	ssyncadd.s32 $0xFFFFC000;
	s7 =	sadd.s32 $0x0, s11  }
0x48: {  	[hbm4b:s7+s4] =	stream.linear.scatter [tilespmem:s23], [sflag:$0xC], $0x4000, $0x38;
	[tilespmem:$0x10200] =	vst v63  }
0x49: {  	s12 =	sadd.s32 s6, s9  }
0x4a: {  	[tilespmem:s15], [sflag:$0x4] =	stream.linear.gather [hbm4b:s12+s4], $0x80, $0x38;
	[tilespmem:$0x10200] =	vst v63  }
0x4b: {  	_ =	swait.ge [sflag:s16], $0x80  }
0x4c: {  	[sflag:s16] =	ssyncset.done $0x0  }
0x4d: {  	[sflag:s16] =	ssyncadd.s32 $0xFFFFFF80  }
0x4e: {  	_ =	swait.ge [sflag:s29], $0x4000  }
0x4f: {  	[sflag:s29] =	ssyncset.done $0x0  }
0x50: {  	[sflag:s29] =	ssyncadd.s32 $0xFFFFC000  }
0x51: {  	[tilespmem:s17], [sflag:$0x5] =	stream.indirect.gather [hbm4b:s1+s13], $0x80, s4, s13, $0xb8;
	[tilespmem:$0x10200] =	vst v63  }
0x52: {  	_ =	swait.ge [sflag:s18], $0x80  }
0x53: {  	[sflag:s18] =	ssyncset.done $0x0  }
0x54: {  	[sflag:s18] =	ssyncadd.s32 $0xFFFFFF80  }
0x55: {  	_ =	swait.ge [sflag:s30], $0x4000  }
0x56: {  	[sflag:s30] =	ssyncset.done $0x0  }
0x57: {  	[sflag:s30] =	ssyncadd.s32 $0xFFFFC000  }
0x58: {  	[tilespmem:s19], [sflag:$0x7] =	stream.indirect.gather [hbm4b:s2+s13], $0x80, s14, s13, $0xb8;
	[tilespmem:$0x10200] =	vst v63  }
0x59: {  	_ =	swait.ge [sflag:s31], $0x4000  }
0x5a: {  	[sflag:s31] =	ssyncset.done $0x0  }
0x5b: {  	[sflag:s31] =	ssyncadd.s32 $0xFFFFC000  }
0x5c: {  	s7 =	simm.s32 $0x1000;
	s12 =	smov.u32 s8;
	_ =	swait.ge [sflag:s0], $0x4000  }
.LBB2_2:
0x5d: {  	[sflag:s0] =	ssyncset.done $0x0  }
0x5e: {  	[sflag:s0] =	ssyncadd.s32 $0xFFFFC000  }
0x5f: {  	_ =	swait.ge [sflag:s20], $0x80  }
0x60: {  	[sflag:s20] =	ssyncset.done $0x0  }
0x61: {  	[sflag:s20] =	ssyncadd.s32 $0xFFFFFF80  }
0x62: {  	[tilespmem:s21], [sflag:$0x6] =	stream.indirect.gather [hbm4b:s1+s13], $0x80, s13, s13, $0xb8;
	[tilespmem:$0x10200] =	vst v63  }
0x63: {  	_ =	swait.ge [sflag:s22], $0x80  }
0x64: {  	[sflag:s22] =	ssyncset.done $0x0  }
0x65: {  	s12 =	sadd.s32 $0x100, s12;
	[sflag:s22] =	ssyncadd.s32 $0xFFFFFF80  }
0x66: {  	[tilespmem:s23], [sflag:$0x8] =	stream.indirect.gather [hbm4b:s2+s13], $0x80, s15, s13, $0xb8;
	[tilespmem:$0x10200] =	vst v63  }
0x67: {  	s9 =	smov.u32 s7;
	s11 =	sadd.s32 $0xFFFFFF80, s12;
	_ =	swait.ge [sflag:s24], $0x4000  }
0x68: {  	p1 =	slt.s32 s11, $0x9F80;
	s10 =	rddreg [dreg:$0x5];
	[sflag:s24] =	ssyncset.done $0x0  }
0x69: {  	s11 =	simm.s32 @!p1 $0x9F80;
	[sflag:s24] =	ssyncadd.s32 $0xFFFFC000;
	s10 =	sadd.s32 s9, s10  }
0x6a: {  	[hbm4b:s10+s4] =	stream.linear.scatter [tilespmem:s17], [sflag:$0x9], $0x4000, $0x38;
	[tilespmem:$0x10200] =	vst v63  }
0x6b: {  	s10 =	sshrl.u32 s11, $0x3  }
0x6c: {  	s11 =	sadd.s32 s5, s10  }
0x6d: {  	[tilespmem:s4], [sflag:$0x1] =	stream.linear.gather [hbm4b:s11+s4], $0x80, $0x38;
	[tilespmem:$0x10200] =	vst v63  }
0x6e: {  	_ =	swait.ge [sflag:s25], $0x4000  }
0x6f: {  	s11 =	rddreg [dreg:$0x4];
	[sflag:s25] =	ssyncset.done $0x0  }
0x70: {  	[sflag:s25] =	ssyncadd.s32 $0xFFFFC000;
	s11 =	sadd.s32 s9, s11  }
0x71: {  	[hbm4b:s11+s4] =	stream.linear.scatter [tilespmem:s19], [sflag:$0xB], $0x4000, $0x38;
	[tilespmem:$0x10200] =	vst v63  }
0x72: {  	s10 =	sadd.s32 s6, s10  }
0x73: {  	[tilespmem:s14], [sflag:$0x3] =	stream.linear.gather [hbm4b:s10+s4], $0x80, $0x38;
	[tilespmem:$0x10200] =	vst v63  }
0x74: {  	p1 =	slt.s32 s12, $0x9F80;
	s11 =	smov.u32 s12;
	_ =	swait.ge [sflag:s26], $0x4000  }
0x75: {  	s11 =	simm.s32 @!p1 $0x9F80;
	s10 =	rddreg [dreg:$0x6];
	[sflag:s26] =	ssyncset.done $0x0  }
0x76: {  	s11 =	sshrl.u32 s11, $0x3;
	[sflag:s26] =	ssyncadd.s32 $0xFFFFC000;
	s10 =	sadd.s32 s9, s10  }
0x77: {  	[hbm4b:s10+s4] =	stream.linear.scatter [tilespmem:s21], [sflag:$0xA], $0x4000, $0x38;
	[tilespmem:$0x10200] =	vst v63  }
0x78: {  	s10 =	sadd.s32 s5, s11  }
0x79: {  	[tilespmem:s13], [sflag:$0x2] =	stream.linear.gather [hbm4b:s10+s4], $0x80, $0x38;
	[tilespmem:$0x10200] =	vst v63  }
0x7a: {  	_ =	swait.ge [sflag:s28], $0x4000  }
0x7b: {  	s10 =	rddreg [dreg:$0x7];
	[sflag:s28] =	ssyncset.done $0x0  }
0x7c: {  	[sflag:s28] =	ssyncadd.s32 $0xFFFFC000;
	s9 =	sadd.s32 s9, s10  }
0x7d: {  	[hbm4b:s9+s4] =	stream.linear.scatter [tilespmem:s23], [sflag:$0xC], $0x4000, $0x38;
	[tilespmem:$0x10200] =	vst v63  }
0x7e: {  	s11 =	sadd.s32 s6, s11  }
0x7f: {  	[tilespmem:s15], [sflag:$0x4] =	stream.linear.gather [hbm4b:s11+s4], $0x80, $0x38;
	[tilespmem:$0x10200] =	vst v63  }
0x80: {  	_ =	swait.ge [sflag:s16], $0x80  }
0x81: {  	[sflag:s16] =	ssyncset.done $0x0  }
0x82: {  	[sflag:s16] =	ssyncadd.s32 $0xFFFFFF80  }
0x83: {  	_ =	swait.ge [sflag:s29], $0x4000  }
0x84: {  	[sflag:s29] =	ssyncset.done $0x0  }
0x85: {  	[sflag:s29] =	ssyncadd.s32 $0xFFFFC000  }
0x86: {  	[tilespmem:s17], [sflag:$0x5] =	stream.indirect.gather [hbm4b:s1+s13], $0x80, s4, s13, $0xb8;
	[tilespmem:$0x10200] =	vst v63  }
0x87: {  	_ =	swait.ge [sflag:s18], $0x80  }
0x88: {  	[sflag:s18] =	ssyncset.done $0x0  }
0x89: {  	[sflag:s18] =	ssyncadd.s32 $0xFFFFFF80  }
0x8a: {  	_ =	swait.ge [sflag:s30], $0x4000  }
0x8b: {  	[sflag:s30] =	ssyncset.done $0x0  }
0x8c: {  	p0 =	sne.s32 s7, $0x4000;
	[sflag:s30] =	ssyncadd.s32 $0xFFFFC000  }
0x8d: {  	[tilespmem:s19], [sflag:$0x7] =	stream.indirect.gather [hbm4b:s2+s13], $0x80, s14, s13, $0xb8;
	[tilespmem:$0x10200] =	vst v63  }
.Ltmp0:
0x8e: {  	_ = 	snop;
	(pc) =	sbr.rel @p0 .LBB2_2-.Ltmp0, $4  }
0x8f: {  	_ =	swait.ge [sflag:s31], $0x4000  }
0x90: {  	[sflag:s31] =	ssyncset.done $0x0  }
0x91: {  	[sflag:s31] =	ssyncadd.s32 $0xFFFFC000  }
0x92: {  	s7 =	sadd.s32 $0x1000, s7;
	_ =	swait.ge [sflag:s0], $0x4000  }
0x93: {  	[sflag:s0] =	ssyncset.done $0x0  }
0x94: {  	[sflag:s0] =	ssyncadd.s32 $0xFFFFC000  }
0x95: {  	_ =	swait.ge [sflag:s24], $0x4000  }
0x96: {  	[sflag:s24] =	ssyncset.done $0x0  }
0x97: {  	[sflag:s24] =	ssyncadd.s32 $0xFFFFC000  }
0x98: {  	_ =	swait.ge [sflag:s20], $0x80  }
0x99: {  	[sflag:s20] =	ssyncset.done $0x0  }
0x9a: {  	[sflag:s20] =	ssyncadd.s32 $0xFFFFFF80  }
0x9b: {  	_ =	swait.ge [sflag:s25], $0x4000  }
0x9c: {  	[sflag:s25] =	ssyncset.done $0x0  }
0x9d: {  	[sflag:s25] =	ssyncadd.s32 $0xFFFFC000  }
0x9e: {  	_ =	swait.ge [sflag:s22], $0x80  }
0x9f: {  	s3 =	sadd.s32 $0x1, s3;
	s7 =	rddreg [dreg:$0xc]  }
0xa0: {  	p0 =	sne.s32 s3, s7  }
.Ltmp1:
0xa1: {  	_ = 	snop;
	(pc) =	sbr.rel @p0 .LBB2_1-.Ltmp1, $3  }
0xa2: {  	_ =	sdelay $0x1  }
0xa3: {  	[sflag:s22] =	ssyncset.done $0x0  }
0xa4: {  	[sflag:s22] =	ssyncadd.s32 $0xFFFFFF80  }
0xa5: {  	_ =	sfence.sel $0x180000  }
0xa6: {  	[bflag:$0x0] =	sbarrier.arrive $0xFFFF  }
0xa7: {  	_ =	strace $0x90000050  }
0xa8: {  	s0 =	stileid.u32;
	[bflag:$0x2] =	sbarrier.arrive $0xFFFF  }
0xa9: {  	p0 =	sne.s32 s0, $0x0;
	s0 =	rddreg [dreg:$0x3]  }
0xaa: {  	s0 =	sadd.s32 @!p0 $0x100000, s0  }
0xab: {  	[sflag:s0] =	ssyncadd.tile.s32 @!p0 $0x1;
	_ =	shalt  }
.Lfunc_end2:
_tile_overlayer_lowered:
.L_overlay_start_2:
0xac: {  	(tag) =	ssettag $0x2  }
0xad: {  	s0 =	rddreg [dreg:$0x0];
	s2 =	stileid.u32  }
0xae: {  	s1 =	rddreg [dreg:$0x1];
	p0 =	sne.s32 s2, $0x0  }
0xaf: {  	s3 =	rddreg [dreg:$0x2];
	[bflag:$0x3] =	sbarrier.arrive $0xFFFF;
	s2 =	simm.s32 @!p0 $0x1C0D  }
0xb0: {  	[timem:s3], [sflag:s2] =	dma.local @!p0 [hbm:s0], s1  }
0xb1: {  	s0 =	simm.s32 @!p0 $0xD  }
0xb2: {  	_ =	swait.ge @!p0 [sflag:s0], s1  }
0xb3: {  	s1 =	ssub.s32 @!p0 $0x0, s1;
	[sflag:s0] =	ssyncset.done @!p0 $0x0  }
0xb4: {  	[sflag:s0] =	ssyncadd.s32 @!p0 s1  }
0xb5: {  	[bflag:$0x3] =	sbarrier.arrive $0xFFFF  }
0xb6: {  	_ =	shalt  }

// kernel: kernel.15.cloned.1.call-start
scs
__scs_entry_jumppad:
0x0: {  	(pc) =	sbr.rel $0x88, $3  }
0x1: {  	(tag) =	ssettag $0x0;
	lr =	simm.s32 $0x1  }
0x2: {  	[smem:$0x3F95] =	sst lr;
	_ =	strace $0xD0000000  }
0x3: {  	_ = 	snop  }
0x4: {  	_ = 	snop  }
0x5: {  	_ = 	snop  }
0x6: {  	_ = 	snop  }
0x7: {  	_ = 	snop  }
__scs_overlays_trampoline_lowered:
0x8: {  	[smem:$0x3FA4] =	sst s0  }
0x9: {  	[smem:$0x3FA5] =	sst s1  }
0xa: {  	[smem:$0x3FA6] =	sst s2  }
0xb: {  	[smem:$0x3FA7] =	sst s3  }
0xc: {  	[smem:$0x3FA8] =	sst s4  }
0xd: {  	[smem:$0x3FA9] =	sst s5  }
0xe: {  	[smem:$0x3FAA] =	sst s6  }
0xf: {  	[smem:$0x3FAB] =	sst s7  }
0x10: {  	[smem:$0x3FAC] =	sst s8  }
0x11: {  	[smem:$0x3FAD] =	sst s9;
	s0 =	simm.s32 @!p0 $0x0  }
0x12: {  	s1 =	sld [smem:$0x3F93];
	s0 =	simm.s32 @p0 $0x1  }
0x13: {  	[smem:$0x3FAE] =	sst s0;
	s0 =	simm.s32 @!p1 $0x0  }
0x14: {  	s2 =	sld [smem:$0x3F92];
	s0 =	simm.s32 @p1 $0x1  }
0x15: {  	[smem:$0x3FAF] =	sst s0;
	s0 =	simm.s32 @!p2 $0x0  }
0x16: {  	s3 =	sld [smem:$0x3FDB];
	s0 =	simm.s32 @p2 $0x1  }
0x17: {  	s4 =	simm.s32 $0x1BF5;
	[smem:$0x3FB1] =	sst s0  }
0x18: {  	s0 =	sld [smem:$0x3F94];
	_ =	swait.ge [sflag:s4], $0x0  }
0x19: {  	s7 =	sld [smem:$0x3F95]  }
0x1a: {  	s8 =	sadd.s32 $0xFFFFE003, lr  }
0x1b: {  	s9 =	sadd.s32 $0xFFFFFEF7, lr;
	s5 =	simm.s32 $0xFFFFFFFF;
	p2 =	slt.u32 s8, $0xFFFFF086  }
0x1c: {  	p1 =	slt.u32 s9, $0xF7A;
	s5 =	simm.s32 @!p2 $0x0  }
0x1d: {  	s5 =	simm.s32 @p1 $0x1;
	p0 =	seq.s32 s7, s2  }
0x1e: {  	s7 =	smul.u32 @!p0 $0xF7A, s2;
	p2 =	seq.s32 @!p0 s5, $0x0  }
0x1f: {  	s9 =	smul.u32 $0xF7A, s1;
	s8 =	simm.s32 @!p0 $0x1BF5;
	p2 =	por !p2, p0  }
0x20: {  	[sflag:s8] =	ssyncset.s32 @!p0 $0xFFFFF086;
	s6 =	sadd.s32 @!p0 s3, s7;
	s7 =	simm.s32 @!p0 $0x108  }
0x21: {  	s3 =	sadd.s32 s3, s9;
	s6 =	sadd.s32 @!p0 $0x88, s6;
	s7 =	simm.s32 @p2 $0x1082  }
0x22: {  	[simem:s7], [sflag:s8] =	dma.local @!p0 [hbm:s6], $0xF7A  }
0x23: {  	s9 =	sor.u32 $0xD0000000, s2;
	s6 =	simm.s32 $0x108;
	_ =	swait.ge @!p0 [sflag:s8], $0x0  }
0x24: {  	s3 =	sadd.s32 $0x88, s3;
	s6 =	simm.s32 @!p1 $0x1082;
	[sflag:s4] =	ssyncset.s32 $0xFFFFF086  }
0x25: {  	[simem:s6], [sflag:s4] =	dma.local [hbm:s3], $0xF7A  }
0x26: {  	[smem:$0x3F95] =	sst s1;
	(tag) =	ssettag s2;
	_ =	strace s9  }
0x27: {  	s1 =	sld [smem:$0x3FA5]  }
0x28: {  	s2 =	sld [smem:$0x3FA6]  }
0x29: {  	s4 =	sld [smem:$0x3FA8]  }
0x2a: {  	p0 =	seq.s32 s5, $0x0;
	s5 =	sld [smem:$0x3FA9]  }
0x2b: {  	s6 =	sld [smem:$0x3FAA]  }
0x2c: {  	s7 =	sld [smem:$0x3FAB]  }
0x2d: {  	s3 =	simm.s32 $0x108;
	s8 =	sld [smem:$0x3FAC]  }
0x2e: {  	s3 =	simm.s32 @!p0 $0x1082;
	s9 =	sld [smem:$0x3FAD]  }
0x2f: {  	lr =	sadd.s32 s0, s3;
	s0 =	sld [smem:$0x3FA4]  }
0x30: {  	s3 =	sld [smem:$0x3FA7]  }
0x31: {  	[smem:$0x3FB0] =	sst s10  }
0x32: {  	s10 =	sld [smem:$0x3FAE];
	_ =	sdelay $0x3  }
0x33: {  	p0 =	seq.s32 s10, $0x1;
	s10 =	sld [smem:$0x3FB0];
	_ =	sdelay $0x3  }
0x34: {  	[smem:$0x3FB0] =	sst s10  }
0x35: {  	s10 =	sld [smem:$0x3FAF];
	_ =	sdelay $0x3  }
0x36: {  	p1 =	seq.s32 s10, $0x1;
	s10 =	sld [smem:$0x3FB0];
	_ =	sdelay $0x3  }
0x37: {  	[smem:$0x3FB0] =	sst s10  }
0x38: {  	s10 =	sld [smem:$0x3FB1]  }
0x39: {  	_ = 	snop;
	(pc) =	sbr.ind lr, $3  }
0x3a: {  	_ = 	snop  }
0x3b: {  	_ = 	snop  }
0x3c: {  	p2 =	seq.s32 s10, $0x1;
	s10 =	sld [smem:$0x3FB0]  }
0x3d: {  	_ =	shalt  }
0x3e: {  	_ =	shalt  }
0x3f: {  	_ =	shalt  }
0x40: {  	_ =	shalt  }
0x41: {  	_ =	shalt  }
0x42: {  	_ =	shalt  }
0x43: {  	_ =	shalt  }
0x44: {  	_ =	shalt  }
0x45: {  	_ =	shalt  }
0x46: {  	_ =	shalt  }
0x47: {  	_ =	shalt  }
0x48: {  	_ =	shalt  }
0x49: {  	_ =	shalt  }
0x4a: {  	_ =	shalt  }
0x4b: {  	_ =	shalt  }
0x4c: {  	_ =	shalt  }
0x4d: {  	_ =	shalt  }
0x4e: {  	_ =	shalt  }
0x4f: {  	_ =	shalt  }
0x50: {  	_ =	shalt  }
0x51: {  	_ =	shalt  }
0x52: {  	_ =	shalt  }
0x53: {  	_ =	shalt  }
0x54: {  	_ =	shalt  }
0x55: {  	_ =	shalt  }
0x56: {  	_ =	shalt  }
0x57: {  	_ =	shalt  }
0x58: {  	_ =	shalt  }
0x59: {  	_ =	shalt  }
0x5a: {  	_ =	shalt  }
0x5b: {  	_ =	shalt  }
0x5c: {  	_ =	shalt  }
0x5d: {  	_ =	shalt  }
0x5e: {  	_ =	shalt  }
0x5f: {  	_ =	shalt  }
0x60: {  	_ =	shalt  }
0x61: {  	_ =	shalt  }
0x62: {  	_ =	shalt  }
0x63: {  	_ =	shalt  }
0x64: {  	_ =	shalt  }
0x65: {  	_ =	shalt  }
0x66: {  	_ =	shalt  }
0x67: {  	_ =	shalt  }
0x68: {  	_ =	shalt  }
0x69: {  	_ =	shalt  }
0x6a: {  	_ =	shalt  }
0x6b: {  	_ =	shalt  }
0x6c: {  	_ =	shalt  }
0x6d: {  	_ =	shalt  }
0x6e: {  	_ =	shalt  }
0x6f: {  	_ =	shalt  }
0x70: {  	_ =	shalt  }
0x71: {  	_ =	shalt  }
0x72: {  	_ =	shalt  }
0x73: {  	_ =	shalt  }
0x74: {  	_ =	shalt  }
0x75: {  	_ =	shalt  }
0x76: {  	_ =	shalt  }
0x77: {  	_ =	shalt  }
0x78: {  	_ =	shalt  }
0x79: {  	_ =	shalt  }
0x7a: {  	_ =	shalt  }
0x7b: {  	_ =	shalt  }
0x7c: {  	_ =	shalt  }
0x7d: {  	_ =	shalt  }
0x7e: {  	_ =	shalt  }
0x7f: {  	_ =	shalt  }
0x80: {  	_ =	shalt  }
0x81: {  	_ =	shalt  }
0x82: {  	_ =	shalt  }
0x83: {  	_ =	shalt  }
0x84: {  	_ =	shalt  }
0x85: {  	_ =	shalt  }
0x86: {  	_ =	shalt  }
0x87: {  	_ =	shalt  }
.Lfunc_end0:
.L_simem_size_0:
called_computation.1_lowered:
.L_overlay_start_0:
0x88: {  	s2 =	sld [smem:$0x3FD9]  }
0x89: {  	s3 =	sld [smem:$0x3FFE];
	_ =	sdelay $0x1  }
0x8a: {  	s1 =	srdreg.scid  }
0x8b: {  	s0 =	sand.u32 $0x1, s1  }
0x8c: {  	s17 =	sshll.u32 s0, $0xA;
	s2 =	sadd.s32 s3, s2  }
0x8d: {  	s2 =	sadd.s32 s2, s17  }
0x8e: {  	[smem:$0x3FBC] =	sst s2  }
0x8f: {  	_ = 	snop  }
0x90: {  	s18 =	sld [smem:$0x3FC7]  }
0x91: {  	s4 =	sld [smem:$0x3FC6];
	(tm) =	ssettm $0x1  }
0x92: {  	s19 =	sld [smem:$0x3FFB];
	_ =	sdelay $0x3  }
0x93: {  	_ =	strace s19  }
0x94: {  	s2 =	sld [smem:$0x3FFC];
	_ =	sdelay $0x3  }
0x95: {  	_ =	strace s2  }
0x96: {  	s2 =	sld [smem:$0x3FFD];
	_ =	sdelay $0x3  }
0x97: {  	_ =	strace s2  }
0x98: {  	_ =	strace $0x8FFFFFFF  }
0x99: {  	s20 =	sld [smem:$0x3FDB];
	_ =	sdelay $0x1  }
0x9a: {  	s5 =	simm.s32 $_scs_section_size  }
0x9b: {  	s6 =	simm.s32 $_size__tile_overlayer_lowered;
	s7 =	simm.s32 $_tile_overlayer_lowered  }
0x9c: {  	s8 =	simm.s32 $0x1BFF;
	s21 =	sshll.u32 s7, $0x1;
	s5 =	sadd.s32 s5, s20  }
0x9d: {  	s22 =	simm.s32 $0x0;
	s6 =	sshll.u32 s6, $0x1;
	s7 =	sadd.s32 s21, s5  }
0x9e: {  	[timem:s22], [sflag:s8] =	dma.local [hbm:s7], s6  }
0x9f: {  	_ =	swait.ge [sflag:s8], s6  }
0xa0: {  	s6 =	ssub.s32 $0x0, s6;
	[sflag:s8] =	ssyncset.done $0x0  }
0xa1: {  	[sflag:s8] =	ssyncadd.s32 s6;
	_ =	sdelay $0x1  }
0xa2: {  	s23 =	simm.s32 $0x1B8B  }
0xa3: {  	_ =	swait.ge [sflag:s23], $0x1  }
0xa4: {  	[sflag:s23] =	ssyncset.done $0x0  }
0xa5: {  	[sflag:s23] =	ssyncadd.s32 $0xFFFFFFFF  }
0xa6: {  	s6 =	sld [smem:$0x0]  }
0xa7: {  	s7 =	sand.u32 $0xFFFFFFFE, s1  }
0xa8: {  	p0 =	sne.s32 s1, s7  }
0xa9: {  	s7 =	sshll.u32 @p0 s7, $0xE  }
0xaa: {  	s7 =	sadd.s32 @p0 $0x11B8D, s7;
	s8 =	sshll.u32 @p0 s6, $0x11  }
0xab: {  	s7 =	sor.u32 @p0 s8, s7  }
0xac: {  	[sflag:s7] =	ssyncadd.remote.s32 @p0 $0x1;
	_ =	sdelay $0x1  }
0xad: {  	s7 =	simm.s32 @p0 $0x1B8D  }
0xae: {  	_ =	swait.eq @p0 [sflag:s7], $0x1  }
0xaf: {  	[sflag:s7] =	ssyncadd.s32 @p0 $0xFFFFFFFF  }
0xb0: {  	s8 =	sshll.u32 @!p0 s1, $0xE  }
0xb1: {  	s8 =	sor.u32 @!p0 $0x4000, s8;
	s7 =	simm.s32 @!p0 $0x1B8D  }
0xb2: {  	s6 =	sshll.u32 @!p0 s6, $0x11;
	s8 =	sadd.s32 @!p0 $0x11B8D, s8;
	_ =	swait.eq @!p0 [sflag:s7], $0x1  }
0xb3: {  	s6 =	sor.u32 @!p0 s6, s8;
	[sflag:s7] =	ssyncadd.s32 @!p0 $0xFFFFFFFF  }
0xb4: {  	s25 =	simm.s32 $0x1B8E;
	s24 =	sld [smem:$0x3FFE];
	[sflag:s6] =	ssyncadd.remote.s32 @!p0 $0x1  }
0xb5: {  	s26 =	simm.s32 $execute0_lowered;
	[smem:$0x3FD2] =	sst s25  }
0xb6: {  	s7 =	sshll.u32 s26, $0x1;
	_ =	strace $0x8000004C;
	[dreg:$0x1] =	wrdreg $0xFFFFFFFF  }
0xb7: {  	s28 =	simm.s32 $_size_execute0_lowered;
	s5 =	sadd.s32 s5, s7;
	[dreg:$0x0] =	wrdreg $0x0  }
0xb8: {  	s7 =	sshll.u32 s28, $0x1;
	[dreg:$0x2] =	wrdreg s5  }
0xb9: {  	[dreg:$0x3] =	wrdreg s7  }
0xba: {  	[dreg:$0x4] =	wrdreg $0xC0  }
0xbb: {  	_ =	task [dreg:s22], $0x5FFFF  }
0xbc: {  	[dreg:$0x1] =	wrdreg $0xFFFFFFFF  }
0xbd: {  	[dreg:$0x0] =	wrdreg $0x60  }
0xbe: {  	[dreg:$0x2] =	wrdreg s18  }
0xbf: {  	[dreg:$0x3] =	wrdreg s4  }
0xc0: {  	[dreg:$0x4] =	wrdreg s24  }
0xc1: {  	[dreg:$0x5] =	wrdreg $0xA  }
0xc2: {  	_ =	task.clear_ibuf [dreg:s22], $0x6FFFF;
	_ =	strace $0x9000004C  }
0xc3: {  	s29 =	simm.s32 $0xA;
	_ =	strace $0x8000004E  }
0xc4: {  	_ =	swait.ge [sflag:s29], $0x1  }
0xc5: {  	[sflag:s29] =	ssyncadd.s32 $0xFFFFFFFF  }
0xc6: {  	_ =	strace $0x9000004E  }
0xc7: {  	_ =	sfence  }
0xc8: {  	s30 =	sld [smem:$0x0];
	_ =	sdelay $0x2  }
0xc9: {  	s31 =	sshll.u32 s1, $0xD;
	s1 =	sshrl.u32 s1, $0x2  }
0xca: {  	s4 =	sand.u32 $0x4000, s31;
	s1 =	sadd.s32 s1, s30  }
0xcb: {  	s0 =	sor.u32 s4, s0;
	s1 =	sshll.u32 s1, $0x11  }
0xcc: {  	s0 =	sor.u32 s1, s0  }
0xcd: {  	s0 =	sadd.s32 $0x8F2B, s0  }
0xce: {  	[sflag:s0] =	ssyncadd.remote.s32 $0x1  }
0xcf: {  	_ =	sfence.sel $0xFFFF  }
0xd0: {  	[dreg:$0x0] =	wrdreg $0xFFFFFFFF;
	(pc) =	sbr.abs _section_cstart, $3  }
0xd1: {  	[dreg:$0x1] =	wrdreg $0xFFFFFFFF  }
0xd2: {  	_ =	task.clear_ibuf [dreg:s22], $0x2FFFF;
	_ =	strace $0x9FFFFFFF  }
0xd3: {  	(tm) =	ssettm $0x7FFFFFFF  }
tec
execute0_lowered:
.L_overlay_start_1:
0x0: {  	(tag) =	ssettag $0x1  }
0x1: {  	s1 =	rddreg [dreg:$0x0]  }
0x2: {  	s2 =	rddreg [dreg:$0x1]  }
0x3: {  	s0 =	rddreg [dreg:$0x2];
	s4 =	simm.s32 $0x0;
	s3 =	srdreg.scid  }
0x4: {  	s14 =	stileid.u32;
	s15 =	simm.s32 $0x180;
	s16 =	simm.s32 $0x1  }
0x5: {  	s17 =	simm.s32 $0x200;
	s28 =	simm.s32 $0x8;
	s29 =	simm.s32 $0x9  }
0x6: {  	s30 =	simm.s32 $0xB;
	s31 =	simm.s32 $0xA;
	s10 =	smul.u32 $0x50000, s14  }
0x7: {  	[smem:$0x7FF] =	sst s4;
	s3 =	sand.u32 $0x1, s3;
	s22 =	smul.u32 $0xA00, s14  }
0x8: {  	s6 =	sshll.u32 s14, $0x1;
	s8 =	sadd.s32 $0x28F800, s0;
	s14 =	smul.u32 $0xA000, s14  }
0x9: {  	s5 =	sadd.s32 $0xA800, s0;
	_ =	strace $0x8000004D;
	s13 =	smul.u32 $0x28000, s3  }
0xa: {  	s7 =	sor.u32 s3, s6;
	s9 =	ssub.s32 $0x2, s3;
	s25 =	smul.u32 $0x5000, s3  }
0xb: {  	s6 =	sadd.s32 $0x9400, s0;
	s3 =	smul.u32 $0x500, s3;
	s11 =	sshrl.u32 s9, $0x1  }
0xc: {  	s0 =	sadd.s32 $0x32F800, s0;
	s7 =	smul.u32 $0x500, s7;
	s9 =	ssub.s32 s9, s11  }
0xd: {  	s10 =	sadd.s32 s13, s10;
	s3 =	sadd.s32 s3, s22;
	s13 =	simm.s32 $0x80  }
0xe: {  	s22 =	simm.s32 $0x4;
	s12 =	sor.u32 $0x80, s7;
	s7 =	sshrl.u32 s7, $0x3  }
0xf: {  	s21 =	sshrl.u32 s10, $0x3;
	s9 =	smax.u32 s9, $0x1;
	s18 =	sshrl.u32 s12, $0x3  }
0x10: {  	s19 =	sadd.s32 s5, s7;
	s7 =	sadd.s32 s6, s7;
	[dreg:$0xc] =	wrdreg s9  }
0x11: {  	s24 =	sadd.s32 s21, s0;
	s0 =	sadd.s32 s14, s0;
	[dreg:$0x8] =	wrdreg s19  }
0x12: {  	s20 =	sadd.s32 s5, s18;
	[dreg:$0xa] =	wrdreg s7;
	s23 =	sadd.s32 s6, s18  }
0x13: {  	[dreg:$0x4] =	wrdreg s24;
	s7 =	sadd.s32 s21, s8;
	s8 =	sadd.s32 s14, s8  }
0x14: {  	s0 =	sadd.s32 s25, s0;
	s14 =	simm.s32 $0x100;
	[dreg:$0x9] =	wrdreg s20  }
0x15: {  	s18 =	simm.s32 $0x3;
	s19 =	simm.s32 $0x8200;
	[dreg:$0xb] =	wrdreg s23  }
0x16: {  	s21 =	simm.s32 $0x4200;
	s24 =	simm.s32 $0x5;
	[dreg:$0x5] =	wrdreg s7  }
0x17: {  	s26 =	sadd.s32 s25, s8;
	s8 =	sadd.s32 $0x180, s3;
	s0 =	sadd.s32 $0x800, s0  }
0x18: {  	s20 =	simm.s32 $0x2;
	s23 =	simm.s32 $0xC200;
	s25 =	simm.s32 $0x7  }
0x19: {  	s3 =	simm.s32 $0x0;
	s7 =	sadd.s32 $0x800, s26;
	[dreg:$0x7] =	wrdreg s0  }
0x1a: {  	s26 =	simm.s32 $0x6;
	s0 =	simm.s32 $0xC;
	[dreg:$0x6] =	wrdreg s7  }
.LBB2_1:
0x1b: {  	s7 =	rddreg [dreg:$0x8]  }
0x1c: {  	[tilespmem:s4], [sflag:$0x1] =	stream.linear.gather [hbm4b:s7+s4], $0x80, $0x38;
	[tilespmem:$0x10200] =	vst v63  }
0x1d: {  	s9 =	rddreg [dreg:$0x9]  }
0x1e: {  	[tilespmem:s13], [sflag:$0x2] =	stream.linear.gather [hbm4b:s9+s4], $0x80, $0x38;
	[tilespmem:$0x10200] =	vst v63  }
0x1f: {  	s10 =	rddreg [dreg:$0xa]  }
0x20: {  	[tilespmem:s14], [sflag:$0x3] =	stream.linear.gather [hbm4b:s10+s4], $0x80, $0x38;
	[tilespmem:$0x10200] =	vst v63  }
0x21: {  	s11 =	rddreg [dreg:$0xb]  }
0x22: {  	[tilespmem:s15], [sflag:$0x4] =	stream.linear.gather [hbm4b:s11+s4], $0x80, $0x38;
	[tilespmem:$0x10200] =	vst v63  }
0x23: {  	_ =	swait.ge [sflag:s16], $0x80  }
0x24: {  	[sflag:s16] =	ssyncset.done $0x0  }
0x25: {  	[sflag:s16] =	ssyncadd.s32 $0xFFFFFF80  }
0x26: {  	[tilespmem:s17], [sflag:$0x5] =	stream.indirect.gather [hbm4b:s1+s13], $0x80, s4, s13, $0xb8;
	[tilespmem:$0x10200] =	vst v63  }
0x27: {  	_ =	swait.ge [sflag:s18], $0x80  }
0x28: {  	[sflag:s18] =	ssyncset.done $0x0  }
0x29: {  	[sflag:s18] =	ssyncadd.s32 $0xFFFFFF80  }
0x2a: {  	[tilespmem:s19], [sflag:$0x7] =	stream.indirect.gather [hbm4b:s2+s13], $0x80, s14, s13, $0xb8;
	[tilespmem:$0x10200] =	vst v63  }
0x2b: {  	_ =	swait.ge [sflag:s20], $0x80  }
0x2c: {  	[sflag:s20] =	ssyncset.done $0x0  }
0x2d: {  	[sflag:s20] =	ssyncadd.s32 $0xFFFFFF80  }
0x2e: {  	[tilespmem:s21], [sflag:$0x6] =	stream.indirect.gather [hbm4b:s1+s13], $0x80, s13, s13, $0xb8;
	[tilespmem:$0x10200] =	vst v63  }
0x2f: {  	_ =	swait.ge [sflag:s22], $0x80  }
0x30: {  	[sflag:s22] =	ssyncset.done $0x0  }
0x31: {  	s9 =	sadd.s32 $0xFFFFFF80, s8;
	[sflag:s22] =	ssyncadd.s32 $0xFFFFFF80  }
0x32: {  	[tilespmem:s23], [sflag:$0x8] =	stream.indirect.gather [hbm4b:s2+s13], $0x80, s15, s13, $0xb8;
	[tilespmem:$0x10200] =	vst v63  }
0x33: {  	p0 =	slt.s32 s9, $0x9F80;
	_ =	swait.ge [sflag:s24], $0x4000  }
0x34: {  	s9 =	simm.s32 @!p0 $0x9F80;
	s12 =	rddreg [dreg:$0x5];
	[sflag:s24] =	ssyncset.done $0x0  }
0x35: {  	s10 =	sshrl.u32 s9, $0x3;
	[sflag:s24] =	ssyncadd.s32 $0xFFFFC000;
	s7 =	sadd.s32 $0x0, s12  }
0x36: {  	[hbm4b:s7+s4] =	stream.linear.scatter [tilespmem:s17], [sflag:$0x9], $0x4000, $0x38;
	[tilespmem:$0x10200] =	vst v63  }
0x37: {  	s9 =	sadd.s32 s5, s10  }
0x38: {  	[tilespmem:s4], [sflag:$0x1] =	stream.linear.gather [hbm4b:s9+s4], $0x80, $0x38;
	[tilespmem:$0x10200] =	vst v63  }
0x39: {  	_ =	swait.ge [sflag:s25], $0x4000  }
0x3a: {  	s11 =	rddreg [dreg:$0x4];
	[sflag:s25] =	ssyncset.done $0x0  }
0x3b: {  	[sflag:s25] =	ssyncadd.s32 $0xFFFFC000;
	s9 =	sadd.s32 $0x0, s11  }
0x3c: {  	[hbm4b:s9+s4] =	stream.linear.scatter [tilespmem:s19], [sflag:$0xB], $0x4000, $0x38;
	[tilespmem:$0x10200] =	vst v63  }
0x3d: {  	s7 =	sadd.s32 s6, s10  }
0x3e: {  	[tilespmem:s14], [sflag:$0x3] =	stream.linear.gather [hbm4b:s7+s4], $0x80, $0x38;
	[tilespmem:$0x10200] =	vst v63  }
0x3f: {  	p0 =	slt.s32 s8, $0x9F80;
	s9 =	smov.u32 s8;
	_ =	swait.ge [sflag:s26], $0x4000  }
0x40: {  	s9 =	simm.s32 @!p0 $0x9F80;
	s12 =	rddreg [dreg:$0x6];
	[sflag:s26] =	ssyncset.done $0x0  }
0x41: {  	s9 =	sshrl.u32 s9, $0x3;
	[sflag:s26] =	ssyncadd.s32 $0xFFFFC000;
	s7 =	sadd.s32 $0x0, s12  }
0x42: {  	[hbm4b:s7+s4] =	stream.linear.scatter [tilespmem:s21], [sflag:$0xA], $0x4000, $0x38;
	[tilespmem:$0x10200] =	vst v63  }
0x43: {  	s10 =	sadd.s32 s5, s9  }
0x44: {  	[tilespmem:s13], [sflag:$0x2] =	stream.linear.gather [hbm4b:s10+s4], $0x80, $0x38;
	[tilespmem:$0x10200] =	vst v63  }
0x45: {  	_ =	swait.ge [sflag:s28], $0x4000  }
0x46: {  	s11 =	rddreg [dreg:$0x7];
	[sflag:s28] =	ssyncset.done $0x0  }
0x47: {  	[sflag:s28] =	ssyncadd.s32 $0xFFFFC000;
	s7 =	sadd.s32 $0x0, s11  }
0x48: {  	[hbm4b:s7+s4] =	stream.linear.scatter [tilespmem:s23], [sflag:$0xC], $0x4000, $0x38;
	[tilespmem:$0x10200] =	vst v63  }
0x49: {  	s12 =	sadd.s32 s6, s9  }
0x4a: {  	[tilespmem:s15], [sflag:$0x4] =	stream.linear.gather [hbm4b:s12+s4], $0x80, $0x38;
	[tilespmem:$0x10200] =	vst v63  }
0x4b: {  	_ =	swait.ge [sflag:s16], $0x80  }
0x4c: {  	[sflag:s16] =	ssyncset.done $0x0  }
0x4d: {  	[sflag:s16] =	ssyncadd.s32 $0xFFFFFF80  }
0x4e: {  	_ =	swait.ge [sflag:s29], $0x4000  }
0x4f: {  	[sflag:s29] =	ssyncset.done $0x0  }
0x50: {  	[sflag:s29] =	ssyncadd.s32 $0xFFFFC000  }
0x51: {  	[tilespmem:s17], [sflag:$0x5] =	stream.indirect.gather [hbm4b:s1+s13], $0x80, s4, s13, $0xb8;
	[tilespmem:$0x10200] =	vst v63  }
0x52: {  	_ =	swait.ge [sflag:s18], $0x80  }
0x53: {  	[sflag:s18] =	ssyncset.done $0x0  }
0x54: {  	[sflag:s18] =	ssyncadd.s32 $0xFFFFFF80  }
0x55: {  	_ =	swait.ge [sflag:s30], $0x4000  }
0x56: {  	[sflag:s30] =	ssyncset.done $0x0  }
0x57: {  	[sflag:s30] =	ssyncadd.s32 $0xFFFFC000  }
0x58: {  	[tilespmem:s19], [sflag:$0x7] =	stream.indirect.gather [hbm4b:s2+s13], $0x80, s14, s13, $0xb8;
	[tilespmem:$0x10200] =	vst v63  }
0x59: {  	_ =	swait.ge [sflag:s31], $0x4000  }
0x5a: {  	[sflag:s31] =	ssyncset.done $0x0  }
0x5b: {  	[sflag:s31] =	ssyncadd.s32 $0xFFFFC000  }
0x5c: {  	s7 =	simm.s32 $0x1000;
	s12 =	smov.u32 s8;
	_ =	swait.ge [sflag:s0], $0x4000  }
.LBB2_2:
0x5d: {  	[sflag:s0] =	ssyncset.done $0x0  }
0x5e: {  	[sflag:s0] =	ssyncadd.s32 $0xFFFFC000  }
0x5f: {  	_ =	swait.ge [sflag:s20], $0x80  }
0x60: {  	[sflag:s20] =	ssyncset.done $0x0  }
0x61: {  	[sflag:s20] =	ssyncadd.s32 $0xFFFFFF80  }
0x62: {  	[tilespmem:s21], [sflag:$0x6] =	stream.indirect.gather [hbm4b:s1+s13], $0x80, s13, s13, $0xb8;
	[tilespmem:$0x10200] =	vst v63  }
0x63: {  	_ =	swait.ge [sflag:s22], $0x80  }
0x64: {  	[sflag:s22] =	ssyncset.done $0x0  }
0x65: {  	s12 =	sadd.s32 $0x100, s12;
	[sflag:s22] =	ssyncadd.s32 $0xFFFFFF80  }
0x66: {  	[tilespmem:s23], [sflag:$0x8] =	stream.indirect.gather [hbm4b:s2+s13], $0x80, s15, s13, $0xb8;
	[tilespmem:$0x10200] =	vst v63  }
0x67: {  	s9 =	smov.u32 s7;
	s11 =	sadd.s32 $0xFFFFFF80, s12;
	_ =	swait.ge [sflag:s24], $0x4000  }
0x68: {  	p1 =	slt.s32 s11, $0x9F80;
	s10 =	rddreg [dreg:$0x5];
	[sflag:s24] =	ssyncset.done $0x0  }
0x69: {  	s11 =	simm.s32 @!p1 $0x9F80;
	[sflag:s24] =	ssyncadd.s32 $0xFFFFC000;
	s10 =	sadd.s32 s9, s10  }
0x6a: {  	[hbm4b:s10+s4] =	stream.linear.scatter [tilespmem:s17], [sflag:$0x9], $0x4000, $0x38;
	[tilespmem:$0x10200] =	vst v63  }
0x6b: {  	s10 =	sshrl.u32 s11, $0x3  }
0x6c: {  	s11 =	sadd.s32 s5, s10  }
0x6d: {  	[tilespmem:s4], [sflag:$0x1] =	stream.linear.gather [hbm4b:s11+s4], $0x80, $0x38;
	[tilespmem:$0x10200] =	vst v63  }
0x6e: {  	_ =	swait.ge [sflag:s25], $0x4000  }
0x6f: {  	s11 =	rddreg [dreg:$0x4];
	[sflag:s25] =	ssyncset.done $0x0  }
0x70: {  	[sflag:s25] =	ssyncadd.s32 $0xFFFFC000;
	s11 =	sadd.s32 s9, s11  }
0x71: {  	[hbm4b:s11+s4] =	stream.linear.scatter [tilespmem:s19], [sflag:$0xB], $0x4000, $0x38;
	[tilespmem:$0x10200] =	vst v63  }
0x72: {  	s10 =	sadd.s32 s6, s10  }
0x73: {  	[tilespmem:s14], [sflag:$0x3] =	stream.linear.gather [hbm4b:s10+s4], $0x80, $0x38;
	[tilespmem:$0x10200] =	vst v63  }
0x74: {  	p1 =	slt.s32 s12, $0x9F80;
	s11 =	smov.u32 s12;
	_ =	swait.ge [sflag:s26], $0x4000  }
0x75: {  	s11 =	simm.s32 @!p1 $0x9F80;
	s10 =	rddreg [dreg:$0x6];
	[sflag:s26] =	ssyncset.done $0x0  }
0x76: {  	s11 =	sshrl.u32 s11, $0x3;
	[sflag:s26] =	ssyncadd.s32 $0xFFFFC000;
	s10 =	sadd.s32 s9, s10  }
0x77: {  	[hbm4b:s10+s4] =	stream.linear.scatter [tilespmem:s21], [sflag:$0xA], $0x4000, $0x38;
	[tilespmem:$0x10200] =	vst v63  }
0x78: {  	s10 =	sadd.s32 s5, s11  }
0x79: {  	[tilespmem:s13], [sflag:$0x2] =	stream.linear.gather [hbm4b:s10+s4], $0x80, $0x38;
	[tilespmem:$0x10200] =	vst v63  }
0x7a: {  	_ =	swait.ge [sflag:s28], $0x4000  }
0x7b: {  	s10 =	rddreg [dreg:$0x7];
	[sflag:s28] =	ssyncset.done $0x0  }
0x7c: {  	[sflag:s28] =	ssyncadd.s32 $0xFFFFC000;
	s9 =	sadd.s32 s9, s10  }
0x7d: {  	[hbm4b:s9+s4] =	stream.linear.scatter [tilespmem:s23], [sflag:$0xC], $0x4000, $0x38;
	[tilespmem:$0x10200] =	vst v63  }
0x7e: {  	s11 =	sadd.s32 s6, s11  }
0x7f: {  	[tilespmem:s15], [sflag:$0x4] =	stream.linear.gather [hbm4b:s11+s4], $0x80, $0x38;
	[tilespmem:$0x10200] =	vst v63  }
0x80: {  	_ =	swait.ge [sflag:s16], $0x80  }
0x81: {  	[sflag:s16] =	ssyncset.done $0x0  }
0x82: {  	[sflag:s16] =	ssyncadd.s32 $0xFFFFFF80  }
0x83: {  	_ =	swait.ge [sflag:s29], $0x4000  }
0x84: {  	[sflag:s29] =	ssyncset.done $0x0  }
0x85: {  	[sflag:s29] =	ssyncadd.s32 $0xFFFFC000  }
0x86: {  	[tilespmem:s17], [sflag:$0x5] =	stream.indirect.gather [hbm4b:s1+s13], $0x80, s4, s13, $0xb8;
	[tilespmem:$0x10200] =	vst v63  }
0x87: {  	_ =	swait.ge [sflag:s18], $0x80  }
0x88: {  	[sflag:s18] =	ssyncset.done $0x0  }
0x89: {  	[sflag:s18] =	ssyncadd.s32 $0xFFFFFF80  }
0x8a: {  	_ =	swait.ge [sflag:s30], $0x4000  }
0x8b: {  	[sflag:s30] =	ssyncset.done $0x0  }
0x8c: {  	p0 =	sne.s32 s7, $0x4000;
	[sflag:s30] =	ssyncadd.s32 $0xFFFFC000  }
0x8d: {  	[tilespmem:s19], [sflag:$0x7] =	stream.indirect.gather [hbm4b:s2+s13], $0x80, s14, s13, $0xb8;
	[tilespmem:$0x10200] =	vst v63  }
.Ltmp0:
0x8e: {  	_ = 	snop;
	(pc) =	sbr.rel @p0 .LBB2_2-.Ltmp0, $4  }
0x8f: {  	_ =	swait.ge [sflag:s31], $0x4000  }
0x90: {  	[sflag:s31] =	ssyncset.done $0x0  }
0x91: {  	[sflag:s31] =	ssyncadd.s32 $0xFFFFC000  }
0x92: {  	s7 =	sadd.s32 $0x1000, s7;
	_ =	swait.ge [sflag:s0], $0x4000  }
0x93: {  	[sflag:s0] =	ssyncset.done $0x0  }
0x94: {  	[sflag:s0] =	ssyncadd.s32 $0xFFFFC000  }
0x95: {  	_ =	swait.ge [sflag:s24], $0x4000  }
0x96: {  	[sflag:s24] =	ssyncset.done $0x0  }
0x97: {  	[sflag:s24] =	ssyncadd.s32 $0xFFFFC000  }
0x98: {  	_ =	swait.ge [sflag:s20], $0x80  }
0x99: {  	[sflag:s20] =	ssyncset.done $0x0  }
0x9a: {  	[sflag:s20] =	ssyncadd.s32 $0xFFFFFF80  }
0x9b: {  	_ =	swait.ge [sflag:s25], $0x4000  }
0x9c: {  	[sflag:s25] =	ssyncset.done $0x0  }
0x9d: {  	[sflag:s25] =	ssyncadd.s32 $0xFFFFC000  }
0x9e: {  	_ =	swait.ge [sflag:s22], $0x80  }
0x9f: {  	s3 =	sadd.s32 $0x1, s3;
	s7 =	rddreg [dreg:$0xc]  }
0xa0: {  	p0 =	sne.s32 s3, s7  }
.Ltmp1:
0xa1: {  	_ = 	snop;
	(pc) =	sbr.rel @p0 .LBB2_1-.Ltmp1, $3  }
0xa2: {  	_ =	sdelay $0x1  }
0xa3: {  	[sflag:s22] =	ssyncset.done $0x0  }
0xa4: {  	[sflag:s22] =	ssyncadd.s32 $0xFFFFFF80  }
0xa5: {  	_ =	sfence.sel $0x180000  }
0xa6: {  	[bflag:$0x0] =	sbarrier.arrive $0xFFFF  }
0xa7: {  	_ =	strace $0x9000004D  }
0xa8: {  	s0 =	stileid.u32;
	[bflag:$0x2] =	sbarrier.arrive $0xFFFF  }
0xa9: {  	p0 =	sne.s32 s0, $0x0;
	s0 =	rddreg [dreg:$0x3]  }
0xaa: {  	s0 =	sadd.s32 @!p0 $0x100000, s0  }
0xab: {  	[sflag:s0] =	ssyncadd.tile.s32 @!p0 $0x1;
	_ =	shalt  }
.Lfunc_end2:
_tile_overlayer_lowered:
.L_overlay_start_2:
0xac: {  	(tag) =	ssettag $0x2  }
0xad: {  	s0 =	rddreg [dreg:$0x0];
	s2 =	stileid.u32  }
0xae: {  	s1 =	rddreg [dreg:$0x1];
	p0 =	sne.s32 s2, $0x0  }
0xaf: {  	s3 =	rddreg [dreg:$0x2];
	[bflag:$0x3] =	sbarrier.arrive $0xFFFF;
	s2 =	simm.s32 @!p0 $0x1C0D  }
0xb0: {  	[timem:s3], [sflag:s2] =	dma.local @!p0 [hbm:s0], s1  }
0xb1: {  	s0 =	simm.s32 @!p0 $0xD  }
0xb2: {  	_ =	swait.ge @!p0 [sflag:s0], s1  }
0xb3: {  	s1 =	ssub.s32 @!p0 $0x0, s1;
	[sflag:s0] =	ssyncset.done @!p0 $0x0  }
0xb4: {  	[sflag:s0] =	ssyncadd.s32 @!p0 s1  }
0xb5: {  	[bflag:$0x3] =	sbarrier.arrive $0xFFFF  }
0xb6: {  	_ =	shalt  }

// kernel: kernel.18.cloned.1.call-start
scs
__scs_entry_jumppad:
0x0: {  	(pc) =	sbr.rel $0x88, $3  }
0x1: {  	(tag) =	ssettag $0x0;
	lr =	simm.s32 $0x1  }
0x2: {  	[smem:$0x3F95] =	sst lr;
	_ =	strace $0xD0000000  }
0x3: {  	_ = 	snop  }
0x4: {  	_ = 	snop  }
0x5: {  	_ = 	snop  }
0x6: {  	_ = 	snop  }
0x7: {  	_ = 	snop  }
__scs_overlays_trampoline_lowered:
0x8: {  	[smem:$0x3FA4] =	sst s0  }
0x9: {  	[smem:$0x3FA5] =	sst s1  }
0xa: {  	[smem:$0x3FA6] =	sst s2  }
0xb: {  	[smem:$0x3FA7] =	sst s3  }
0xc: {  	[smem:$0x3FA8] =	sst s4  }
0xd: {  	[smem:$0x3FA9] =	sst s5  }
0xe: {  	[smem:$0x3FAA] =	sst s6  }
0xf: {  	[smem:$0x3FAB] =	sst s7  }
0x10: {  	[smem:$0x3FAC] =	sst s8  }
0x11: {  	[smem:$0x3FAD] =	sst s9;
	s0 =	simm.s32 @!p0 $0x0  }
0x12: {  	s1 =	sld [smem:$0x3F93];
	s0 =	simm.s32 @p0 $0x1  }
0x13: {  	[smem:$0x3FAE] =	sst s0;
	s0 =	simm.s32 @!p1 $0x0  }
0x14: {  	s2 =	sld [smem:$0x3F92];
	s0 =	simm.s32 @p1 $0x1  }
0x15: {  	[smem:$0x3FAF] =	sst s0;
	s0 =	simm.s32 @!p2 $0x0  }
0x16: {  	s3 =	sld [smem:$0x3FDB];
	s0 =	simm.s32 @p2 $0x1  }
0x17: {  	s4 =	simm.s32 $0x1BF5;
	[smem:$0x3FB1] =	sst s0  }
0x18: {  	s0 =	sld [smem:$0x3F94];
	_ =	swait.ge [sflag:s4], $0x0  }
0x19: {  	s7 =	sld [smem:$0x3F95]  }
0x1a: {  	s8 =	sadd.s32 $0xFFFFE003, lr  }
0x1b: {  	s9 =	sadd.s32 $0xFFFFFEF7, lr;
	s5 =	simm.s32 $0xFFFFFFFF;
	p2 =	slt.u32 s8, $0xFFFFF086  }
0x1c: {  	p1 =	slt.u32 s9, $0xF7A;
	s5 =	simm.s32 @!p2 $0x0  }
0x1d: {  	s5 =	simm.s32 @p1 $0x1;
	p0 =	seq.s32 s7, s2  }
0x1e: {  	s7 =	smul.u32 @!p0 $0xF7A, s2;
	p2 =	seq.s32 @!p0 s5, $0x0  }
0x1f: {  	s9 =	smul.u32 $0xF7A, s1;
	s8 =	simm.s32 @!p0 $0x1BF5;
	p2 =	por !p2, p0  }
0x20: {  	[sflag:s8] =	ssyncset.s32 @!p0 $0xFFFFF086;
	s6 =	sadd.s32 @!p0 s3, s7;
	s7 =	simm.s32 @!p0 $0x108  }
0x21: {  	s3 =	sadd.s32 s3, s9;
	s6 =	sadd.s32 @!p0 $0x88, s6;
	s7 =	simm.s32 @p2 $0x1082  }
0x22: {  	[simem:s7], [sflag:s8] =	dma.local @!p0 [hbm:s6], $0xF7A  }
0x23: {  	s9 =	sor.u32 $0xD0000000, s2;
	s6 =	simm.s32 $0x108;
	_ =	swait.ge @!p0 [sflag:s8], $0x0  }
0x24: {  	s3 =	sadd.s32 $0x88, s3;
	s6 =	simm.s32 @!p1 $0x1082;
	[sflag:s4] =	ssyncset.s32 $0xFFFFF086  }
0x25: {  	[simem:s6], [sflag:s4] =	dma.local [hbm:s3], $0xF7A  }
0x26: {  	[smem:$0x3F95] =	sst s1;
	(tag) =	ssettag s2;
	_ =	strace s9  }
0x27: {  	s1 =	sld [smem:$0x3FA5]  }
0x28: {  	s2 =	sld [smem:$0x3FA6]  }
0x29: {  	s4 =	sld [smem:$0x3FA8]  }
0x2a: {  	p0 =	seq.s32 s5, $0x0;
	s5 =	sld [smem:$0x3FA9]  }
0x2b: {  	s6 =	sld [smem:$0x3FAA]  }
0x2c: {  	s7 =	sld [smem:$0x3FAB]  }
0x2d: {  	s3 =	simm.s32 $0x108;
	s8 =	sld [smem:$0x3FAC]  }
0x2e: {  	s3 =	simm.s32 @!p0 $0x1082;
	s9 =	sld [smem:$0x3FAD]  }
0x2f: {  	lr =	sadd.s32 s0, s3;
	s0 =	sld [smem:$0x3FA4]  }
0x30: {  	s3 =	sld [smem:$0x3FA7]  }
0x31: {  	[smem:$0x3FB0] =	sst s10  }
0x32: {  	s10 =	sld [smem:$0x3FAE];
	_ =	sdelay $0x3  }
0x33: {  	p0 =	seq.s32 s10, $0x1;
	s10 =	sld [smem:$0x3FB0];
	_ =	sdelay $0x3  }
0x34: {  	[smem:$0x3FB0] =	sst s10  }
0x35: {  	s10 =	sld [smem:$0x3FAF];
	_ =	sdelay $0x3  }
0x36: {  	p1 =	seq.s32 s10, $0x1;
	s10 =	sld [smem:$0x3FB0];
	_ =	sdelay $0x3  }
0x37: {  	[smem:$0x3FB0] =	sst s10  }
0x38: {  	s10 =	sld [smem:$0x3FB1]  }
0x39: {  	_ = 	snop;
	(pc) =	sbr.ind lr, $3  }
0x3a: {  	_ = 	snop  }
0x3b: {  	_ = 	snop  }
0x3c: {  	p2 =	seq.s32 s10, $0x1;
	s10 =	sld [smem:$0x3FB0]  }
0x3d: {  	_ =	shalt  }
0x3e: {  	_ =	shalt  }
0x3f: {  	_ =	shalt  }
0x40: {  	_ =	shalt  }
0x41: {  	_ =	shalt  }
0x42: {  	_ =	shalt  }
0x43: {  	_ =	shalt  }
0x44: {  	_ =	shalt  }
0x45: {  	_ =	shalt  }
0x46: {  	_ =	shalt  }
0x47: {  	_ =	shalt  }
0x48: {  	_ =	shalt  }
0x49: {  	_ =	shalt  }
0x4a: {  	_ =	shalt  }
0x4b: {  	_ =	shalt  }
0x4c: {  	_ =	shalt  }
0x4d: {  	_ =	shalt  }
0x4e: {  	_ =	shalt  }
0x4f: {  	_ =	shalt  }
0x50: {  	_ =	shalt  }
0x51: {  	_ =	shalt  }
0x52: {  	_ =	shalt  }
0x53: {  	_ =	shalt  }
0x54: {  	_ =	shalt  }
0x55: {  	_ =	shalt  }
0x56: {  	_ =	shalt  }
0x57: {  	_ =	shalt  }
0x58: {  	_ =	shalt  }
0x59: {  	_ =	shalt  }
0x5a: {  	_ =	shalt  }
0x5b: {  	_ =	shalt  }
0x5c: {  	_ =	shalt  }
0x5d: {  	_ =	shalt  }
0x5e: {  	_ =	shalt  }
0x5f: {  	_ =	shalt  }
0x60: {  	_ =	shalt  }
0x61: {  	_ =	shalt  }
0x62: {  	_ =	shalt  }
0x63: {  	_ =	shalt  }
0x64: {  	_ =	shalt  }
0x65: {  	_ =	shalt  }
0x66: {  	_ =	shalt  }
0x67: {  	_ =	shalt  }
0x68: {  	_ =	shalt  }
0x69: {  	_ =	shalt  }
0x6a: {  	_ =	shalt  }
0x6b: {  	_ =	shalt  }
0x6c: {  	_ =	shalt  }
0x6d: {  	_ =	shalt  }
0x6e: {  	_ =	shalt  }
0x6f: {  	_ =	shalt  }
0x70: {  	_ =	shalt  }
0x71: {  	_ =	shalt  }
0x72: {  	_ =	shalt  }
0x73: {  	_ =	shalt  }
0x74: {  	_ =	shalt  }
0x75: {  	_ =	shalt  }
0x76: {  	_ =	shalt  }
0x77: {  	_ =	shalt  }
0x78: {  	_ =	shalt  }
0x79: {  	_ =	shalt  }
0x7a: {  	_ =	shalt  }
0x7b: {  	_ =	shalt  }
0x7c: {  	_ =	shalt  }
0x7d: {  	_ =	shalt  }
0x7e: {  	_ =	shalt  }
0x7f: {  	_ =	shalt  }
0x80: {  	_ =	shalt  }
0x81: {  	_ =	shalt  }
0x82: {  	_ =	shalt  }
0x83: {  	_ =	shalt  }
0x84: {  	_ =	shalt  }
0x85: {  	_ =	shalt  }
0x86: {  	_ =	shalt  }
0x87: {  	_ =	shalt  }
.Lfunc_end0:
.L_simem_size_0:
called_computation.2_lowered:
.L_overlay_start_0:
0x88: {  	s2 =	sld [smem:$0x3FD9]  }
0x89: {  	s3 =	sld [smem:$0x3FFE];
	_ =	sdelay $0x1  }
0x8a: {  	s1 =	srdreg.scid  }
0x8b: {  	s0 =	sand.u32 $0x1, s1  }
0x8c: {  	s17 =	sshll.u32 s0, $0xA;
	s2 =	sadd.s32 s3, s2  }
0x8d: {  	s2 =	sadd.s32 s2, s17  }
0x8e: {  	[smem:$0x3FBC] =	sst s2  }
0x8f: {  	_ = 	snop  }
0x90: {  	s18 =	sld [smem:$0x3FC7]  }
0x91: {  	s4 =	sld [smem:$0x3FC6];
	(tm) =	ssettm $0x1  }
0x92: {  	s19 =	sld [smem:$0x3FFB];
	_ =	sdelay $0x3  }
0x93: {  	_ =	strace s19  }
0x94: {  	s2 =	sld [smem:$0x3FFC];
	_ =	sdelay $0x3  }
0x95: {  	_ =	strace s2  }
0x96: {  	s2 =	sld [smem:$0x3FFD];
	_ =	sdelay $0x3  }
0x97: {  	_ =	strace s2  }
0x98: {  	_ =	strace $0x8FFFFFFF  }
0x99: {  	s20 =	sld [smem:$0x3FDB];
	_ =	sdelay $0x1  }
0x9a: {  	s5 =	simm.s32 $_scs_section_size  }
0x9b: {  	s6 =	simm.s32 $_size__tile_overlayer_lowered;
	s7 =	simm.s32 $_tile_overlayer_lowered  }
0x9c: {  	s8 =	simm.s32 $0x1BFF;
	s21 =	sshll.u32 s7, $0x1;
	s5 =	sadd.s32 s5, s20  }
0x9d: {  	s22 =	simm.s32 $0x0;
	s6 =	sshll.u32 s6, $0x1;
	s7 =	sadd.s32 s21, s5  }
0x9e: {  	[timem:s22], [sflag:s8] =	dma.local [hbm:s7], s6  }
0x9f: {  	_ =	swait.ge [sflag:s8], s6  }
0xa0: {  	s6 =	ssub.s32 $0x0, s6;
	[sflag:s8] =	ssyncset.done $0x0  }
0xa1: {  	[sflag:s8] =	ssyncadd.s32 s6;
	_ =	sdelay $0x1  }
0xa2: {  	s23 =	simm.s32 $0x1B8B  }
0xa3: {  	_ =	swait.ge [sflag:s23], $0x1  }
0xa4: {  	[sflag:s23] =	ssyncset.done $0x0  }
0xa5: {  	[sflag:s23] =	ssyncadd.s32 $0xFFFFFFFF  }
0xa6: {  	s6 =	sld [smem:$0x0]  }
0xa7: {  	s7 =	sand.u32 $0xFFFFFFFE, s1  }
0xa8: {  	p0 =	sne.s32 s1, s7  }
0xa9: {  	s7 =	sshll.u32 @p0 s7, $0xE  }
0xaa: {  	s7 =	sadd.s32 @p0 $0x11B8D, s7;
	s8 =	sshll.u32 @p0 s6, $0x11  }
0xab: {  	s7 =	sor.u32 @p0 s8, s7  }
0xac: {  	[sflag:s7] =	ssyncadd.remote.s32 @p0 $0x1;
	_ =	sdelay $0x1  }
0xad: {  	s7 =	simm.s32 @p0 $0x1B8D  }
0xae: {  	_ =	swait.eq @p0 [sflag:s7], $0x1  }
0xaf: {  	[sflag:s7] =	ssyncadd.s32 @p0 $0xFFFFFFFF  }
0xb0: {  	s8 =	sshll.u32 @!p0 s1, $0xE  }
0xb1: {  	s8 =	sor.u32 @!p0 $0x4000, s8;
	s7 =	simm.s32 @!p0 $0x1B8D  }
0xb2: {  	s6 =	sshll.u32 @!p0 s6, $0x11;
	s8 =	sadd.s32 @!p0 $0x11B8D, s8;
	_ =	swait.eq @!p0 [sflag:s7], $0x1  }
0xb3: {  	s6 =	sor.u32 @!p0 s6, s8;
	[sflag:s7] =	ssyncadd.s32 @!p0 $0xFFFFFFFF  }
0xb4: {  	s25 =	simm.s32 $0x1B8E;
	s24 =	sld [smem:$0x3FFE];
	[sflag:s6] =	ssyncadd.remote.s32 @!p0 $0x1  }
0xb5: {  	s26 =	simm.s32 $execute0_lowered;
	[smem:$0x3FD2] =	sst s25  }
0xb6: {  	s7 =	sshll.u32 s26, $0x1;
	_ =	strace $0x80000049;
	[dreg:$0x1] =	wrdreg $0xFFFFFFFF  }
0xb7: {  	s28 =	simm.s32 $_size_execute0_lowered;
	s5 =	sadd.s32 s5, s7;
	[dreg:$0x0] =	wrdreg $0x0  }
0xb8: {  	s7 =	sshll.u32 s28, $0x1;
	[dreg:$0x2] =	wrdreg s5  }
0xb9: {  	[dreg:$0x3] =	wrdreg s7  }
0xba: {  	[dreg:$0x4] =	wrdreg $0xC0  }
0xbb: {  	_ =	task [dreg:s22], $0x5FFFF  }
0xbc: {  	[dreg:$0x1] =	wrdreg $0xFFFFFFFF  }
0xbd: {  	[dreg:$0x0] =	wrdreg $0x60  }
0xbe: {  	[dreg:$0x2] =	wrdreg s18  }
0xbf: {  	[dreg:$0x3] =	wrdreg s4  }
0xc0: {  	[dreg:$0x4] =	wrdreg s24  }
0xc1: {  	[dreg:$0x5] =	wrdreg $0xB  }
0xc2: {  	_ =	task.clear_ibuf [dreg:s22], $0x6FFFF;
	_ =	strace $0x90000049  }
0xc3: {  	s29 =	simm.s32 $0xB;
	_ =	strace $0x8000004B  }
0xc4: {  	_ =	swait.ge [sflag:s29], $0x1  }
0xc5: {  	[sflag:s29] =	ssyncadd.s32 $0xFFFFFFFF  }
0xc6: {  	_ =	strace $0x9000004B  }
0xc7: {  	_ =	sfence  }
0xc8: {  	s30 =	sld [smem:$0x0];
	_ =	sdelay $0x2  }
0xc9: {  	s31 =	sshll.u32 s1, $0xD;
	s1 =	sshrl.u32 s1, $0x2  }
0xca: {  	s4 =	sand.u32 $0x4000, s31;
	s1 =	sadd.s32 s1, s30  }
0xcb: {  	s0 =	sor.u32 s4, s0;
	s1 =	sshll.u32 s1, $0x11  }
0xcc: {  	s0 =	sor.u32 s1, s0  }
0xcd: {  	s0 =	sadd.s32 $0x8F2B, s0  }
0xce: {  	[sflag:s0] =	ssyncadd.remote.s32 $0x1  }
0xcf: {  	_ =	sfence.sel $0xFFFF  }
0xd0: {  	[dreg:$0x0] =	wrdreg $0xFFFFFFFF;
	(pc) =	sbr.abs _section_cstart, $3  }
0xd1: {  	[dreg:$0x1] =	wrdreg $0xFFFFFFFF  }
0xd2: {  	_ =	task.clear_ibuf [dreg:s22], $0x2FFFF;
	_ =	strace $0x9FFFFFFF  }
0xd3: {  	(tm) =	ssettm $0x7FFFFFFF  }
tec
execute0_lowered:
.L_overlay_start_1:
0x0: {  	(tag) =	ssettag $0x1  }
0x1: {  	s1 =	rddreg [dreg:$0x0]  }
0x2: {  	s2 =	rddreg [dreg:$0x1]  }
0x3: {  	s0 =	rddreg [dreg:$0x2];
	s4 =	simm.s32 $0x0;
	s3 =	srdreg.scid  }
0x4: {  	s14 =	stileid.u32;
	s15 =	simm.s32 $0x180;
	s16 =	simm.s32 $0x1  }
0x5: {  	s17 =	simm.s32 $0x200;
	s28 =	simm.s32 $0x8;
	s29 =	simm.s32 $0x9  }
0x6: {  	s30 =	simm.s32 $0xB;
	s31 =	simm.s32 $0xA;
	s10 =	smul.u32 $0x50000, s14  }
0x7: {  	[smem:$0x7FF] =	sst s4;
	s3 =	sand.u32 $0x1, s3;
	s22 =	smul.u32 $0xA00, s14  }
0x8: {  	s6 =	sshll.u32 s14, $0x1;
	s8 =	sadd.s32 $0x14F800, s0;
	s14 =	smul.u32 $0xA000, s14  }
0x9: {  	s5 =	sadd.s32 $0x8000, s0;
	_ =	strace $0x8000004A;
	s13 =	smul.u32 $0x28000, s3  }
0xa: {  	s7 =	sor.u32 s3, s6;
	s9 =	ssub.s32 $0x2, s3;
	s25 =	smul.u32 $0x5000, s3  }
0xb: {  	s6 =	sadd.s32 $0x6C00, s0;
	s3 =	smul.u32 $0x500, s3;
	s11 =	sshrl.u32 s9, $0x1  }
0xc: {  	s0 =	sadd.s32 $0x1EF800, s0;
	s7 =	smul.u32 $0x500, s7;
	s9 =	ssub.s32 s9, s11  }
0xd: {  	s10 =	sadd.s32 s13, s10;
	s3 =	sadd.s32 s3, s22;
	s13 =	simm.s32 $0x80  }
0xe: {  	s22 =	simm.s32 $0x4;
	s12 =	sor.u32 $0x80, s7;
	s7 =	sshrl.u32 s7, $0x3  }
0xf: {  	s21 =	sshrl.u32 s10, $0x3;
	s9 =	smax.u32 s9, $0x1;
	s18 =	sshrl.u32 s12, $0x3  }
0x10: {  	s19 =	sadd.s32 s5, s7;
	s7 =	sadd.s32 s6, s7;
	[dreg:$0xc] =	wrdreg s9  }
0x11: {  	s24 =	sadd.s32 s21, s0;
	s0 =	sadd.s32 s14, s0;
	[dreg:$0x8] =	wrdreg s19  }
0x12: {  	s20 =	sadd.s32 s5, s18;
	[dreg:$0xa] =	wrdreg s7;
	s23 =	sadd.s32 s6, s18  }
0x13: {  	[dreg:$0x4] =	wrdreg s24;
	s7 =	sadd.s32 s21, s8;
	s8 =	sadd.s32 s14, s8  }
0x14: {  	s0 =	sadd.s32 s25, s0;
	s14 =	simm.s32 $0x100;
	[dreg:$0x9] =	wrdreg s20  }
0x15: {  	s18 =	simm.s32 $0x3;
	s19 =	simm.s32 $0x8200;
	[dreg:$0xb] =	wrdreg s23  }
0x16: {  	s21 =	simm.s32 $0x4200;
	s24 =	simm.s32 $0x5;
	[dreg:$0x5] =	wrdreg s7  }
0x17: {  	s26 =	sadd.s32 s25, s8;
	s8 =	sadd.s32 $0x180, s3;
	s0 =	sadd.s32 $0x800, s0  }
0x18: {  	s20 =	simm.s32 $0x2;
	s23 =	simm.s32 $0xC200;
	s25 =	simm.s32 $0x7  }
0x19: {  	s3 =	simm.s32 $0x0;
	s7 =	sadd.s32 $0x800, s26;
	[dreg:$0x7] =	wrdreg s0  }
0x1a: {  	s26 =	simm.s32 $0x6;
	s0 =	simm.s32 $0xC;
	[dreg:$0x6] =	wrdreg s7  }
.LBB2_1:
0x1b: {  	s7 =	rddreg [dreg:$0x8]  }
0x1c: {  	[tilespmem:s4], [sflag:$0x1] =	stream.linear.gather [hbm4b:s7+s4], $0x80, $0x38;
	[tilespmem:$0x10200] =	vst v63  }
0x1d: {  	s9 =	rddreg [dreg:$0x9]  }
0x1e: {  	[tilespmem:s13], [sflag:$0x2] =	stream.linear.gather [hbm4b:s9+s4], $0x80, $0x38;
	[tilespmem:$0x10200] =	vst v63  }
0x1f: {  	s10 =	rddreg [dreg:$0xa]  }
0x20: {  	[tilespmem:s14], [sflag:$0x3] =	stream.linear.gather [hbm4b:s10+s4], $0x80, $0x38;
	[tilespmem:$0x10200] =	vst v63  }
0x21: {  	s11 =	rddreg [dreg:$0xb]  }
0x22: {  	[tilespmem:s15], [sflag:$0x4] =	stream.linear.gather [hbm4b:s11+s4], $0x80, $0x38;
	[tilespmem:$0x10200] =	vst v63  }
0x23: {  	_ =	swait.ge [sflag:s16], $0x80  }
0x24: {  	[sflag:s16] =	ssyncset.done $0x0  }
0x25: {  	[sflag:s16] =	ssyncadd.s32 $0xFFFFFF80  }
0x26: {  	[tilespmem:s17], [sflag:$0x5] =	stream.indirect.gather [hbm4b:s1+s13], $0x80, s4, s13, $0xb8;
	[tilespmem:$0x10200] =	vst v63  }
0x27: {  	_ =	swait.ge [sflag:s18], $0x80  }
0x28: {  	[sflag:s18] =	ssyncset.done $0x0  }
0x29: {  	[sflag:s18] =	ssyncadd.s32 $0xFFFFFF80  }
0x2a: {  	[tilespmem:s19], [sflag:$0x7] =	stream.indirect.gather [hbm4b:s2+s13], $0x80, s14, s13, $0xb8;
	[tilespmem:$0x10200] =	vst v63  }
0x2b: {  	_ =	swait.ge [sflag:s20], $0x80  }
0x2c: {  	[sflag:s20] =	ssyncset.done $0x0  }
0x2d: {  	[sflag:s20] =	ssyncadd.s32 $0xFFFFFF80  }
0x2e: {  	[tilespmem:s21], [sflag:$0x6] =	stream.indirect.gather [hbm4b:s1+s13], $0x80, s13, s13, $0xb8;
	[tilespmem:$0x10200] =	vst v63  }
0x2f: {  	_ =	swait.ge [sflag:s22], $0x80  }
0x30: {  	[sflag:s22] =	ssyncset.done $0x0  }
0x31: {  	s9 =	sadd.s32 $0xFFFFFF80, s8;
	[sflag:s22] =	ssyncadd.s32 $0xFFFFFF80  }
0x32: {  	[tilespmem:s23], [sflag:$0x8] =	stream.indirect.gather [hbm4b:s2+s13], $0x80, s15, s13, $0xb8;
	[tilespmem:$0x10200] =	vst v63  }
0x33: {  	p0 =	slt.s32 s9, $0x9F80;
	_ =	swait.ge [sflag:s24], $0x4000  }
0x34: {  	s9 =	simm.s32 @!p0 $0x9F80;
	s12 =	rddreg [dreg:$0x5];
	[sflag:s24] =	ssyncset.done $0x0  }
0x35: {  	s10 =	sshrl.u32 s9, $0x3;
	[sflag:s24] =	ssyncadd.s32 $0xFFFFC000;
	s7 =	sadd.s32 $0x0, s12  }
0x36: {  	[hbm4b:s7+s4] =	stream.linear.scatter [tilespmem:s17], [sflag:$0x9], $0x4000, $0x38;
	[tilespmem:$0x10200] =	vst v63  }
0x37: {  	s9 =	sadd.s32 s5, s10  }
0x38: {  	[tilespmem:s4], [sflag:$0x1] =	stream.linear.gather [hbm4b:s9+s4], $0x80, $0x38;
	[tilespmem:$0x10200] =	vst v63  }
0x39: {  	_ =	swait.ge [sflag:s25], $0x4000  }
0x3a: {  	s11 =	rddreg [dreg:$0x4];
	[sflag:s25] =	ssyncset.done $0x0  }
0x3b: {  	[sflag:s25] =	ssyncadd.s32 $0xFFFFC000;
	s9 =	sadd.s32 $0x0, s11  }
0x3c: {  	[hbm4b:s9+s4] =	stream.linear.scatter [tilespmem:s19], [sflag:$0xB], $0x4000, $0x38;
	[tilespmem:$0x10200] =	vst v63  }
0x3d: {  	s7 =	sadd.s32 s6, s10  }
0x3e: {  	[tilespmem:s14], [sflag:$0x3] =	stream.linear.gather [hbm4b:s7+s4], $0x80, $0x38;
	[tilespmem:$0x10200] =	vst v63  }
0x3f: {  	p0 =	slt.s32 s8, $0x9F80;
	s9 =	smov.u32 s8;
	_ =	swait.ge [sflag:s26], $0x4000  }
0x40: {  	s9 =	simm.s32 @!p0 $0x9F80;
	s12 =	rddreg [dreg:$0x6];
	[sflag:s26] =	ssyncset.done $0x0  }
0x41: {  	s9 =	sshrl.u32 s9, $0x3;
	[sflag:s26] =	ssyncadd.s32 $0xFFFFC000;
	s7 =	sadd.s32 $0x0, s12  }
0x42: {  	[hbm4b:s7+s4] =	stream.linear.scatter [tilespmem:s21], [sflag:$0xA], $0x4000, $0x38;
	[tilespmem:$0x10200] =	vst v63  }
0x43: {  	s10 =	sadd.s32 s5, s9  }
0x44: {  	[tilespmem:s13], [sflag:$0x2] =	stream.linear.gather [hbm4b:s10+s4], $0x80, $0x38;
	[tilespmem:$0x10200] =	vst v63  }
0x45: {  	_ =	swait.ge [sflag:s28], $0x4000  }
0x46: {  	s11 =	rddreg [dreg:$0x7];
	[sflag:s28] =	ssyncset.done $0x0  }
0x47: {  	[sflag:s28] =	ssyncadd.s32 $0xFFFFC000;
	s7 =	sadd.s32 $0x0, s11  }
0x48: {  	[hbm4b:s7+s4] =	stream.linear.scatter [tilespmem:s23], [sflag:$0xC], $0x4000, $0x38;
	[tilespmem:$0x10200] =	vst v63  }
0x49: {  	s12 =	sadd.s32 s6, s9  }
0x4a: {  	[tilespmem:s15], [sflag:$0x4] =	stream.linear.gather [hbm4b:s12+s4], $0x80, $0x38;
	[tilespmem:$0x10200] =	vst v63  }
0x4b: {  	_ =	swait.ge [sflag:s16], $0x80  }
0x4c: {  	[sflag:s16] =	ssyncset.done $0x0  }
0x4d: {  	[sflag:s16] =	ssyncadd.s32 $0xFFFFFF80  }
0x4e: {  	_ =	swait.ge [sflag:s29], $0x4000  }
0x4f: {  	[sflag:s29] =	ssyncset.done $0x0  }
0x50: {  	[sflag:s29] =	ssyncadd.s32 $0xFFFFC000  }
0x51: {  	[tilespmem:s17], [sflag:$0x5] =	stream.indirect.gather [hbm4b:s1+s13], $0x80, s4, s13, $0xb8;
	[tilespmem:$0x10200] =	vst v63  }
0x52: {  	_ =	swait.ge [sflag:s18], $0x80  }
0x53: {  	[sflag:s18] =	ssyncset.done $0x0  }
0x54: {  	[sflag:s18] =	ssyncadd.s32 $0xFFFFFF80  }
0x55: {  	_ =	swait.ge [sflag:s30], $0x4000  }
0x56: {  	[sflag:s30] =	ssyncset.done $0x0  }
0x57: {  	[sflag:s30] =	ssyncadd.s32 $0xFFFFC000  }
0x58: {  	[tilespmem:s19], [sflag:$0x7] =	stream.indirect.gather [hbm4b:s2+s13], $0x80, s14, s13, $0xb8;
	[tilespmem:$0x10200] =	vst v63  }
0x59: {  	_ =	swait.ge [sflag:s31], $0x4000  }
0x5a: {  	[sflag:s31] =	ssyncset.done $0x0  }
0x5b: {  	[sflag:s31] =	ssyncadd.s32 $0xFFFFC000  }
0x5c: {  	s7 =	simm.s32 $0x1000;
	s12 =	smov.u32 s8;
	_ =	swait.ge [sflag:s0], $0x4000  }
.LBB2_2:
0x5d: {  	[sflag:s0] =	ssyncset.done $0x0  }
0x5e: {  	[sflag:s0] =	ssyncadd.s32 $0xFFFFC000  }
0x5f: {  	_ =	swait.ge [sflag:s20], $0x80  }
0x60: {  	[sflag:s20] =	ssyncset.done $0x0  }
0x61: {  	[sflag:s20] =	ssyncadd.s32 $0xFFFFFF80  }
0x62: {  	[tilespmem:s21], [sflag:$0x6] =	stream.indirect.gather [hbm4b:s1+s13], $0x80, s13, s13, $0xb8;
	[tilespmem:$0x10200] =	vst v63  }
0x63: {  	_ =	swait.ge [sflag:s22], $0x80  }
0x64: {  	[sflag:s22] =	ssyncset.done $0x0  }
0x65: {  	s12 =	sadd.s32 $0x100, s12;
	[sflag:s22] =	ssyncadd.s32 $0xFFFFFF80  }
0x66: {  	[tilespmem:s23], [sflag:$0x8] =	stream.indirect.gather [hbm4b:s2+s13], $0x80, s15, s13, $0xb8;
	[tilespmem:$0x10200] =	vst v63  }
0x67: {  	s9 =	smov.u32 s7;
	s11 =	sadd.s32 $0xFFFFFF80, s12;
	_ =	swait.ge [sflag:s24], $0x4000  }
0x68: {  	p1 =	slt.s32 s11, $0x9F80;
	s10 =	rddreg [dreg:$0x5];
	[sflag:s24] =	ssyncset.done $0x0  }
0x69: {  	s11 =	simm.s32 @!p1 $0x9F80;
	[sflag:s24] =	ssyncadd.s32 $0xFFFFC000;
	s10 =	sadd.s32 s9, s10  }
0x6a: {  	[hbm4b:s10+s4] =	stream.linear.scatter [tilespmem:s17], [sflag:$0x9], $0x4000, $0x38;
	[tilespmem:$0x10200] =	vst v63  }
0x6b: {  	s10 =	sshrl.u32 s11, $0x3  }
0x6c: {  	s11 =	sadd.s32 s5, s10  }
0x6d: {  	[tilespmem:s4], [sflag:$0x1] =	stream.linear.gather [hbm4b:s11+s4], $0x80, $0x38;
	[tilespmem:$0x10200] =	vst v63  }
0x6e: {  	_ =	swait.ge [sflag:s25], $0x4000  }
0x6f: {  	s11 =	rddreg [dreg:$0x4];
	[sflag:s25] =	ssyncset.done $0x0  }
0x70: {  	[sflag:s25] =	ssyncadd.s32 $0xFFFFC000;
	s11 =	sadd.s32 s9, s11  }
0x71: {  	[hbm4b:s11+s4] =	stream.linear.scatter [tilespmem:s19], [sflag:$0xB], $0x4000, $0x38;
	[tilespmem:$0x10200] =	vst v63  }
0x72: {  	s10 =	sadd.s32 s6, s10  }
0x73: {  	[tilespmem:s14], [sflag:$0x3] =	stream.linear.gather [hbm4b:s10+s4], $0x80, $0x38;
	[tilespmem:$0x10200] =	vst v63  }
0x74: {  	p1 =	slt.s32 s12, $0x9F80;
	s11 =	smov.u32 s12;
	_ =	swait.ge [sflag:s26], $0x4000  }
0x75: {  	s11 =	simm.s32 @!p1 $0x9F80;
	s10 =	rddreg [dreg:$0x6];
	[sflag:s26] =	ssyncset.done $0x0  }
0x76: {  	s11 =	sshrl.u32 s11, $0x3;
	[sflag:s26] =	ssyncadd.s32 $0xFFFFC000;
	s10 =	sadd.s32 s9, s10  }
0x77: {  	[hbm4b:s10+s4] =	stream.linear.scatter [tilespmem:s21], [sflag:$0xA], $0x4000, $0x38;
	[tilespmem:$0x10200] =	vst v63  }
0x78: {  	s10 =	sadd.s32 s5, s11  }
0x79: {  	[tilespmem:s13], [sflag:$0x2] =	stream.linear.gather [hbm4b:s10+s4], $0x80, $0x38;
	[tilespmem:$0x10200] =	vst v63  }
0x7a: {  	_ =	swait.ge [sflag:s28], $0x4000  }
0x7b: {  	s10 =	rddreg [dreg:$0x7];
	[sflag:s28] =	ssyncset.done $0x0  }
0x7c: {  	[sflag:s28] =	ssyncadd.s32 $0xFFFFC000;
	s9 =	sadd.s32 s9, s10  }
0x7d: {  	[hbm4b:s9+s4] =	stream.linear.scatter [tilespmem:s23], [sflag:$0xC], $0x4000, $0x38;
	[tilespmem:$0x10200] =	vst v63  }
0x7e: {  	s11 =	sadd.s32 s6, s11  }
0x7f: {  	[tilespmem:s15], [sflag:$0x4] =	stream.linear.gather [hbm4b:s11+s4], $0x80, $0x38;
	[tilespmem:$0x10200] =	vst v63  }
0x80: {  	_ =	swait.ge [sflag:s16], $0x80  }
0x81: {  	[sflag:s16] =	ssyncset.done $0x0  }
0x82: {  	[sflag:s16] =	ssyncadd.s32 $0xFFFFFF80  }
0x83: {  	_ =	swait.ge [sflag:s29], $0x4000  }
0x84: {  	[sflag:s29] =	ssyncset.done $0x0  }
0x85: {  	[sflag:s29] =	ssyncadd.s32 $0xFFFFC000  }
0x86: {  	[tilespmem:s17], [sflag:$0x5] =	stream.indirect.gather [hbm4b:s1+s13], $0x80, s4, s13, $0xb8;
	[tilespmem:$0x10200] =	vst v63  }
0x87: {  	_ =	swait.ge [sflag:s18], $0x80  }
0x88: {  	[sflag:s18] =	ssyncset.done $0x0  }
0x89: {  	[sflag:s18] =	ssyncadd.s32 $0xFFFFFF80  }
0x8a: {  	_ =	swait.ge [sflag:s30], $0x4000  }
0x8b: {  	[sflag:s30] =	ssyncset.done $0x0  }
0x8c: {  	p0 =	sne.s32 s7, $0x4000;
	[sflag:s30] =	ssyncadd.s32 $0xFFFFC000  }
0x8d: {  	[tilespmem:s19], [sflag:$0x7] =	stream.indirect.gather [hbm4b:s2+s13], $0x80, s14, s13, $0xb8;
	[tilespmem:$0x10200] =	vst v63  }
.Ltmp0:
0x8e: {  	_ = 	snop;
	(pc) =	sbr.rel @p0 .LBB2_2-.Ltmp0, $4  }
0x8f: {  	_ =	swait.ge [sflag:s31], $0x4000  }
0x90: {  	[sflag:s31] =	ssyncset.done $0x0  }
0x91: {  	[sflag:s31] =	ssyncadd.s32 $0xFFFFC000  }
0x92: {  	s7 =	sadd.s32 $0x1000, s7;
	_ =	swait.ge [sflag:s0], $0x4000  }
0x93: {  	[sflag:s0] =	ssyncset.done $0x0  }
0x94: {  	[sflag:s0] =	ssyncadd.s32 $0xFFFFC000  }
0x95: {  	_ =	swait.ge [sflag:s24], $0x4000  }
0x96: {  	[sflag:s24] =	ssyncset.done $0x0  }
0x97: {  	[sflag:s24] =	ssyncadd.s32 $0xFFFFC000  }
0x98: {  	_ =	swait.ge [sflag:s20], $0x80  }
0x99: {  	[sflag:s20] =	ssyncset.done $0x0  }
0x9a: {  	[sflag:s20] =	ssyncadd.s32 $0xFFFFFF80  }
0x9b: {  	_ =	swait.ge [sflag:s25], $0x4000  }
0x9c: {  	[sflag:s25] =	ssyncset.done $0x0  }
0x9d: {  	[sflag:s25] =	ssyncadd.s32 $0xFFFFC000  }
0x9e: {  	_ =	swait.ge [sflag:s22], $0x80  }
0x9f: {  	s3 =	sadd.s32 $0x1, s3;
	s7 =	rddreg [dreg:$0xc]  }
0xa0: {  	p0 =	sne.s32 s3, s7  }
.Ltmp1:
0xa1: {  	_ = 	snop;
	(pc) =	sbr.rel @p0 .LBB2_1-.Ltmp1, $3  }
0xa2: {  	_ =	sdelay $0x1  }
0xa3: {  	[sflag:s22] =	ssyncset.done $0x0  }
0xa4: {  	[sflag:s22] =	ssyncadd.s32 $0xFFFFFF80  }
0xa5: {  	_ =	sfence.sel $0x180000  }
0xa6: {  	[bflag:$0x0] =	sbarrier.arrive $0xFFFF  }
0xa7: {  	_ =	strace $0x9000004A  }
0xa8: {  	s0 =	stileid.u32;
	[bflag:$0x2] =	sbarrier.arrive $0xFFFF  }
0xa9: {  	p0 =	sne.s32 s0, $0x0;
	s0 =	rddreg [dreg:$0x3]  }
0xaa: {  	s0 =	sadd.s32 @!p0 $0x100000, s0  }
0xab: {  	[sflag:s0] =	ssyncadd.tile.s32 @!p0 $0x1;
	_ =	shalt  }
.Lfunc_end2:
_tile_overlayer_lowered:
.L_overlay_start_2:
0xac: {  	(tag) =	ssettag $0x2  }
0xad: {  	s0 =	rddreg [dreg:$0x0];
	s2 =	stileid.u32  }
0xae: {  	s1 =	rddreg [dreg:$0x1];
	p0 =	sne.s32 s2, $0x0  }
0xaf: {  	s3 =	rddreg [dreg:$0x2];
	[bflag:$0x3] =	sbarrier.arrive $0xFFFF;
	s2 =	simm.s32 @!p0 $0x1C0D  }
0xb0: {  	[timem:s3], [sflag:s2] =	dma.local @!p0 [hbm:s0], s1  }
0xb1: {  	s0 =	simm.s32 @!p0 $0xD  }
0xb2: {  	_ =	swait.ge @!p0 [sflag:s0], s1  }
0xb3: {  	s1 =	ssub.s32 @!p0 $0x0, s1;
	[sflag:s0] =	ssyncset.done @!p0 $0x0  }
0xb4: {  	[sflag:s0] =	ssyncadd.s32 @!p0 s1  }
0xb5: {  	[bflag:$0x3] =	sbarrier.arrive $0xFFFF  }
0xb6: {  	_ =	shalt  }

// kernel: kernel.21.cloned.1.call-start
scs
__scs_entry_jumppad:
0x0: {  	(pc) =	sbr.rel $0x88, $3  }
0x1: {  	(tag) =	ssettag $0x0;
	lr =	simm.s32 $0x1  }
0x2: {  	[smem:$0x3F95] =	sst lr;
	_ =	strace $0xD0000000  }
0x3: {  	_ = 	snop  }
0x4: {  	_ = 	snop  }
0x5: {  	_ = 	snop  }
0x6: {  	_ = 	snop  }
0x7: {  	_ = 	snop  }
__scs_overlays_trampoline_lowered:
0x8: {  	[smem:$0x3FA4] =	sst s0  }
0x9: {  	[smem:$0x3FA5] =	sst s1  }
0xa: {  	[smem:$0x3FA6] =	sst s2  }
0xb: {  	[smem:$0x3FA7] =	sst s3  }
0xc: {  	[smem:$0x3FA8] =	sst s4  }
0xd: {  	[smem:$0x3FA9] =	sst s5  }
0xe: {  	[smem:$0x3FAA] =	sst s6  }
0xf: {  	[smem:$0x3FAB] =	sst s7  }
0x10: {  	[smem:$0x3FAC] =	sst s8  }
0x11: {  	[smem:$0x3FAD] =	sst s9;
	s0 =	simm.s32 @!p0 $0x0  }
0x12: {  	s1 =	sld [smem:$0x3F93];
	s0 =	simm.s32 @p0 $0x1  }
0x13: {  	[smem:$0x3FAE] =	sst s0;
	s0 =	simm.s32 @!p1 $0x0  }
0x14: {  	s2 =	sld [smem:$0x3F92];
	s0 =	simm.s32 @p1 $0x1  }
0x15: {  	[smem:$0x3FAF] =	sst s0;
	s0 =	simm.s32 @!p2 $0x0  }
0x16: {  	s3 =	sld [smem:$0x3FDB];
	s0 =	simm.s32 @p2 $0x1  }
0x17: {  	s4 =	simm.s32 $0x1BF5;
	[smem:$0x3FB1] =	sst s0  }
0x18: {  	s0 =	sld [smem:$0x3F94];
	_ =	swait.ge [sflag:s4], $0x0  }
0x19: {  	s7 =	sld [smem:$0x3F95]  }
0x1a: {  	s8 =	sadd.s32 $0xFFFFE003, lr  }
0x1b: {  	s9 =	sadd.s32 $0xFFFFFEF7, lr;
	s5 =	simm.s32 $0xFFFFFFFF;
	p2 =	slt.u32 s8, $0xFFFFF086  }
0x1c: {  	p1 =	slt.u32 s9, $0xF7A;
	s5 =	simm.s32 @!p2 $0x0  }
0x1d: {  	s5 =	simm.s32 @p1 $0x1;
	p0 =	seq.s32 s7, s2  }
0x1e: {  	s7 =	smul.u32 @!p0 $0xF7A, s2;
	p2 =	seq.s32 @!p0 s5, $0x0  }
0x1f: {  	s9 =	smul.u32 $0xF7A, s1;
	s8 =	simm.s32 @!p0 $0x1BF5;
	p2 =	por !p2, p0  }
0x20: {  	[sflag:s8] =	ssyncset.s32 @!p0 $0xFFFFF086;
	s6 =	sadd.s32 @!p0 s3, s7;
	s7 =	simm.s32 @!p0 $0x108  }
0x21: {  	s3 =	sadd.s32 s3, s9;
	s6 =	sadd.s32 @!p0 $0x88, s6;
	s7 =	simm.s32 @p2 $0x1082  }
0x22: {  	[simem:s7], [sflag:s8] =	dma.local @!p0 [hbm:s6], $0xF7A  }
0x23: {  	s9 =	sor.u32 $0xD0000000, s2;
	s6 =	simm.s32 $0x108;
	_ =	swait.ge @!p0 [sflag:s8], $0x0  }
0x24: {  	s3 =	sadd.s32 $0x88, s3;
	s6 =	simm.s32 @!p1 $0x1082;
	[sflag:s4] =	ssyncset.s32 $0xFFFFF086  }
0x25: {  	[simem:s6], [sflag:s4] =	dma.local [hbm:s3], $0xF7A  }
0x26: {  	[smem:$0x3F95] =	sst s1;
	(tag) =	ssettag s2;
	_ =	strace s9  }
0x27: {  	s1 =	sld [smem:$0x3FA5]  }
0x28: {  	s2 =	sld [smem:$0x3FA6]  }
0x29: {  	s4 =	sld [smem:$0x3FA8]  }
0x2a: {  	p0 =	seq.s32 s5, $0x0;
	s5 =	sld [smem:$0x3FA9]  }
0x2b: {  	s6 =	sld [smem:$0x3FAA]  }
0x2c: {  	s7 =	sld [smem:$0x3FAB]  }
0x2d: {  	s3 =	simm.s32 $0x108;
	s8 =	sld [smem:$0x3FAC]  }
0x2e: {  	s3 =	simm.s32 @!p0 $0x1082;
	s9 =	sld [smem:$0x3FAD]  }
0x2f: {  	lr =	sadd.s32 s0, s3;
	s0 =	sld [smem:$0x3FA4]  }
0x30: {  	s3 =	sld [smem:$0x3FA7]  }
0x31: {  	[smem:$0x3FB0] =	sst s10  }
0x32: {  	s10 =	sld [smem:$0x3FAE];
	_ =	sdelay $0x3  }
0x33: {  	p0 =	seq.s32 s10, $0x1;
	s10 =	sld [smem:$0x3FB0];
	_ =	sdelay $0x3  }
0x34: {  	[smem:$0x3FB0] =	sst s10  }
0x35: {  	s10 =	sld [smem:$0x3FAF];
	_ =	sdelay $0x3  }
0x36: {  	p1 =	seq.s32 s10, $0x1;
	s10 =	sld [smem:$0x3FB0];
	_ =	sdelay $0x3  }
0x37: {  	[smem:$0x3FB0] =	sst s10  }
0x38: {  	s10 =	sld [smem:$0x3FB1]  }
0x39: {  	_ = 	snop;
	(pc) =	sbr.ind lr, $3  }
0x3a: {  	_ = 	snop  }
0x3b: {  	_ = 	snop  }
0x3c: {  	p2 =	seq.s32 s10, $0x1;
	s10 =	sld [smem:$0x3FB0]  }
0x3d: {  	_ =	shalt  }
0x3e: {  	_ =	shalt  }
0x3f: {  	_ =	shalt  }
0x40: {  	_ =	shalt  }
0x41: {  	_ =	shalt  }
0x42: {  	_ =	shalt  }
0x43: {  	_ =	shalt  }
0x44: {  	_ =	shalt  }
0x45: {  	_ =	shalt  }
0x46: {  	_ =	shalt  }
0x47: {  	_ =	shalt  }
0x48: {  	_ =	shalt  }
0x49: {  	_ =	shalt  }
0x4a: {  	_ =	shalt  }
0x4b: {  	_ =	shalt  }
0x4c: {  	_ =	shalt  }
0x4d: {  	_ =	shalt  }
0x4e: {  	_ =	shalt  }
0x4f: {  	_ =	shalt  }
0x50: {  	_ =	shalt  }
0x51: {  	_ =	shalt  }
0x52: {  	_ =	shalt  }
0x53: {  	_ =	shalt  }
0x54: {  	_ =	shalt  }
0x55: {  	_ =	shalt  }
0x56: {  	_ =	shalt  }
0x57: {  	_ =	shalt  }
0x58: {  	_ =	shalt  }
0x59: {  	_ =	shalt  }
0x5a: {  	_ =	shalt  }
0x5b: {  	_ =	shalt  }
0x5c: {  	_ =	shalt  }
0x5d: {  	_ =	shalt  }
0x5e: {  	_ =	shalt  }
0x5f: {  	_ =	shalt  }
0x60: {  	_ =	shalt  }
0x61: {  	_ =	shalt  }
0x62: {  	_ =	shalt  }
0x63: {  	_ =	shalt  }
0x64: {  	_ =	shalt  }
0x65: {  	_ =	shalt  }
0x66: {  	_ =	shalt  }
0x67: {  	_ =	shalt  }
0x68: {  	_ =	shalt  }
0x69: {  	_ =	shalt  }
0x6a: {  	_ =	shalt  }
0x6b: {  	_ =	shalt  }
0x6c: {  	_ =	shalt  }
0x6d: {  	_ =	shalt  }
0x6e: {  	_ =	shalt  }
0x6f: {  	_ =	shalt  }
0x70: {  	_ =	shalt  }
0x71: {  	_ =	shalt  }
0x72: {  	_ =	shalt  }
0x73: {  	_ =	shalt  }
0x74: {  	_ =	shalt  }
0x75: {  	_ =	shalt  }
0x76: {  	_ =	shalt  }
0x77: {  	_ =	shalt  }
0x78: {  	_ =	shalt  }
0x79: {  	_ =	shalt  }
0x7a: {  	_ =	shalt  }
0x7b: {  	_ =	shalt  }
0x7c: {  	_ =	shalt  }
0x7d: {  	_ =	shalt  }
0x7e: {  	_ =	shalt  }
0x7f: {  	_ =	shalt  }
0x80: {  	_ =	shalt  }
0x81: {  	_ =	shalt  }
0x82: {  	_ =	shalt  }
0x83: {  	_ =	shalt  }
0x84: {  	_ =	shalt  }
0x85: {  	_ =	shalt  }
0x86: {  	_ =	shalt  }
0x87: {  	_ =	shalt  }
.Lfunc_end0:
.L_simem_size_0:
called_computation.3_lowered:
.L_overlay_start_0:
0x88: {  	s2 =	sld [smem:$0x3FD9]  }
0x89: {  	s3 =	sld [smem:$0x3FFE];
	_ =	sdelay $0x1  }
0x8a: {  	s1 =	srdreg.scid  }
0x8b: {  	s0 =	sand.u32 $0x1, s1  }
0x8c: {  	s17 =	sshll.u32 s0, $0xA;
	s2 =	sadd.s32 s3, s2  }
0x8d: {  	s2 =	sadd.s32 s2, s17  }
0x8e: {  	[smem:$0x3FBC] =	sst s2  }
0x8f: {  	_ = 	snop  }
0x90: {  	s2 =	sld [smem:$0x3FC7]  }
0x91: {  	s18 =	sld [smem:$0x3FC6];
	(tm) =	ssettm $0x1  }
0x92: {  	s4 =	sld [smem:$0x3FFB];
	_ =	sdelay $0x3  }
0x93: {  	_ =	strace s4  }
0x94: {  	s4 =	sld [smem:$0x3FFC];
	_ =	sdelay $0x3  }
0x95: {  	_ =	strace s4  }
0x96: {  	s4 =	sld [smem:$0x3FFD];
	_ =	sdelay $0x3  }
0x97: {  	_ =	strace s4  }
0x98: {  	_ =	strace $0x8FFFFFFF  }
0x99: {  	s19 =	sld [smem:$0x3FDB];
	_ =	sdelay $0x1  }
0x9a: {  	s5 =	simm.s32 $_scs_section_size  }
0x9b: {  	s6 =	simm.s32 $_size__tile_overlayer_lowered;
	s7 =	simm.s32 $_tile_overlayer_lowered  }
0x9c: {  	s22 =	simm.s32 $0x1BFF;
	s21 =	sshll.u32 s7, $0x1;
	s4 =	sadd.s32 s5, s19  }
0x9d: {  	s8 =	simm.s32 $0x0;
	s20 =	sshll.u32 s6, $0x1;
	s6 =	sadd.s32 s21, s4  }
0x9e: {  	[timem:s8], [sflag:s22] =	dma.local [hbm:s6], s20  }
0x9f: {  	_ =	swait.ge [sflag:s22], s20  }
0xa0: {  	s5 =	ssub.s32 $0x0, s20;
	[sflag:s22] =	ssyncset.done $0x0  }
0xa1: {  	[sflag:s22] =	ssyncadd.s32 s5;
	_ =	sdelay $0x1  }
0xa2: {  	s23 =	simm.s32 $0x1B8B  }
0xa3: {  	_ =	swait.ge [sflag:s23], $0x1  }
0xa4: {  	[sflag:s23] =	ssyncset.done $0x0  }
0xa5: {  	s25 =	simm.s32 $0x1B8E;
	s24 =	sld [smem:$0x3FFE];
	[sflag:s23] =	ssyncadd.s32 $0xFFFFFFFF  }
0xa6: {  	s26 =	simm.s32 $execute0_lowered;
	[smem:$0x3FD2] =	sst s25  }
0xa7: {  	s6 =	sshll.u32 s26, $0x1;
	_ =	strace $0x80000046;
	[dreg:$0x1] =	wrdreg $0xFFFFFFFF  }
0xa8: {  	s28 =	simm.s32 $_size_execute0_lowered;
	s4 =	sadd.s32 s4, s6;
	[dreg:$0x0] =	wrdreg $0x0  }
0xa9: {  	s6 =	sshll.u32 s28, $0x1;
	[dreg:$0x2] =	wrdreg s4  }
0xaa: {  	[dreg:$0x3] =	wrdreg s6  }
0xab: {  	[dreg:$0x4] =	wrdreg $0xC0  }
0xac: {  	_ =	task [dreg:s8], $0x5FFFF  }
0xad: {  	[dreg:$0x1] =	wrdreg $0xFFFFFFFF  }
0xae: {  	[dreg:$0x0] =	wrdreg $0x60  }
0xaf: {  	[dreg:$0x2] =	wrdreg s2  }
0xb0: {  	[dreg:$0x3] =	wrdreg s18  }
0xb1: {  	[dreg:$0x4] =	wrdreg s24  }
0xb2: {  	[dreg:$0x5] =	wrdreg $0xC  }
0xb3: {  	_ =	task.clear_ibuf [dreg:s8], $0x6FFFF;
	_ =	strace $0x90000046  }
0xb4: {  	s29 =	simm.s32 $0xC;
	_ =	strace $0x80000048  }
0xb5: {  	_ =	swait.ge [sflag:s29], $0x1  }
0xb6: {  	[sflag:s29] =	ssyncadd.s32 $0xFFFFFFFF  }
0xb7: {  	_ =	strace $0x90000048  }
0xb8: {  	_ =	sfence  }
0xb9: {  	s30 =	sld [smem:$0x0];
	_ =	sdelay $0x2  }
0xba: {  	s31 =	sshll.u32 s1, $0xD;
	s1 =	sshrl.u32 s1, $0x2  }
0xbb: {  	s3 =	sand.u32 $0x4000, s31;
	s1 =	sadd.s32 s1, s30  }
0xbc: {  	s0 =	sor.u32 s3, s0;
	s1 =	sshll.u32 s1, $0x11  }
0xbd: {  	s0 =	sor.u32 s1, s0  }
0xbe: {  	s0 =	sadd.s32 $0x8F2B, s0  }
0xbf: {  	[sflag:s0] =	ssyncadd.remote.s32 $0x1  }
0xc0: {  	_ =	sfence.sel $0xFFFF  }
0xc1: {  	[dreg:$0x0] =	wrdreg $0xFFFFFFFF;
	(pc) =	sbr.abs _section_cstart, $3  }
0xc2: {  	[dreg:$0x1] =	wrdreg $0xFFFFFFFF  }
0xc3: {  	_ =	task.clear_ibuf [dreg:s8], $0x2FFFF;
	_ =	strace $0x9FFFFFFF  }
0xc4: {  	(tm) =	ssettm $0x7FFFFFFF  }
0xc5: {  	_ =	shalt  }
tec
execute0_lowered:
.L_overlay_start_1:
0x0: {  	(tag) =	ssettag $0x1  }
0x1: {  	s1 =	rddreg [dreg:$0x0]  }
0x2: {  	s2 =	rddreg [dreg:$0x1]  }
0x3: {  	s0 =	rddreg [dreg:$0x2];
	s4 =	simm.s32 $0x0;
	s3 =	srdreg.scid  }
0x4: {  	s14 =	stileid.u32;
	s15 =	simm.s32 $0x180;
	s16 =	simm.s32 $0x1  }
0x5: {  	s17 =	simm.s32 $0x200;
	s28 =	simm.s32 $0x8;
	s29 =	simm.s32 $0x9  }
0x6: {  	s30 =	simm.s32 $0xB;
	s31 =	simm.s32 $0xA;
	s10 =	smul.u32 $0x50000, s14  }
0x7: {  	[smem:$0x7FF] =	sst s4;
	s3 =	sand.u32 $0x1, s3;
	s22 =	smul.u32 $0xA00, s14  }
0x8: {  	s6 =	sshll.u32 s14, $0x1;
	s5 =	sadd.s32 $0x5800, s0;
	s14 =	smul.u32 $0xA000, s14  }
0x9: {  	s8 =	sadd.s32 $0xF800, s0;
	_ =	strace $0x80000047;
	s13 =	smul.u32 $0x28000, s3  }
0xa: {  	s7 =	sor.u32 s3, s6;
	s9 =	ssub.s32 $0x2, s3;
	s25 =	smul.u32 $0x5000, s3  }
0xb: {  	s6 =	sadd.s32 $0x4400, s0;
	s3 =	smul.u32 $0x500, s3;
	s11 =	sshrl.u32 s9, $0x1  }
0xc: {  	s0 =	sadd.s32 $0xAF800, s0;
	s7 =	smul.u32 $0x500, s7;
	s9 =	ssub.s32 s9, s11  }
0xd: {  	s10 =	sadd.s32 s13, s10;
	s3 =	sadd.s32 s3, s22;
	s13 =	simm.s32 $0x80  }
0xe: {  	s22 =	simm.s32 $0x4;
	s12 =	sor.u32 $0x80, s7;
	s7 =	sshrl.u32 s7, $0x3  }
0xf: {  	s21 =	sshrl.u32 s10, $0x3;
	s9 =	smax.u32 s9, $0x1;
	s18 =	sshrl.u32 s12, $0x3  }
0x10: {  	s19 =	sadd.s32 s5, s7;
	s7 =	sadd.s32 s6, s7;
	[dreg:$0xc] =	wrdreg s9  }
0x11: {  	s24 =	sadd.s32 s21, s0;
	s0 =	sadd.s32 s14, s0;
	[dreg:$0x8] =	wrdreg s19  }
0x12: {  	s20 =	sadd.s32 s5, s18;
	[dreg:$0xa] =	wrdreg s7;
	s23 =	sadd.s32 s6, s18  }
0x13: {  	[dreg:$0x4] =	wrdreg s24;
	s7 =	sadd.s32 s21, s8;
	s8 =	sadd.s32 s14, s8  }
0x14: {  	s0 =	sadd.s32 s25, s0;
	s14 =	simm.s32 $0x100;
	[dreg:$0x9] =	wrdreg s20  }
0x15: {  	s18 =	simm.s32 $0x3;
	s19 =	simm.s32 $0x8200;
	[dreg:$0xb] =	wrdreg s23  }
0x16: {  	s21 =	simm.s32 $0x4200;
	s24 =	simm.s32 $0x5;
	[dreg:$0x5] =	wrdreg s7  }
0x17: {  	s26 =	sadd.s32 s25, s8;
	s8 =	sadd.s32 $0x180, s3;
	s0 =	sadd.s32 $0x800, s0  }
0x18: {  	s20 =	simm.s32 $0x2;
	s23 =	simm.s32 $0xC200;
	s25 =	simm.s32 $0x7  }
0x19: {  	s3 =	simm.s32 $0x0;
	s7 =	sadd.s32 $0x800, s26;
	[dreg:$0x7] =	wrdreg s0  }
0x1a: {  	s26 =	simm.s32 $0x6;
	s0 =	simm.s32 $0xC;
	[dreg:$0x6] =	wrdreg s7  }
.LBB2_1:
0x1b: {  	s7 =	rddreg [dreg:$0x8]  }
0x1c: {  	[tilespmem:s4], [sflag:$0x1] =	stream.linear.gather [hbm4b:s7+s4], $0x80, $0x38;
	[tilespmem:$0x10200] =	vst v63  }
0x1d: {  	s9 =	rddreg [dreg:$0x9]  }
0x1e: {  	[tilespmem:s13], [sflag:$0x2] =	stream.linear.gather [hbm4b:s9+s4], $0x80, $0x38;
	[tilespmem:$0x10200] =	vst v63  }
0x1f: {  	s10 =	rddreg [dreg:$0xa]  }
0x20: {  	[tilespmem:s14], [sflag:$0x3] =	stream.linear.gather [hbm4b:s10+s4], $0x80, $0x38;
	[tilespmem:$0x10200] =	vst v63  }
0x21: {  	s11 =	rddreg [dreg:$0xb]  }
0x22: {  	[tilespmem:s15], [sflag:$0x4] =	stream.linear.gather [hbm4b:s11+s4], $0x80, $0x38;
	[tilespmem:$0x10200] =	vst v63  }
0x23: {  	_ =	swait.ge [sflag:s16], $0x80  }
0x24: {  	[sflag:s16] =	ssyncset.done $0x0  }
0x25: {  	[sflag:s16] =	ssyncadd.s32 $0xFFFFFF80  }
0x26: {  	[tilespmem:s17], [sflag:$0x5] =	stream.indirect.gather [hbm4b:s1+s13], $0x80, s4, s13, $0xb8;
	[tilespmem:$0x10200] =	vst v63  }
0x27: {  	_ =	swait.ge [sflag:s18], $0x80  }
0x28: {  	[sflag:s18] =	ssyncset.done $0x0  }
0x29: {  	[sflag:s18] =	ssyncadd.s32 $0xFFFFFF80  }
0x2a: {  	[tilespmem:s19], [sflag:$0x7] =	stream.indirect.gather [hbm4b:s2+s13], $0x80, s14, s13, $0xb8;
	[tilespmem:$0x10200] =	vst v63  }
0x2b: {  	_ =	swait.ge [sflag:s20], $0x80  }
0x2c: {  	[sflag:s20] =	ssyncset.done $0x0  }
0x2d: {  	[sflag:s20] =	ssyncadd.s32 $0xFFFFFF80  }
0x2e: {  	[tilespmem:s21], [sflag:$0x6] =	stream.indirect.gather [hbm4b:s1+s13], $0x80, s13, s13, $0xb8;
	[tilespmem:$0x10200] =	vst v63  }
0x2f: {  	_ =	swait.ge [sflag:s22], $0x80  }
0x30: {  	[sflag:s22] =	ssyncset.done $0x0  }
0x31: {  	s9 =	sadd.s32 $0xFFFFFF80, s8;
	[sflag:s22] =	ssyncadd.s32 $0xFFFFFF80  }
0x32: {  	[tilespmem:s23], [sflag:$0x8] =	stream.indirect.gather [hbm4b:s2+s13], $0x80, s15, s13, $0xb8;
	[tilespmem:$0x10200] =	vst v63  }
0x33: {  	p0 =	slt.s32 s9, $0x9F80;
	_ =	swait.ge [sflag:s24], $0x4000  }
0x34: {  	s9 =	simm.s32 @!p0 $0x9F80;
	s12 =	rddreg [dreg:$0x5];
	[sflag:s24] =	ssyncset.done $0x0  }
0x35: {  	s10 =	sshrl.u32 s9, $0x3;
	[sflag:s24] =	ssyncadd.s32 $0xFFFFC000;
	s7 =	sadd.s32 $0x0, s12  }
0x36: {  	[hbm4b:s7+s4] =	stream.linear.scatter [tilespmem:s17], [sflag:$0x9], $0x4000, $0x38;
	[tilespmem:$0x10200] =	vst v63  }
0x37: {  	s9 =	sadd.s32 s5, s10  }
0x38: {  	[tilespmem:s4], [sflag:$0x1] =	stream.linear.gather [hbm4b:s9+s4], $0x80, $0x38;
	[tilespmem:$0x10200] =	vst v63  }
0x39: {  	_ =	swait.ge [sflag:s25], $0x4000  }
0x3a: {  	s11 =	rddreg [dreg:$0x4];
	[sflag:s25] =	ssyncset.done $0x0  }
0x3b: {  	[sflag:s25] =	ssyncadd.s32 $0xFFFFC000;
	s9 =	sadd.s32 $0x0, s11  }
0x3c: {  	[hbm4b:s9+s4] =	stream.linear.scatter [tilespmem:s19], [sflag:$0xB], $0x4000, $0x38;
	[tilespmem:$0x10200] =	vst v63  }
0x3d: {  	s7 =	sadd.s32 s6, s10  }
0x3e: {  	[tilespmem:s14], [sflag:$0x3] =	stream.linear.gather [hbm4b:s7+s4], $0x80, $0x38;
	[tilespmem:$0x10200] =	vst v63  }
0x3f: {  	p0 =	slt.s32 s8, $0x9F80;
	s9 =	smov.u32 s8;
	_ =	swait.ge [sflag:s26], $0x4000  }
0x40: {  	s9 =	simm.s32 @!p0 $0x9F80;
	s12 =	rddreg [dreg:$0x6];
	[sflag:s26] =	ssyncset.done $0x0  }
0x41: {  	s9 =	sshrl.u32 s9, $0x3;
	[sflag:s26] =	ssyncadd.s32 $0xFFFFC000;
	s7 =	sadd.s32 $0x0, s12  }
0x42: {  	[hbm4b:s7+s4] =	stream.linear.scatter [tilespmem:s21], [sflag:$0xA], $0x4000, $0x38;
	[tilespmem:$0x10200] =	vst v63  }
0x43: {  	s10 =	sadd.s32 s5, s9  }
0x44: {  	[tilespmem:s13], [sflag:$0x2] =	stream.linear.gather [hbm4b:s10+s4], $0x80, $0x38;
	[tilespmem:$0x10200] =	vst v63  }
0x45: {  	_ =	swait.ge [sflag:s28], $0x4000  }
0x46: {  	s11 =	rddreg [dreg:$0x7];
	[sflag:s28] =	ssyncset.done $0x0  }
0x47: {  	[sflag:s28] =	ssyncadd.s32 $0xFFFFC000;
	s7 =	sadd.s32 $0x0, s11  }
0x48: {  	[hbm4b:s7+s4] =	stream.linear.scatter [tilespmem:s23], [sflag:$0xC], $0x4000, $0x38;
	[tilespmem:$0x10200] =	vst v63  }
0x49: {  	s12 =	sadd.s32 s6, s9  }
0x4a: {  	[tilespmem:s15], [sflag:$0x4] =	stream.linear.gather [hbm4b:s12+s4], $0x80, $0x38;
	[tilespmem:$0x10200] =	vst v63  }
0x4b: {  	_ =	swait.ge [sflag:s16], $0x80  }
0x4c: {  	[sflag:s16] =	ssyncset.done $0x0  }
0x4d: {  	[sflag:s16] =	ssyncadd.s32 $0xFFFFFF80  }
0x4e: {  	_ =	swait.ge [sflag:s29], $0x4000  }
0x4f: {  	[sflag:s29] =	ssyncset.done $0x0  }
0x50: {  	[sflag:s29] =	ssyncadd.s32 $0xFFFFC000  }
0x51: {  	[tilespmem:s17], [sflag:$0x5] =	stream.indirect.gather [hbm4b:s1+s13], $0x80, s4, s13, $0xb8;
	[tilespmem:$0x10200] =	vst v63  }
0x52: {  	_ =	swait.ge [sflag:s18], $0x80  }
0x53: {  	[sflag:s18] =	ssyncset.done $0x0  }
0x54: {  	[sflag:s18] =	ssyncadd.s32 $0xFFFFFF80  }
0x55: {  	_ =	swait.ge [sflag:s30], $0x4000  }
0x56: {  	[sflag:s30] =	ssyncset.done $0x0  }
0x57: {  	[sflag:s30] =	ssyncadd.s32 $0xFFFFC000  }
0x58: {  	[tilespmem:s19], [sflag:$0x7] =	stream.indirect.gather [hbm4b:s2+s13], $0x80, s14, s13, $0xb8;
	[tilespmem:$0x10200] =	vst v63  }
0x59: {  	_ =	swait.ge [sflag:s31], $0x4000  }
0x5a: {  	[sflag:s31] =	ssyncset.done $0x0  }
0x5b: {  	[sflag:s31] =	ssyncadd.s32 $0xFFFFC000  }
0x5c: {  	s7 =	simm.s32 $0x1000;
	s12 =	smov.u32 s8;
	_ =	swait.ge [sflag:s0], $0x4000  }
.LBB2_2:
0x5d: {  	[sflag:s0] =	ssyncset.done $0x0  }
0x5e: {  	[sflag:s0] =	ssyncadd.s32 $0xFFFFC000  }
0x5f: {  	_ =	swait.ge [sflag:s20], $0x80  }
0x60: {  	[sflag:s20] =	ssyncset.done $0x0  }
0x61: {  	[sflag:s20] =	ssyncadd.s32 $0xFFFFFF80  }
0x62: {  	[tilespmem:s21], [sflag:$0x6] =	stream.indirect.gather [hbm4b:s1+s13], $0x80, s13, s13, $0xb8;
	[tilespmem:$0x10200] =	vst v63  }
0x63: {  	_ =	swait.ge [sflag:s22], $0x80  }
0x64: {  	[sflag:s22] =	ssyncset.done $0x0  }
0x65: {  	s12 =	sadd.s32 $0x100, s12;
	[sflag:s22] =	ssyncadd.s32 $0xFFFFFF80  }
0x66: {  	[tilespmem:s23], [sflag:$0x8] =	stream.indirect.gather [hbm4b:s2+s13], $0x80, s15, s13, $0xb8;
	[tilespmem:$0x10200] =	vst v63  }
0x67: {  	s9 =	smov.u32 s7;
	s11 =	sadd.s32 $0xFFFFFF80, s12;
	_ =	swait.ge [sflag:s24], $0x4000  }
0x68: {  	p1 =	slt.s32 s11, $0x9F80;
	s10 =	rddreg [dreg:$0x5];
	[sflag:s24] =	ssyncset.done $0x0  }
0x69: {  	s11 =	simm.s32 @!p1 $0x9F80;
	[sflag:s24] =	ssyncadd.s32 $0xFFFFC000;
	s10 =	sadd.s32 s9, s10  }
0x6a: {  	[hbm4b:s10+s4] =	stream.linear.scatter [tilespmem:s17], [sflag:$0x9], $0x4000, $0x38;
	[tilespmem:$0x10200] =	vst v63  }
0x6b: {  	s10 =	sshrl.u32 s11, $0x3  }
0x6c: {  	s11 =	sadd.s32 s5, s10  }
0x6d: {  	[tilespmem:s4], [sflag:$0x1] =	stream.linear.gather [hbm4b:s11+s4], $0x80, $0x38;
	[tilespmem:$0x10200] =	vst v63  }
0x6e: {  	_ =	swait.ge [sflag:s25], $0x4000  }
0x6f: {  	s11 =	rddreg [dreg:$0x4];
	[sflag:s25] =	ssyncset.done $0x0  }
0x70: {  	[sflag:s25] =	ssyncadd.s32 $0xFFFFC000;
	s11 =	sadd.s32 s9, s11  }
0x71: {  	[hbm4b:s11+s4] =	stream.linear.scatter [tilespmem:s19], [sflag:$0xB], $0x4000, $0x38;
	[tilespmem:$0x10200] =	vst v63  }
0x72: {  	s10 =	sadd.s32 s6, s10  }
0x73: {  	[tilespmem:s14], [sflag:$0x3] =	stream.linear.gather [hbm4b:s10+s4], $0x80, $0x38;
	[tilespmem:$0x10200] =	vst v63  }
0x74: {  	p1 =	slt.s32 s12, $0x9F80;
	s11 =	smov.u32 s12;
	_ =	swait.ge [sflag:s26], $0x4000  }
0x75: {  	s11 =	simm.s32 @!p1 $0x9F80;
	s10 =	rddreg [dreg:$0x6];
	[sflag:s26] =	ssyncset.done $0x0  }
0x76: {  	s11 =	sshrl.u32 s11, $0x3;
	[sflag:s26] =	ssyncadd.s32 $0xFFFFC000;
	s10 =	sadd.s32 s9, s10  }
0x77: {  	[hbm4b:s10+s4] =	stream.linear.scatter [tilespmem:s21], [sflag:$0xA], $0x4000, $0x38;
	[tilespmem:$0x10200] =	vst v63  }
0x78: {  	s10 =	sadd.s32 s5, s11  }
0x79: {  	[tilespmem:s13], [sflag:$0x2] =	stream.linear.gather [hbm4b:s10+s4], $0x80, $0x38;
	[tilespmem:$0x10200] =	vst v63  }
0x7a: {  	_ =	swait.ge [sflag:s28], $0x4000  }
0x7b: {  	s10 =	rddreg [dreg:$0x7];
	[sflag:s28] =	ssyncset.done $0x0  }
0x7c: {  	[sflag:s28] =	ssyncadd.s32 $0xFFFFC000;
	s9 =	sadd.s32 s9, s10  }
0x7d: {  	[hbm4b:s9+s4] =	stream.linear.scatter [tilespmem:s23], [sflag:$0xC], $0x4000, $0x38;
	[tilespmem:$0x10200] =	vst v63  }
0x7e: {  	s11 =	sadd.s32 s6, s11  }
0x7f: {  	[tilespmem:s15], [sflag:$0x4] =	stream.linear.gather [hbm4b:s11+s4], $0x80, $0x38;
	[tilespmem:$0x10200] =	vst v63  }
0x80: {  	_ =	swait.ge [sflag:s16], $0x80  }
0x81: {  	[sflag:s16] =	ssyncset.done $0x0  }
0x82: {  	[sflag:s16] =	ssyncadd.s32 $0xFFFFFF80  }
0x83: {  	_ =	swait.ge [sflag:s29], $0x4000  }
0x84: {  	[sflag:s29] =	ssyncset.done $0x0  }
0x85: {  	[sflag:s29] =	ssyncadd.s32 $0xFFFFC000  }
0x86: {  	[tilespmem:s17], [sflag:$0x5] =	stream.indirect.gather [hbm4b:s1+s13], $0x80, s4, s13, $0xb8;
	[tilespmem:$0x10200] =	vst v63  }
0x87: {  	_ =	swait.ge [sflag:s18], $0x80  }
0x88: {  	[sflag:s18] =	ssyncset.done $0x0  }
0x89: {  	[sflag:s18] =	ssyncadd.s32 $0xFFFFFF80  }
0x8a: {  	_ =	swait.ge [sflag:s30], $0x4000  }
0x8b: {  	[sflag:s30] =	ssyncset.done $0x0  }
0x8c: {  	p0 =	sne.s32 s7, $0x4000;
	[sflag:s30] =	ssyncadd.s32 $0xFFFFC000  }
0x8d: {  	[tilespmem:s19], [sflag:$0x7] =	stream.indirect.gather [hbm4b:s2+s13], $0x80, s14, s13, $0xb8;
	[tilespmem:$0x10200] =	vst v63  }
.Ltmp0:
0x8e: {  	_ = 	snop;
	(pc) =	sbr.rel @p0 .LBB2_2-.Ltmp0, $4  }
0x8f: {  	_ =	swait.ge [sflag:s31], $0x4000  }
0x90: {  	[sflag:s31] =	ssyncset.done $0x0  }
0x91: {  	[sflag:s31] =	ssyncadd.s32 $0xFFFFC000  }
0x92: {  	s7 =	sadd.s32 $0x1000, s7;
	_ =	swait.ge [sflag:s0], $0x4000  }
0x93: {  	[sflag:s0] =	ssyncset.done $0x0  }
0x94: {  	[sflag:s0] =	ssyncadd.s32 $0xFFFFC000  }
0x95: {  	_ =	swait.ge [sflag:s24], $0x4000  }
0x96: {  	[sflag:s24] =	ssyncset.done $0x0  }
0x97: {  	[sflag:s24] =	ssyncadd.s32 $0xFFFFC000  }
0x98: {  	_ =	swait.ge [sflag:s20], $0x80  }
0x99: {  	[sflag:s20] =	ssyncset.done $0x0  }
0x9a: {  	[sflag:s20] =	ssyncadd.s32 $0xFFFFFF80  }
0x9b: {  	_ =	swait.ge [sflag:s25], $0x4000  }
0x9c: {  	[sflag:s25] =	ssyncset.done $0x0  }
0x9d: {  	[sflag:s25] =	ssyncadd.s32 $0xFFFFC000  }
0x9e: {  	_ =	swait.ge [sflag:s22], $0x80  }
0x9f: {  	s3 =	sadd.s32 $0x1, s3;
	s7 =	rddreg [dreg:$0xc]  }
0xa0: {  	p0 =	sne.s32 s3, s7  }
.Ltmp1:
0xa1: {  	_ = 	snop;
	(pc) =	sbr.rel @p0 .LBB2_1-.Ltmp1, $3  }
0xa2: {  	_ =	sdelay $0x1  }
0xa3: {  	[sflag:s22] =	ssyncset.done $0x0  }
0xa4: {  	[sflag:s22] =	ssyncadd.s32 $0xFFFFFF80  }
0xa5: {  	_ =	sfence.sel $0x180000  }
0xa6: {  	[bflag:$0x0] =	sbarrier.arrive $0xFFFF  }
0xa7: {  	_ =	strace $0x90000047  }
0xa8: {  	s0 =	stileid.u32;
	[bflag:$0x2] =	sbarrier.arrive $0xFFFF  }
0xa9: {  	p0 =	sne.s32 s0, $0x0;
	s0 =	rddreg [dreg:$0x3]  }
0xaa: {  	s0 =	sadd.s32 @!p0 $0x100000, s0  }
0xab: {  	[sflag:s0] =	ssyncadd.tile.s32 @!p0 $0x1;
	_ =	shalt  }
.Lfunc_end2:
_tile_overlayer_lowered:
.L_overlay_start_2:
0xac: {  	(tag) =	ssettag $0x2  }
0xad: {  	s0 =	rddreg [dreg:$0x0];
	s2 =	stileid.u32  }
0xae: {  	s1 =	rddreg [dreg:$0x1];
	p0 =	sne.s32 s2, $0x0  }
0xaf: {  	s3 =	rddreg [dreg:$0x2];
	[bflag:$0x3] =	sbarrier.arrive $0xFFFF;
	s2 =	simm.s32 @!p0 $0x1C0D  }
0xb0: {  	[timem:s3], [sflag:s2] =	dma.local @!p0 [hbm:s0], s1  }
0xb1: {  	s0 =	simm.s32 @!p0 $0xD  }
0xb2: {  	_ =	swait.ge @!p0 [sflag:s0], s1  }
0xb3: {  	s1 =	ssub.s32 @!p0 $0x0, s1;
	[sflag:s0] =	ssyncset.done @!p0 $0x0  }
0xb4: {  	[sflag:s0] =	ssyncadd.s32 @!p0 s1  }
0xb5: {  	[bflag:$0x3] =	sbarrier.arrive $0xFFFF  }
0xb6: {  	_ =	shalt  }

// kernel: kernel.24.cloned.1.call-start
scs
__scs_entry_jumppad:
0x0: {  	(pc) =	sbr.rel $0x88, $3  }
0x1: {  	(tag) =	ssettag $0x0;
	lr =	simm.s32 $0x1  }
0x2: {  	[smem:$0x3F95] =	sst lr;
	_ =	strace $0xD0000000  }
0x3: {  	_ = 	snop  }
0x4: {  	_ = 	snop  }
0x5: {  	_ = 	snop  }
0x6: {  	_ = 	snop  }
0x7: {  	_ = 	snop  }
__scs_overlays_trampoline_lowered:
0x8: {  	[smem:$0x3FA4] =	sst s0  }
0x9: {  	[smem:$0x3FA5] =	sst s1  }
0xa: {  	[smem:$0x3FA6] =	sst s2  }
0xb: {  	[smem:$0x3FA7] =	sst s3  }
0xc: {  	[smem:$0x3FA8] =	sst s4  }
0xd: {  	[smem:$0x3FA9] =	sst s5  }
0xe: {  	[smem:$0x3FAA] =	sst s6  }
0xf: {  	[smem:$0x3FAB] =	sst s7  }
0x10: {  	[smem:$0x3FAC] =	sst s8  }
0x11: {  	[smem:$0x3FAD] =	sst s9;
	s0 =	simm.s32 @!p0 $0x0  }
0x12: {  	s1 =	sld [smem:$0x3F93];
	s0 =	simm.s32 @p0 $0x1  }
0x13: {  	[smem:$0x3FAE] =	sst s0;
	s0 =	simm.s32 @!p1 $0x0  }
0x14: {  	s2 =	sld [smem:$0x3F92];
	s0 =	simm.s32 @p1 $0x1  }
0x15: {  	[smem:$0x3FAF] =	sst s0;
	s0 =	simm.s32 @!p2 $0x0  }
0x16: {  	s3 =	sld [smem:$0x3FDB];
	s0 =	simm.s32 @p2 $0x1  }
0x17: {  	s4 =	simm.s32 $0x1BF5;
	[smem:$0x3FB1] =	sst s0  }
0x18: {  	s0 =	sld [smem:$0x3F94];
	_ =	swait.ge [sflag:s4], $0x0  }
0x19: {  	s7 =	sld [smem:$0x3F95]  }
0x1a: {  	s8 =	sadd.s32 $0xFFFFE003, lr  }
0x1b: {  	s9 =	sadd.s32 $0xFFFFFEF7, lr;
	s5 =	simm.s32 $0xFFFFFFFF;
	p2 =	slt.u32 s8, $0xFFFFF086  }
0x1c: {  	p1 =	slt.u32 s9, $0xF7A;
	s5 =	simm.s32 @!p2 $0x0  }
0x1d: {  	s5 =	simm.s32 @p1 $0x1;
	p0 =	seq.s32 s7, s2  }
0x1e: {  	s7 =	smul.u32 @!p0 $0xF7A, s2;
	p2 =	seq.s32 @!p0 s5, $0x0  }
0x1f: {  	s9 =	smul.u32 $0xF7A, s1;
	s8 =	simm.s32 @!p0 $0x1BF5;
	p2 =	por !p2, p0  }
0x20: {  	[sflag:s8] =	ssyncset.s32 @!p0 $0xFFFFF086;
	s6 =	sadd.s32 @!p0 s3, s7;
	s7 =	simm.s32 @!p0 $0x108  }
0x21: {  	s3 =	sadd.s32 s3, s9;
	s6 =	sadd.s32 @!p0 $0x88, s6;
	s7 =	simm.s32 @p2 $0x1082  }
0x22: {  	[simem:s7], [sflag:s8] =	dma.local @!p0 [hbm:s6], $0xF7A  }
0x23: {  	s9 =	sor.u32 $0xD0000000, s2;
	s6 =	simm.s32 $0x108;
	_ =	swait.ge @!p0 [sflag:s8], $0x0  }
0x24: {  	s3 =	sadd.s32 $0x88, s3;
	s6 =	simm.s32 @!p1 $0x1082;
	[sflag:s4] =	ssyncset.s32 $0xFFFFF086  }
0x25: {  	[simem:s6], [sflag:s4] =	dma.local [hbm:s3], $0xF7A  }
0x26: {  	[smem:$0x3F95] =	sst s1;
	(tag) =	ssettag s2;
	_ =	strace s9  }
0x27: {  	s1 =	sld [smem:$0x3FA5]  }
0x28: {  	s2 =	sld [smem:$0x3FA6]  }
0x29: {  	s4 =	sld [smem:$0x3FA8]  }
0x2a: {  	p0 =	seq.s32 s5, $0x0;
	s5 =	sld [smem:$0x3FA9]  }
0x2b: {  	s6 =	sld [smem:$0x3FAA]  }
0x2c: {  	s7 =	sld [smem:$0x3FAB]  }
0x2d: {  	s3 =	simm.s32 $0x108;
	s8 =	sld [smem:$0x3FAC]  }
0x2e: {  	s3 =	simm.s32 @!p0 $0x1082;
	s9 =	sld [smem:$0x3FAD]  }
0x2f: {  	lr =	sadd.s32 s0, s3;
	s0 =	sld [smem:$0x3FA4]  }
0x30: {  	s3 =	sld [smem:$0x3FA7]  }
0x31: {  	[smem:$0x3FB0] =	sst s10  }
0x32: {  	s10 =	sld [smem:$0x3FAE];
	_ =	sdelay $0x3  }
0x33: {  	p0 =	seq.s32 s10, $0x1;
	s10 =	sld [smem:$0x3FB0];
	_ =	sdelay $0x3  }
0x34: {  	[smem:$0x3FB0] =	sst s10  }
0x35: {  	s10 =	sld [smem:$0x3FAF];
	_ =	sdelay $0x3  }
0x36: {  	p1 =	seq.s32 s10, $0x1;
	s10 =	sld [smem:$0x3FB0];
	_ =	sdelay $0x3  }
0x37: {  	[smem:$0x3FB0] =	sst s10  }
0x38: {  	s10 =	sld [smem:$0x3FB1]  }
0x39: {  	_ = 	snop;
	(pc) =	sbr.ind lr, $3  }
0x3a: {  	_ = 	snop  }
0x3b: {  	_ = 	snop  }
0x3c: {  	p2 =	seq.s32 s10, $0x1;
	s10 =	sld [smem:$0x3FB0]  }
0x3d: {  	_ =	shalt  }
0x3e: {  	_ =	shalt  }
0x3f: {  	_ =	shalt  }
0x40: {  	_ =	shalt  }
0x41: {  	_ =	shalt  }
0x42: {  	_ =	shalt  }
0x43: {  	_ =	shalt  }
0x44: {  	_ =	shalt  }
0x45: {  	_ =	shalt  }
0x46: {  	_ =	shalt  }
0x47: {  	_ =	shalt  }
0x48: {  	_ =	shalt  }
0x49: {  	_ =	shalt  }
0x4a: {  	_ =	shalt  }
0x4b: {  	_ =	shalt  }
0x4c: {  	_ =	shalt  }
0x4d: {  	_ =	shalt  }
0x4e: {  	_ =	shalt  }
0x4f: {  	_ =	shalt  }
0x50: {  	_ =	shalt  }
0x51: {  	_ =	shalt  }
0x52: {  	_ =	shalt  }
0x53: {  	_ =	shalt  }
0x54: {  	_ =	shalt  }
0x55: {  	_ =	shalt  }
0x56: {  	_ =	shalt  }
0x57: {  	_ =	shalt  }
0x58: {  	_ =	shalt  }
0x59: {  	_ =	shalt  }
0x5a: {  	_ =	shalt  }
0x5b: {  	_ =	shalt  }
0x5c: {  	_ =	shalt  }
0x5d: {  	_ =	shalt  }
0x5e: {  	_ =	shalt  }
0x5f: {  	_ =	shalt  }
0x60: {  	_ =	shalt  }
0x61: {  	_ =	shalt  }
0x62: {  	_ =	shalt  }
0x63: {  	_ =	shalt  }
0x64: {  	_ =	shalt  }
0x65: {  	_ =	shalt  }
0x66: {  	_ =	shalt  }
0x67: {  	_ =	shalt  }
0x68: {  	_ =	shalt  }
0x69: {  	_ =	shalt  }
0x6a: {  	_ =	shalt  }
0x6b: {  	_ =	shalt  }
0x6c: {  	_ =	shalt  }
0x6d: {  	_ =	shalt  }
0x6e: {  	_ =	shalt  }
0x6f: {  	_ =	shalt  }
0x70: {  	_ =	shalt  }
0x71: {  	_ =	shalt  }
0x72: {  	_ =	shalt  }
0x73: {  	_ =	shalt  }
0x74: {  	_ =	shalt  }
0x75: {  	_ =	shalt  }
0x76: {  	_ =	shalt  }
0x77: {  	_ =	shalt  }
0x78: {  	_ =	shalt  }
0x79: {  	_ =	shalt  }
0x7a: {  	_ =	shalt  }
0x7b: {  	_ =	shalt  }
0x7c: {  	_ =	shalt  }
0x7d: {  	_ =	shalt  }
0x7e: {  	_ =	shalt  }
0x7f: {  	_ =	shalt  }
0x80: {  	_ =	shalt  }
0x81: {  	_ =	shalt  }
0x82: {  	_ =	shalt  }
0x83: {  	_ =	shalt  }
0x84: {  	_ =	shalt  }
0x85: {  	_ =	shalt  }
0x86: {  	_ =	shalt  }
0x87: {  	_ =	shalt  }
.Lfunc_end0:
.L_simem_size_0:
called_computation.4_lowered:
.L_overlay_start_0:
0x88: {  	s2 =	sld [smem:$0x3FD9]  }
0x89: {  	s3 =	sld [smem:$0x3FFE];
	_ =	sdelay $0x1  }
0x8a: {  	s1 =	srdreg.scid  }
0x8b: {  	s0 =	sand.u32 $0x1, s1  }
0x8c: {  	s17 =	sshll.u32 s0, $0xA;
	s2 =	sadd.s32 s3, s2  }
0x8d: {  	s2 =	sadd.s32 s2, s17  }
0x8e: {  	[smem:$0x3FBC] =	sst s2  }
0x8f: {  	_ = 	snop  }
0x90: {  	s4 =	sld [smem:$0x3FC7]  }
0x91: {  	s5 =	sld [smem:$0x3FC6]  }
0x92: {  	s18 =	sld [smem:$0x3FD0];
	(tm) =	ssettm $0x1  }
0x93: {  	s19 =	sld [smem:$0x3FFB];
	_ =	sdelay $0x3  }
0x94: {  	_ =	strace s19  }
0x95: {  	s2 =	sld [smem:$0x3FFC];
	_ =	sdelay $0x3  }
0x96: {  	_ =	strace s2  }
0x97: {  	s2 =	sld [smem:$0x3FFD];
	_ =	sdelay $0x3  }
0x98: {  	_ =	strace s2  }
0x99: {  	_ =	strace $0x8FFFFFFF  }
0x9a: {  	s20 =	sld [smem:$0x3FDB];
	_ =	sdelay $0x1  }
0x9b: {  	s6 =	simm.s32 $_scs_section_size  }
0x9c: {  	s7 =	simm.s32 $_size__tile_overlayer_lowered;
	s8 =	simm.s32 $_tile_overlayer_lowered  }
0x9d: {  	s9 =	simm.s32 $0x1BFF;
	s21 =	sshll.u32 s8, $0x1;
	s6 =	sadd.s32 s6, s20  }
0x9e: {  	s22 =	simm.s32 $0x0;
	s7 =	sshll.u32 s7, $0x1;
	s8 =	sadd.s32 s21, s6  }
0x9f: {  	[timem:s22], [sflag:s9] =	dma.local [hbm:s8], s7  }
0xa0: {  	_ =	swait.ge [sflag:s9], s7  }
0xa1: {  	s7 =	ssub.s32 $0x0, s7;
	[sflag:s9] =	ssyncset.done $0x0  }
0xa2: {  	[sflag:s9] =	ssyncadd.s32 s7;
	_ =	sdelay $0x1  }
0xa3: {  	s23 =	simm.s32 $0x1B8B  }
0xa4: {  	_ =	swait.ge [sflag:s23], $0x1  }
0xa5: {  	[sflag:s23] =	ssyncset.done $0x0  }
0xa6: {  	[sflag:s23] =	ssyncadd.s32 $0xFFFFFFFF  }
0xa7: {  	s7 =	sld [smem:$0x0]  }
0xa8: {  	s8 =	sand.u32 $0xFFFFFFFE, s1  }
0xa9: {  	p0 =	sne.s32 s1, s8  }
0xaa: {  	s8 =	sshll.u32 @p0 s8, $0xE  }
0xab: {  	s8 =	sadd.s32 @p0 $0x11B8D, s8;
	s9 =	sshll.u32 @p0 s7, $0x11  }
0xac: {  	s8 =	sor.u32 @p0 s9, s8  }
0xad: {  	[sflag:s8] =	ssyncadd.remote.s32 @p0 $0x1;
	_ =	sdelay $0x1  }
0xae: {  	s8 =	simm.s32 @p0 $0x1B8D  }
0xaf: {  	_ =	swait.eq @p0 [sflag:s8], $0x1  }
0xb0: {  	[sflag:s8] =	ssyncadd.s32 @p0 $0xFFFFFFFF  }
0xb1: {  	s9 =	sshll.u32 @!p0 s1, $0xE  }
0xb2: {  	s9 =	sor.u32 @!p0 $0x4000, s9;
	s8 =	simm.s32 @!p0 $0x1B8D  }
0xb3: {  	s7 =	sshll.u32 @!p0 s7, $0x11;
	s9 =	sadd.s32 @!p0 $0x11B8D, s9;
	_ =	swait.eq @!p0 [sflag:s8], $0x1  }
0xb4: {  	s7 =	sor.u32 @!p0 s7, s9;
	[sflag:s8] =	ssyncadd.s32 @!p0 $0xFFFFFFFF  }
0xb5: {  	s25 =	simm.s32 $0x1B8E;
	s24 =	sld [smem:$0x3FFE];
	[sflag:s7] =	ssyncadd.remote.s32 @!p0 $0x1  }
0xb6: {  	s26 =	simm.s32 $execute0_lowered;
	[smem:$0x3FD2] =	sst s25  }
0xb7: {  	s8 =	sshll.u32 s26, $0x1;
	_ =	strace $0x80000052;
	[dreg:$0x1] =	wrdreg $0xFFFFFFFF  }
0xb8: {  	s28 =	simm.s32 $_size_execute0_lowered;
	s6 =	sadd.s32 s6, s8;
	[dreg:$0x0] =	wrdreg $0x0  }
0xb9: {  	s8 =	sshll.u32 s28, $0x1;
	[dreg:$0x2] =	wrdreg s6  }
0xba: {  	[dreg:$0x3] =	wrdreg s8  }
0xbb: {  	[dreg:$0x4] =	wrdreg $0xC0  }
0xbc: {  	_ =	task [dreg:s22], $0x5FFFF  }
0xbd: {  	[dreg:$0x1] =	wrdreg $0xFFFFFFFF  }
0xbe: {  	[dreg:$0x0] =	wrdreg $0x60  }
0xbf: {  	[dreg:$0x2] =	wrdreg s4  }
0xc0: {  	[dreg:$0x3] =	wrdreg s5  }
0xc1: {  	[dreg:$0x4] =	wrdreg s24  }
0xc2: {  	[dreg:$0x5] =	wrdreg s18  }
0xc3: {  	[dreg:$0x6] =	wrdreg $0xD  }
0xc4: {  	_ =	task.clear_ibuf [dreg:s22], $0x7FFFF;
	_ =	strace $0x90000052  }
0xc5: {  	s29 =	simm.s32 $0xD;
	_ =	strace $0x80000054  }
0xc6: {  	_ =	swait.ge [sflag:s29], $0x1  }
0xc7: {  	[sflag:s29] =	ssyncadd.s32 $0xFFFFFFFF  }
0xc8: {  	_ =	strace $0x90000054  }
0xc9: {  	_ =	sfence  }
0xca: {  	s30 =	sld [smem:$0x0];
	_ =	sdelay $0x2  }
0xcb: {  	s31 =	sshll.u32 s1, $0xD;
	s1 =	sshrl.u32 s1, $0x2  }
0xcc: {  	s4 =	sand.u32 $0x4000, s31;
	s1 =	sadd.s32 s1, s30  }
0xcd: {  	s0 =	sor.u32 s4, s0;
	s1 =	sshll.u32 s1, $0x11  }
0xce: {  	s0 =	sor.u32 s1, s0  }
0xcf: {  	s0 =	sadd.s32 $0x8F2B, s0  }
0xd0: {  	[sflag:s0] =	ssyncadd.remote.s32 $0x1  }
0xd1: {  	_ =	sfence.sel $0xFFFF  }
0xd2: {  	[dreg:$0x0] =	wrdreg $0xFFFFFFFF;
	(pc) =	sbr.abs _section_cstart, $3  }
0xd3: {  	[dreg:$0x1] =	wrdreg $0xFFFFFFFF  }
0xd4: {  	_ =	task.clear_ibuf [dreg:s22], $0x2FFFF;
	_ =	strace $0x9FFFFFFF  }
0xd5: {  	(tm) =	ssettm $0x7FFFFFFF  }
tec
execute0_lowered:
.L_overlay_start_1:
0x0: {  	(tag) =	ssettag $0x1  }
0x1: {  	s1 =	rddreg [dreg:$0x0]  }
0x2: {  	s2 =	rddreg [dreg:$0x1]  }
0x3: {  	s0 =	rddreg [dreg:$0x2]  }
0x4: {  	s4 =	rddreg [dreg:$0x3];
	s5 =	simm.s32 $0x0  }
0x5: {  	s3 =	srdreg.scid;
	s14 =	stileid.u32;
	s15 =	simm.s32 $0x180  }
0x6: {  	s16 =	simm.s32 $0x1;
	s17 =	simm.s32 $0x200;
	s28 =	simm.s32 $0x8  }
0x7: {  	s29 =	simm.s32 $0x9;
	s30 =	simm.s32 $0xB;
	s10 =	smul.u32 $0x50000, s14  }
0x8: {  	[smem:$0x7FF] =	sst s5;
	s3 =	sand.u32 $0x1, s3;
	s22 =	smul.u32 $0xA00, s14  }
0x9: {  	s6 =	sshll.u32 s14, $0x1;
	s8 =	sadd.s32 $0x50F800, s0;
	s14 =	smul.u32 $0xA000, s14  }
0xa: {  	s31 =	simm.s32 $0xA;
	_ =	strace $0x80000053;
	s13 =	smul.u32 $0x28000, s3  }
0xb: {  	s7 =	sor.u32 s3, s6;
	s9 =	ssub.s32 $0x2, s3;
	s25 =	smul.u32 $0x5000, s3  }
0xc: {  	s6 =	sadd.s32 $0xE400, s0;
	s3 =	smul.u32 $0x500, s3;
	s11 =	sshrl.u32 s9, $0x1  }
0xd: {  	s0 =	sadd.s32 $0x5AF800, s0;
	s7 =	smul.u32 $0x500, s7;
	s9 =	ssub.s32 s9, s11  }
0xe: {  	s10 =	sadd.s32 s13, s10;
	s3 =	sadd.s32 s3, s22;
	s13 =	simm.s32 $0x80  }
0xf: {  	s22 =	simm.s32 $0x4;
	s12 =	sor.u32 $0x80, s7;
	s7 =	sshrl.u32 s7, $0x3  }
0x10: {  	s21 =	sshrl.u32 s10, $0x3;
	s9 =	smax.u32 s9, $0x1;
	s18 =	sshrl.u32 s12, $0x3  }
0x11: {  	s19 =	sadd.s32 s6, s7;
	s7 =	sadd.s32 s4, s7;
	[dreg:$0xd] =	wrdreg s9  }
0x12: {  	s24 =	sadd.s32 s21, s0;
	s0 =	sadd.s32 s14, s0;
	[dreg:$0x9] =	wrdreg s19  }
0x13: {  	s20 =	sadd.s32 s6, s18;
	[dreg:$0xb] =	wrdreg s7;
	s23 =	sadd.s32 s4, s18  }
0x14: {  	[dreg:$0x5] =	wrdreg s24;
	s7 =	sadd.s32 s21, s8;
	s8 =	sadd.s32 s14, s8  }
0x15: {  	s0 =	sadd.s32 s25, s0;
	s14 =	simm.s32 $0x100;
	[dreg:$0xa] =	wrdreg s20  }
0x16: {  	s18 =	simm.s32 $0x3;
	s19 =	simm.s32 $0x8200;
	[dreg:$0xc] =	wrdreg s23  }
0x17: {  	s21 =	simm.s32 $0x4200;
	s24 =	simm.s32 $0x5;
	[dreg:$0x6] =	wrdreg s7  }
0x18: {  	s26 =	sadd.s32 s25, s8;
	s8 =	sadd.s32 $0x180, s3;
	s0 =	sadd.s32 $0x800, s0  }
0x19: {  	s20 =	simm.s32 $0x2;
	s23 =	simm.s32 $0xC200;
	s25 =	simm.s32 $0x7  }
0x1a: {  	s3 =	simm.s32 $0x0;
	s7 =	sadd.s32 $0x800, s26;
	[dreg:$0x8] =	wrdreg s0  }
0x1b: {  	s26 =	simm.s32 $0x6;
	s0 =	simm.s32 $0xC;
	[dreg:$0x7] =	wrdreg s7  }
.LBB2_1:
0x1c: {  	s7 =	rddreg [dreg:$0x9]  }
0x1d: {  	[tilespmem:s5], [sflag:$0x1] =	stream.linear.gather [hbm4b:s7+s5], $0x80, $0x38;
	[tilespmem:$0x10200] =	vst v63  }
0x1e: {  	s9 =	rddreg [dreg:$0xa]  }
0x1f: {  	[tilespmem:s13], [sflag:$0x2] =	stream.linear.gather [hbm4b:s9+s5], $0x80, $0x38;
	[tilespmem:$0x10200] =	vst v63  }
0x20: {  	s10 =	rddreg [dreg:$0xb]  }
0x21: {  	[tilespmem:s14], [sflag:$0x3] =	stream.linear.gather [hbm4b:s10+s5], $0x80, $0x38;
	[tilespmem:$0x10200] =	vst v63  }
0x22: {  	s11 =	rddreg [dreg:$0xc]  }
0x23: {  	[tilespmem:s15], [sflag:$0x4] =	stream.linear.gather [hbm4b:s11+s5], $0x80, $0x38;
	[tilespmem:$0x10200] =	vst v63  }
0x24: {  	_ =	swait.ge [sflag:s16], $0x80  }
0x25: {  	[sflag:s16] =	ssyncset.done $0x0  }
0x26: {  	[sflag:s16] =	ssyncadd.s32 $0xFFFFFF80  }
0x27: {  	[tilespmem:s17], [sflag:$0x5] =	stream.indirect.gather [hbm4b:s1+s13], $0x80, s5, s13, $0xb8;
	[tilespmem:$0x10200] =	vst v63  }
0x28: {  	_ =	swait.ge [sflag:s18], $0x80  }
0x29: {  	[sflag:s18] =	ssyncset.done $0x0  }
0x2a: {  	[sflag:s18] =	ssyncadd.s32 $0xFFFFFF80  }
0x2b: {  	[tilespmem:s19], [sflag:$0x7] =	stream.indirect.gather [hbm4b:s2+s13], $0x80, s14, s13, $0xb8;
	[tilespmem:$0x10200] =	vst v63  }
0x2c: {  	_ =	swait.ge [sflag:s20], $0x80  }
0x2d: {  	[sflag:s20] =	ssyncset.done $0x0  }
0x2e: {  	[sflag:s20] =	ssyncadd.s32 $0xFFFFFF80  }
0x2f: {  	[tilespmem:s21], [sflag:$0x6] =	stream.indirect.gather [hbm4b:s1+s13], $0x80, s13, s13, $0xb8;
	[tilespmem:$0x10200] =	vst v63  }
0x30: {  	_ =	swait.ge [sflag:s22], $0x80  }
0x31: {  	[sflag:s22] =	ssyncset.done $0x0  }
0x32: {  	s9 =	sadd.s32 $0xFFFFFF80, s8;
	[sflag:s22] =	ssyncadd.s32 $0xFFFFFF80  }
0x33: {  	[tilespmem:s23], [sflag:$0x8] =	stream.indirect.gather [hbm4b:s2+s13], $0x80, s15, s13, $0xb8;
	[tilespmem:$0x10200] =	vst v63  }
0x34: {  	p0 =	slt.s32 s9, $0x9F80;
	_ =	swait.ge [sflag:s24], $0x4000  }
0x35: {  	s9 =	simm.s32 @!p0 $0x9F80;
	s12 =	rddreg [dreg:$0x6];
	[sflag:s24] =	ssyncset.done $0x0  }
0x36: {  	s10 =	sshrl.u32 s9, $0x3;
	[sflag:s24] =	ssyncadd.s32 $0xFFFFC000;
	s7 =	sadd.s32 $0x0, s12  }
0x37: {  	[hbm4b:s7+s5] =	stream.linear.scatter [tilespmem:s17], [sflag:$0x9], $0x4000, $0x38;
	[tilespmem:$0x10200] =	vst v63  }
0x38: {  	s9 =	sadd.s32 s6, s10  }
0x39: {  	[tilespmem:s5], [sflag:$0x1] =	stream.linear.gather [hbm4b:s9+s5], $0x80, $0x38;
	[tilespmem:$0x10200] =	vst v63  }
0x3a: {  	_ =	swait.ge [sflag:s25], $0x4000  }
0x3b: {  	s11 =	rddreg [dreg:$0x5];
	[sflag:s25] =	ssyncset.done $0x0  }
0x3c: {  	[sflag:s25] =	ssyncadd.s32 $0xFFFFC000;
	s9 =	sadd.s32 $0x0, s11  }
0x3d: {  	[hbm4b:s9+s5] =	stream.linear.scatter [tilespmem:s19], [sflag:$0xB], $0x4000, $0x38;
	[tilespmem:$0x10200] =	vst v63  }
0x3e: {  	s7 =	sadd.s32 s4, s10  }
0x3f: {  	[tilespmem:s14], [sflag:$0x3] =	stream.linear.gather [hbm4b:s7+s5], $0x80, $0x38;
	[tilespmem:$0x10200] =	vst v63  }
0x40: {  	p0 =	slt.s32 s8, $0x9F80;
	s9 =	smov.u32 s8;
	_ =	swait.ge [sflag:s26], $0x4000  }
0x41: {  	s9 =	simm.s32 @!p0 $0x9F80;
	s12 =	rddreg [dreg:$0x7];
	[sflag:s26] =	ssyncset.done $0x0  }
0x42: {  	s9 =	sshrl.u32 s9, $0x3;
	[sflag:s26] =	ssyncadd.s32 $0xFFFFC000;
	s7 =	sadd.s32 $0x0, s12  }
0x43: {  	[hbm4b:s7+s5] =	stream.linear.scatter [tilespmem:s21], [sflag:$0xA], $0x4000, $0x38;
	[tilespmem:$0x10200] =	vst v63  }
0x44: {  	s10 =	sadd.s32 s6, s9  }
0x45: {  	[tilespmem:s13], [sflag:$0x2] =	stream.linear.gather [hbm4b:s10+s5], $0x80, $0x38;
	[tilespmem:$0x10200] =	vst v63  }
0x46: {  	_ =	swait.ge [sflag:s28], $0x4000  }
0x47: {  	s11 =	rddreg [dreg:$0x8];
	[sflag:s28] =	ssyncset.done $0x0  }
0x48: {  	[sflag:s28] =	ssyncadd.s32 $0xFFFFC000;
	s7 =	sadd.s32 $0x0, s11  }
0x49: {  	[hbm4b:s7+s5] =	stream.linear.scatter [tilespmem:s23], [sflag:$0xC], $0x4000, $0x38;
	[tilespmem:$0x10200] =	vst v63  }
0x4a: {  	s12 =	sadd.s32 s4, s9  }
0x4b: {  	[tilespmem:s15], [sflag:$0x4] =	stream.linear.gather [hbm4b:s12+s5], $0x80, $0x38;
	[tilespmem:$0x10200] =	vst v63  }
0x4c: {  	_ =	swait.ge [sflag:s16], $0x80  }
0x4d: {  	[sflag:s16] =	ssyncset.done $0x0  }
0x4e: {  	[sflag:s16] =	ssyncadd.s32 $0xFFFFFF80  }
0x4f: {  	_ =	swait.ge [sflag:s29], $0x4000  }
0x50: {  	[sflag:s29] =	ssyncset.done $0x0  }
0x51: {  	[sflag:s29] =	ssyncadd.s32 $0xFFFFC000  }
0x52: {  	[tilespmem:s17], [sflag:$0x5] =	stream.indirect.gather [hbm4b:s1+s13], $0x80, s5, s13, $0xb8;
	[tilespmem:$0x10200] =	vst v63  }
0x53: {  	_ =	swait.ge [sflag:s18], $0x80  }
0x54: {  	[sflag:s18] =	ssyncset.done $0x0  }
0x55: {  	[sflag:s18] =	ssyncadd.s32 $0xFFFFFF80  }
0x56: {  	_ =	swait.ge [sflag:s30], $0x4000  }
0x57: {  	[sflag:s30] =	ssyncset.done $0x0  }
0x58: {  	[sflag:s30] =	ssyncadd.s32 $0xFFFFC000  }
0x59: {  	[tilespmem:s19], [sflag:$0x7] =	stream.indirect.gather [hbm4b:s2+s13], $0x80, s14, s13, $0xb8;
	[tilespmem:$0x10200] =	vst v63  }
0x5a: {  	_ =	swait.ge [sflag:s31], $0x4000  }
0x5b: {  	[sflag:s31] =	ssyncset.done $0x0  }
0x5c: {  	[sflag:s31] =	ssyncadd.s32 $0xFFFFC000  }
0x5d: {  	s7 =	simm.s32 $0x1000;
	s12 =	smov.u32 s8;
	_ =	swait.ge [sflag:s0], $0x4000  }
.LBB2_2:
0x5e: {  	[sflag:s0] =	ssyncset.done $0x0  }
0x5f: {  	[sflag:s0] =	ssyncadd.s32 $0xFFFFC000  }
0x60: {  	_ =	swait.ge [sflag:s20], $0x80  }
0x61: {  	[sflag:s20] =	ssyncset.done $0x0  }
0x62: {  	[sflag:s20] =	ssyncadd.s32 $0xFFFFFF80  }
0x63: {  	[tilespmem:s21], [sflag:$0x6] =	stream.indirect.gather [hbm4b:s1+s13], $0x80, s13, s13, $0xb8;
	[tilespmem:$0x10200] =	vst v63  }
0x64: {  	_ =	swait.ge [sflag:s22], $0x80  }
0x65: {  	[sflag:s22] =	ssyncset.done $0x0  }
0x66: {  	s12 =	sadd.s32 $0x100, s12;
	[sflag:s22] =	ssyncadd.s32 $0xFFFFFF80  }
0x67: {  	[tilespmem:s23], [sflag:$0x8] =	stream.indirect.gather [hbm4b:s2+s13], $0x80, s15, s13, $0xb8;
	[tilespmem:$0x10200] =	vst v63  }
0x68: {  	s9 =	smov.u32 s7;
	s11 =	sadd.s32 $0xFFFFFF80, s12;
	_ =	swait.ge [sflag:s24], $0x4000  }
0x69: {  	p1 =	slt.s32 s11, $0x9F80;
	s10 =	rddreg [dreg:$0x6];
	[sflag:s24] =	ssyncset.done $0x0  }
0x6a: {  	s11 =	simm.s32 @!p1 $0x9F80;
	[sflag:s24] =	ssyncadd.s32 $0xFFFFC000;
	s10 =	sadd.s32 s9, s10  }
0x6b: {  	[hbm4b:s10+s5] =	stream.linear.scatter [tilespmem:s17], [sflag:$0x9], $0x4000, $0x38;
	[tilespmem:$0x10200] =	vst v63  }
0x6c: {  	s10 =	sshrl.u32 s11, $0x3  }
0x6d: {  	s11 =	sadd.s32 s6, s10  }
0x6e: {  	[tilespmem:s5], [sflag:$0x1] =	stream.linear.gather [hbm4b:s11+s5], $0x80, $0x38;
	[tilespmem:$0x10200] =	vst v63  }
0x6f: {  	_ =	swait.ge [sflag:s25], $0x4000  }
0x70: {  	s11 =	rddreg [dreg:$0x5];
	[sflag:s25] =	ssyncset.done $0x0  }
0x71: {  	[sflag:s25] =	ssyncadd.s32 $0xFFFFC000;
	s11 =	sadd.s32 s9, s11  }
0x72: {  	[hbm4b:s11+s5] =	stream.linear.scatter [tilespmem:s19], [sflag:$0xB], $0x4000, $0x38;
	[tilespmem:$0x10200] =	vst v63  }
0x73: {  	s10 =	sadd.s32 s4, s10  }
0x74: {  	[tilespmem:s14], [sflag:$0x3] =	stream.linear.gather [hbm4b:s10+s5], $0x80, $0x38;
	[tilespmem:$0x10200] =	vst v63  }
0x75: {  	p1 =	slt.s32 s12, $0x9F80;
	s11 =	smov.u32 s12;
	_ =	swait.ge [sflag:s26], $0x4000  }
0x76: {  	s11 =	simm.s32 @!p1 $0x9F80;
	s10 =	rddreg [dreg:$0x7];
	[sflag:s26] =	ssyncset.done $0x0  }
0x77: {  	s11 =	sshrl.u32 s11, $0x3;
	[sflag:s26] =	ssyncadd.s32 $0xFFFFC000;
	s10 =	sadd.s32 s9, s10  }
0x78: {  	[hbm4b:s10+s5] =	stream.linear.scatter [tilespmem:s21], [sflag:$0xA], $0x4000, $0x38;
	[tilespmem:$0x10200] =	vst v63  }
0x79: {  	s10 =	sadd.s32 s6, s11  }
0x7a: {  	[tilespmem:s13], [sflag:$0x2] =	stream.linear.gather [hbm4b:s10+s5], $0x80, $0x38;
	[tilespmem:$0x10200] =	vst v63  }
0x7b: {  	_ =	swait.ge [sflag:s28], $0x4000  }
0x7c: {  	s10 =	rddreg [dreg:$0x8];
	[sflag:s28] =	ssyncset.done $0x0  }
0x7d: {  	[sflag:s28] =	ssyncadd.s32 $0xFFFFC000;
	s9 =	sadd.s32 s9, s10  }
0x7e: {  	[hbm4b:s9+s5] =	stream.linear.scatter [tilespmem:s23], [sflag:$0xC], $0x4000, $0x38;
	[tilespmem:$0x10200] =	vst v63  }
0x7f: {  	s11 =	sadd.s32 s4, s11  }
0x80: {  	[tilespmem:s15], [sflag:$0x4] =	stream.linear.gather [hbm4b:s11+s5], $0x80, $0x38;
	[tilespmem:$0x10200] =	vst v63  }
0x81: {  	_ =	swait.ge [sflag:s16], $0x80  }
0x82: {  	[sflag:s16] =	ssyncset.done $0x0  }
0x83: {  	[sflag:s16] =	ssyncadd.s32 $0xFFFFFF80  }
0x84: {  	_ =	swait.ge [sflag:s29], $0x4000  }
0x85: {  	[sflag:s29] =	ssyncset.done $0x0  }
0x86: {  	[sflag:s29] =	ssyncadd.s32 $0xFFFFC000  }
0x87: {  	[tilespmem:s17], [sflag:$0x5] =	stream.indirect.gather [hbm4b:s1+s13], $0x80, s5, s13, $0xb8;
	[tilespmem:$0x10200] =	vst v63  }
0x88: {  	_ =	swait.ge [sflag:s18], $0x80  }
0x89: {  	[sflag:s18] =	ssyncset.done $0x0  }
0x8a: {  	[sflag:s18] =	ssyncadd.s32 $0xFFFFFF80  }
0x8b: {  	_ =	swait.ge [sflag:s30], $0x4000  }
0x8c: {  	[sflag:s30] =	ssyncset.done $0x0  }
0x8d: {  	p0 =	sne.s32 s7, $0x4000;
	[sflag:s30] =	ssyncadd.s32 $0xFFFFC000  }
0x8e: {  	[tilespmem:s19], [sflag:$0x7] =	stream.indirect.gather [hbm4b:s2+s13], $0x80, s14, s13, $0xb8;
	[tilespmem:$0x10200] =	vst v63  }
.Ltmp0:
0x8f: {  	_ = 	snop;
	(pc) =	sbr.rel @p0 .LBB2_2-.Ltmp0, $4  }
0x90: {  	_ =	swait.ge [sflag:s31], $0x4000  }
0x91: {  	[sflag:s31] =	ssyncset.done $0x0  }
0x92: {  	[sflag:s31] =	ssyncadd.s32 $0xFFFFC000  }
0x93: {  	s7 =	sadd.s32 $0x1000, s7;
	_ =	swait.ge [sflag:s0], $0x4000  }
0x94: {  	[sflag:s0] =	ssyncset.done $0x0  }
0x95: {  	[sflag:s0] =	ssyncadd.s32 $0xFFFFC000  }
0x96: {  	_ =	swait.ge [sflag:s24], $0x4000  }
0x97: {  	[sflag:s24] =	ssyncset.done $0x0  }
0x98: {  	[sflag:s24] =	ssyncadd.s32 $0xFFFFC000  }
0x99: {  	_ =	swait.ge [sflag:s20], $0x80  }
0x9a: {  	[sflag:s20] =	ssyncset.done $0x0  }
0x9b: {  	[sflag:s20] =	ssyncadd.s32 $0xFFFFFF80  }
0x9c: {  	_ =	swait.ge [sflag:s25], $0x4000  }
0x9d: {  	[sflag:s25] =	ssyncset.done $0x0  }
0x9e: {  	[sflag:s25] =	ssyncadd.s32 $0xFFFFC000  }
0x9f: {  	_ =	swait.ge [sflag:s22], $0x80  }
0xa0: {  	s3 =	sadd.s32 $0x1, s3;
	s7 =	rddreg [dreg:$0xd]  }
0xa1: {  	p0 =	sne.s32 s3, s7  }
.Ltmp1:
0xa2: {  	_ = 	snop;
	(pc) =	sbr.rel @p0 .LBB2_1-.Ltmp1, $3  }
0xa3: {  	_ =	sdelay $0x1  }
0xa4: {  	[sflag:s22] =	ssyncset.done $0x0  }
0xa5: {  	[sflag:s22] =	ssyncadd.s32 $0xFFFFFF80  }
0xa6: {  	_ =	sfence.sel $0x180000  }
0xa7: {  	[bflag:$0x0] =	sbarrier.arrive $0xFFFF  }
0xa8: {  	_ =	strace $0x90000053  }
0xa9: {  	s0 =	stileid.u32;
	[bflag:$0x2] =	sbarrier.arrive $0xFFFF  }
0xaa: {  	p0 =	sne.s32 s0, $0x0;
	s0 =	rddreg [dreg:$0x4]  }
0xab: {  	s0 =	sadd.s32 @!p0 $0x100000, s0  }
0xac: {  	[sflag:s0] =	ssyncadd.tile.s32 @!p0 $0x1;
	_ =	shalt  }
.Lfunc_end2:
_tile_overlayer_lowered:
.L_overlay_start_2:
0xad: {  	(tag) =	ssettag $0x2  }
0xae: {  	s0 =	rddreg [dreg:$0x0];
	s2 =	stileid.u32  }
0xaf: {  	s1 =	rddreg [dreg:$0x1];
	p0 =	sne.s32 s2, $0x0  }
0xb0: {  	s3 =	rddreg [dreg:$0x2];
	[bflag:$0x3] =	sbarrier.arrive $0xFFFF;
	s2 =	simm.s32 @!p0 $0x1C0D  }
0xb1: {  	[timem:s3], [sflag:s2] =	dma.local @!p0 [hbm:s0], s1  }
0xb2: {  	s0 =	simm.s32 @!p0 $0xD  }
0xb3: {  	_ =	swait.ge @!p0 [sflag:s0], s1  }
0xb4: {  	s1 =	ssub.s32 @!p0 $0x0, s1;
	[sflag:s0] =	ssyncset.done @!p0 $0x0  }
0xb5: {  	[sflag:s0] =	ssyncadd.s32 @!p0 s1  }
0xb6: {  	[bflag:$0x3] =	sbarrier.arrive $0xFFFF  }
0xb7: {  	_ =	shalt  }

</sc_bundles>
